<compile_context>
chip_gen: v7x
topology: tpu7x:2x2x1
jax: 0.10.2.dev20260603
libtpu: 0.0.44.dev20260713+nightly
codegen_flags: <defaults>
</compile_context>

<pallas_src>
import functools

import jax
import jax.numpy as jnp
from jax import lax
from jax.experimental import pallas as pl
from jax.experimental.pallas import tpu as pltpu
from jax.experimental.pallas import tpu_sc as plsc

N = 10000
F = 128
H = 64
E = 320000
NC = 2
NS = 16
NP = 10240
RPT = NP // NS
EPT = E // (NC * NS)
K = 128
NB = E // K
BPT = NB // (NC * NS)
NBUF = 3
RCH = RPT // K
NH = NP // 2

_mesh = plsc.VectorSubcoreMesh(core_axis_name="c", subcore_axis_name="s")


def _mdst_transform(idx_ref, j):
    for c in range(K // 16):
        d = idx_ref[j, 1, pl.ds(c * 16, 16)]
        m = lax.shift_right_logical(d, 1) + jnp.bitwise_and(d, 1) * NH
        idx_ref[j, 1, pl.ds(c * 16, 16)] = m


@functools.partial(
    pl.kernel,
    mesh=_mesh,
    out_type=jax.ShapeDtypeStruct((NC * NP,), jnp.float32),
    compiler_params=pltpu.CompilerParams(use_tc_tiling_on_sc=False),
    scratch_types=[
        pltpu.VMEM((BPT, 2, K), jnp.int32),
        pltpu.VMEM((2, K), jnp.int32),
        pltpu.VMEM((K,), jnp.float32),
        pltpu.VMEM((RPT,), jnp.float32),
        pltpu.VMEM_SHARED((NP,), jnp.float32),
        pltpu.SemaphoreType.DMA,
    ],
)
def _deg_kernel(e3_hbm, zeros_hbm, ones_hbm, out_hbm, idx_v, ex_v, ones_v, wb_v,
                acc_sh, sem):
    cid = lax.axis_index("c")
    sid = lax.axis_index("s")
    w = cid * NS + sid
    pltpu.sync_copy(ones_hbm, ones_v)
    pltpu.sync_copy(zeros_hbm, wb_v)
    pltpu.sync_copy(wb_v, acc_sh.at[pl.ds(sid * RPT, RPT)])
    pltpu.sync_copy(e3_hbm.at[pl.ds(w * BPT, BPT)], idx_v)

    @pl.when(w < NB - NC * NS * BPT)
    def _():
        pltpu.sync_copy(e3_hbm.at[NC * NS * BPT + w], ex_v)

    plsc.subcore_barrier()

    def body(j, carry):
        _mdst_transform(idx_v, j)
        pltpu.async_copy(ones_v, acc_sh.at[idx_v.at[j, 1]], sem, add=True)

        @pl.when(j > 0)
        def _():
            pltpu.make_async_copy(ones_v, acc_sh.at[idx_v.at[0, 1]], sem).wait()

        return carry

    lax.fori_loop(0, BPT, body, 0)
    pltpu.make_async_copy(ones_v, acc_sh.at[idx_v.at[0, 1]], sem).wait()

    @pl.when(w < NB - NC * NS * BPT)
    def _():
        for c in range(K // 16):
            d = ex_v[1, pl.ds(c * 16, 16)]
            m = lax.shift_right_logical(d, 1) + jnp.bitwise_and(d, 1) * NH
            ex_v[1, pl.ds(c * 16, 16)] = m
        pltpu.sync_copy(ones_v, acc_sh.at[ex_v.at[1]], add=True)

    plsc.subcore_barrier()
    pltpu.sync_copy(acc_sh.at[pl.ds(sid * RPT, RPT)], wb_v)
    pltpu.sync_copy(wb_v, out_hbm.at[pl.ds(cid * NP + sid * RPT, RPT)])


@functools.partial(
    pl.kernel,
    mesh=_mesh,
    out_type=[
        jax.ShapeDtypeStruct((NP, H), jnp.float32),
        jax.ShapeDtypeStruct((NP, H), jnp.float32),
    ],
    compiler_params=pltpu.CompilerParams(use_tc_tiling_on_sc=False),
    scratch_types=[
        pltpu.VMEM((BPT, 2, K), jnp.int32),
        pltpu.VMEM((2, K), jnp.int32),
        [pltpu.VMEM((K, H), jnp.float32)] * NBUF,
        pltpu.VMEM_SHARED((NP, H), jnp.float32),
        [pltpu.SemaphoreType.DMA] * NBUF,
    ],
)
def _agg_kernel(g_hbm, e3_hbm, zeros_hbm, out0_hbm, out1_hbm,
                idx_v, ex_v, rows_v, acc_sh, sems):
    cid = lax.axis_index("c")
    sid = lax.axis_index("s")
    w = cid * NS + sid
    pltpu.sync_copy(zeros_hbm, rows_v[0])
    for r in range(RCH):
        pltpu.sync_copy(rows_v[0], acc_sh.at[pl.ds(sid * RPT + r * K, K)])
    pltpu.sync_copy(e3_hbm.at[pl.ds(w * BPT, BPT)], idx_v)

    @pl.when(w < NB - NC * NS * BPT)
    def _():
        pltpu.sync_copy(e3_hbm.at[NC * NS * BPT + w], ex_v)

    plsc.subcore_barrier()

    for b in range(NBUF):
        pltpu.async_copy(g_hbm.at[idx_v.at[b, 0]], rows_v[b], sems[b])

    def body(i, carry):
        j0 = NBUF * i
        for b in range(NBUF):
            j = j0 + b
            pltpu.make_async_copy(g_hbm.at[idx_v.at[j, 0]], rows_v[b], sems[b]).wait()
            pltpu.sync_copy(rows_v[b], acc_sh.at[idx_v.at[j, 1]], add=True)

            @pl.when(j + NBUF < BPT)
            def _():
                pltpu.async_copy(g_hbm.at[idx_v.at[j + NBUF, 0]], rows_v[b], sems[b])

        return carry

    lax.fori_loop(0, BPT // NBUF, body, 0)

    @pl.when(w < NB - NC * NS * BPT)
    def _():
        pltpu.sync_copy(g_hbm.at[ex_v.at[0]], rows_v[0])
        pltpu.sync_copy(rows_v[0], acc_sh.at[ex_v.at[1]], add=True)

    plsc.subcore_barrier()
    for r in range(RCH):
        b = r % NBUF
        pltpu.sync_copy(acc_sh.at[pl.ds(sid * RPT + r * K, K)], rows_v[b])

        @pl.when(cid == 0)
        def _():
            pltpu.sync_copy(rows_v[b], out0_hbm.at[pl.ds(sid * RPT + r * K, K)])

        @pl.when(cid == 1)
        def _():
            pltpu.sync_copy(rows_v[b], out1_hbm.at[pl.ds(sid * RPT + r * K, K)])




def _dinv_packed(deg_ref):
    de = lax.rsqrt(deg_ref[0:NH] + deg_ref[NP:NP + NH] + 1.0)
    do = lax.rsqrt(deg_ref[NH:NP] + deg_ref[NP + NH:2 * NP] + 1.0)
    return jnp.concatenate(
        [jnp.broadcast_to(jnp.reshape(de, (NH, 1)), (NH, H)),
         jnp.broadcast_to(jnp.reshape(do, (NH, 1)), (NH, H))], axis=1)


def _tc_first(deg_ref, xp_ref, w1d_ref, g_ref):
    dp = _dinv_packed(deg_ref)
    h = jnp.dot(xp_ref[...], w1d_ref[...], preferred_element_type=jnp.float32)
    g_ref[0:N // 2] = h * dp[0:N // 2]
    g_ref[N // 2:NH] = jnp.zeros((NH - N // 2, 2 * H), jnp.float32)


def _tc_mid(deg_ref, p0_ref, p1_ref, g_ref, b_ref, w2d_ref, g2_ref):
    dp = _dinv_packed(deg_ref)
    z = dp * (p0_ref[...] + p1_ref[...] + g_ref[...]) + b_ref[...]
    z = jnp.maximum(z, 0.0)
    g2_ref[...] = jnp.dot(z, w2d_ref[...], preferred_element_type=jnp.float32) * dp


def _tc_last(deg_ref, p0_ref, p1_ref, g_ref, b_ref, out_ref):
    z = _dinv_packed(deg_ref) * (p0_ref[...] + p1_ref[...] + g_ref[...]) + b_ref[...]
    out_ref[...] = jnp.maximum(z, 0.0)


def kernel(x, edge_index, W1, b1, W2, b2):
    ei = edge_index.astype(jnp.int32)
    e3 = ei.reshape(2, NB, K).transpose(1, 0, 2)

    zeros_row = jnp.zeros((RPT,), jnp.float32)
    ones_row = jnp.ones((K,), jnp.float32)
    zeros_blk = jnp.zeros((K, H), jnp.float32)

    deg = _deg_kernel(e3, zeros_row, ones_row)

    xp = x.reshape(N // 2, 2 * F)
    zf = jnp.zeros((F, H), jnp.float32)
    zh = jnp.zeros((H, H), jnp.float32)
    w1d = jnp.concatenate(
        [jnp.concatenate([W1, zf], axis=1), jnp.concatenate([zf, W1], axis=1)],
        axis=0)
    w2d = jnp.concatenate(
        [jnp.concatenate([W2, zh], axis=1), jnp.concatenate([zh, W2], axis=1)],
        axis=0)
    b1r = jnp.concatenate([b1, b1]).reshape(1, 2 * H)
    b2r = jnp.concatenate([b2, b2]).reshape(1, 2 * H)

    g1p = pl.pallas_call(
        _tc_first,
        out_shape=jax.ShapeDtypeStruct((NH, 2 * H), jnp.float32),
    )(deg, xp, w1d)

    p10, p11 = _agg_kernel(g1p.reshape(NP, H), e3, zeros_blk)

    g2p = pl.pallas_call(
        _tc_mid,
        out_shape=jax.ShapeDtypeStruct((NH, 2 * H), jnp.float32),
    )(deg, p10.reshape(NH, 2 * H), p11.reshape(NH, 2 * H), g1p, b1r, w2d)

    p20, p21 = _agg_kernel(g2p.reshape(NP, H), e3, zeros_blk)

    outp = pl.pallas_call(
        _tc_last,
        out_shape=jax.ShapeDtypeStruct((NH, 2 * H), jnp.float32),
    )(deg, p20.reshape(NH, 2 * H), p21.reshape(NH, 2 * H), g2p, b2r)

    return outp.reshape(NP, H)[:N]

# --- scband reference (transcript-rebuilt; emitter-appended) ---
"""Pipeline reference for scband-gnnspatial-model-45475113730093 (READ-ONLY COPY).

The authoritative reference and input builder live on the scoring server;
editing this copy changes nothing except your own understanding.
"""

import jax, jax.numpy as jnp
import numpy as np

NUM_NODES = 10000
NODE_FEATURES = 128
HIDDEN = 64
NUM_EDGES = 320000


def setup_inputs(seed: int = 0) -> dict:
    key = jax.random.key(seed)
    k_x, k_e, k_w1, k_b1, k_w2, k_b2 = jax.random.split(key, 6)
    x = jax.random.normal(k_x, (NUM_NODES, NODE_FEATURES), dtype=jnp.float32)
    edge_index = jax.random.randint(k_e, (2, NUM_EDGES), 0, NUM_NODES, dtype=jnp.int64)
    s1 = 1.0 / np.sqrt(NODE_FEATURES)
    s2 = 1.0 / np.sqrt(HIDDEN)
    W1 = jax.random.uniform(k_w1, (NODE_FEATURES, HIDDEN), dtype=jnp.float32, minval=-s1, maxval=s1)
    b1 = jax.random.uniform(k_b1, (HIDDEN,), dtype=jnp.float32, minval=-s1, maxval=s1)
    W2 = jax.random.uniform(k_w2, (HIDDEN, HIDDEN), dtype=jnp.float32, minval=-s2, maxval=s2)
    b2 = jax.random.uniform(k_b2, (HIDDEN,), dtype=jnp.float32, minval=-s2, maxval=s2)
    return {"x": x, "edge_index": edge_index, "W1": W1, "b1": b1, "W2": W2, "b2": b2}


def gcn_conv(x, src, dst, W, b, num_nodes):
    # GCNConv with added self-loops and symmetric normalization (PyG defaults)
    loop = jnp.arange(num_nodes, dtype=src.dtype)
    src_sl = jnp.concatenate([src, loop])
    dst_sl = jnp.concatenate([dst, loop])
    deg = jnp.zeros((num_nodes,), dtype=x.dtype).at[dst_sl].add(1.0)
    deg_inv_sqrt = jnp.where(deg > 0, jax.lax.rsqrt(deg), 0.0)
    norm = deg_inv_sqrt[src_sl] * deg_inv_sqrt[dst_sl]
    h = x @ W
    msgs = h[src_sl] * norm[:, None]
    out = jnp.zeros((num_nodes, W.shape[1]), dtype=x.dtype).at[dst_sl].add(msgs)
    return out + b


def reference(x, edge_index, W1, b1, W2, b2):
    num_nodes = x.shape[0]
    src = edge_index[0]
    dst = edge_index[1]
    h = gcn_conv(x, src, dst, W1, b1, num_nodes)
    h = jax.nn.relu(h)
    h = gcn_conv(h, src, dst, W2, b2, num_nodes)
    h = jax.nn.relu(h)
    return h

if __name__ == "__main__":
    import jax
    _d = setup_inputs()
    print(jax.jit(kernel)(*tuple(_d.values())))

</pallas_src>

<mosaic_0001>
#map = affine_map<(d0, d1) -> (0, 0)>
#map1 = affine_map<(d0, d1) -> (0, 0, 0)>
module attributes {stable_mosaic.version = 14 : i64} {
  func.func @_agg_kernel(%arg0: i32, %arg1: i32, %arg2: memref<10240x64xf32, #tpu.memory_space<hbm>>, %arg3: memref<2500x2x128xi32, #tpu.memory_space<hbm>>, %arg4: memref<128x64xf32, #tpu.memory_space<hbm>>, %arg5: memref<10240x64xf32, #tpu.memory_space<hbm>>, %arg6: memref<10240x64xf32, #tpu.memory_space<hbm>>, %arg7: memref<78x2x128xi32, #tpu.memory_space<vmem>>, %arg8: memref<2x128xi32, #tpu.memory_space<vmem>>, %arg9: memref<128x64xf32, #tpu.memory_space<vmem>>, %arg10: memref<128x64xf32, #tpu.memory_space<vmem>>, %arg11: memref<128x64xf32, #tpu.memory_space<vmem>>, %arg12: memref<10240x64xf32, #tpu.memory_space<vmem_shared>>, %arg13: memref<!tpu.dma_semaphore, #tpu.memory_space<semaphore_mem>>, %arg14: memref<!tpu.dma_semaphore, #tpu.memory_space<semaphore_mem>>, %arg15: memref<!tpu.dma_semaphore, #tpu.memory_space<semaphore_mem>>) attributes {dimension_semantics = [#tpu.dimension_semantics<core_parallel>, #tpu.dimension_semantics<subcore_parallel>], iteration_bounds = array<i64: 2, 16>, scalar_prefetch = 0 : i64, scratch_operands = 9 : i64, tpu.core_type = #tpu.core_type<sc_vector_subcore>, window_params = [{transform_indices = #map}, {transform_indices = #map1}, {transform_indices = #map}, {transform_indices = #map}, {transform_indices = #map}]} {
    %mul3A = arith.constant 16 : i32
    %mul3A_0 = arith.muli %arg0, %mul3A : i32
    %add3A = arith.addi %mul3A_0, %arg1 : i32
    "tpu.region"() ({
      %run_scoped3A = tpu.sem_alloc : memref<!tpu.dma_semaphore, #tpu.memory_space<semaphore_mem>>
      tpu.enqueue_dma source(%arg4 : memref<128x64xf32, #tpu.memory_space<hbm>>) target(%arg9 : memref<128x64xf32, #tpu.memory_space<vmem>>) target_semaphore(%run_scoped3A : memref<!tpu.dma_semaphore, #tpu.memory_space<semaphore_mem>>)
      tpu.wait_dma2 semaphore(%run_scoped3A : memref<!tpu.dma_semaphore, #tpu.memory_space<semaphore_mem>>) src(%arg4 : memref<128x64xf32, #tpu.memory_space<hbm>>) dst(%arg9 : memref<128x64xf32, #tpu.memory_space<vmem>>)
      tpu.yield
    }) : () -> ()
    %mul3A_1 = arith.constant 640 : i32
    %mul3A_2 = arith.muli %arg1, %mul3A_1 : i32
    %add3A_3 = arith.constant 0 : i32
    %add3A_4 = arith.addi %mul3A_2, %add3A_3 : i32
    "tpu.region"() ({
      %run_scoped3A = tpu.sem_alloc : memref<!tpu.dma_semaphore, #tpu.memory_space<semaphore_mem>>
      %dma_start3A_128 = arith.constant 0 : i32
      %dma_start3A_129 = tpu.memref_slice %arg12[%add3A_4, %dma_start3A_128] : memref<10240x64xf32, #tpu.memory_space<vmem_shared>> -> memref<128x64xf32, #tpu.memory_space<vmem_shared>>
      %dma_start3A_130 = arith.constant 0 : i32
      %dma_start3A_131 = tpu.memref_slice %arg12[%add3A_4, %dma_start3A_130] : memref<10240x64xf32, #tpu.memory_space<vmem_shared>> -> memref<128x64xf32, #tpu.memory_space<vmem_shared>>
      tpu.enqueue_dma source(%arg9 : memref<128x64xf32, #tpu.memory_space<vmem>>) target(%dma_start3A_131 : memref<128x64xf32, #tpu.memory_space<vmem_shared>>) target_semaphore(%run_scoped3A : memref<!tpu.dma_semaphore, #tpu.memory_space<semaphore_mem>>)
      %dma_wait3A = arith.constant 0 : i32
      %dma_wait3A_132 = tpu.memref_slice %arg12[%add3A_4, %dma_wait3A] : memref<10240x64xf32, #tpu.memory_space<vmem_shared>> -> memref<128x64xf32, #tpu.memory_space<vmem_shared>>
      %dma_wait3A_133 = arith.constant 0 : i32
      %dma_wait3A_134 = tpu.memref_slice %arg12[%add3A_4, %dma_wait3A_133] : memref<10240x64xf32, #tpu.memory_space<vmem_shared>> -> memref<128x64xf32, #tpu.memory_space<vmem_shared>>
      tpu.wait_dma2 semaphore(%run_scoped3A : memref<!tpu.dma_semaphore, #tpu.memory_space<semaphore_mem>>) src(%arg9 : memref<128x64xf32, #tpu.memory_space<vmem>>) dst(%dma_wait3A_134 : memref<128x64xf32, #tpu.memory_space<vmem_shared>>)
      tpu.yield
    }) : () -> ()
    %mul3A_5 = arith.constant 640 : i32
    %mul3A_6 = arith.muli %arg1, %mul3A_5 : i32
    %add3A_7 = arith.constant 128 : i32
    %add3A_8 = arith.addi %mul3A_6, %add3A_7 : i32
    "tpu.region"() ({
      %run_scoped3A = tpu.sem_alloc : memref<!tpu.dma_semaphore, #tpu.memory_space<semaphore_mem>>
      %dma_start3A_128 = arith.constant 0 : i32
      %dma_start3A_129 = tpu.memref_slice %arg12[%add3A_8, %dma_start3A_128] : memref<10240x64xf32, #tpu.memory_space<vmem_shared>> -> memref<128x64xf32, #tpu.memory_space<vmem_shared>>
      %dma_start3A_130 = arith.constant 0 : i32
      %dma_start3A_131 = tpu.memref_slice %arg12[%add3A_8, %dma_start3A_130] : memref<10240x64xf32, #tpu.memory_space<vmem_shared>> -> memref<128x64xf32, #tpu.memory_space<vmem_shared>>
      tpu.enqueue_dma source(%arg9 : memref<128x64xf32, #tpu.memory_space<vmem>>) target(%dma_start3A_131 : memref<128x64xf32, #tpu.memory_space<vmem_shared>>) target_semaphore(%run_scoped3A : memref<!tpu.dma_semaphore, #tpu.memory_space<semaphore_mem>>)
      %dma_wait3A = arith.constant 0 : i32
      %dma_wait3A_132 = tpu.memref_slice %arg12[%add3A_8, %dma_wait3A] : memref<10240x64xf32, #tpu.memory_space<vmem_shared>> -> memref<128x64xf32, #tpu.memory_space<vmem_shared>>
      %dma_wait3A_133 = arith.constant 0 : i32
      %dma_wait3A_134 = tpu.memref_slice %arg12[%add3A_8, %dma_wait3A_133] : memref<10240x64xf32, #tpu.memory_space<vmem_shared>> -> memref<128x64xf32, #tpu.memory_space<vmem_shared>>
      tpu.wait_dma2 semaphore(%run_scoped3A : memref<!tpu.dma_semaphore, #tpu.memory_space<semaphore_mem>>) src(%arg9 : memref<128x64xf32, #tpu.memory_space<vmem>>) dst(%dma_wait3A_134 : memref<128x64xf32, #tpu.memory_space<vmem_shared>>)
      tpu.yield
    }) : () -> ()
    %mul3A_9 = arith.constant 640 : i32
    %mul3A_10 = arith.muli %arg1, %mul3A_9 : i32
    %add3A_11 = arith.constant 256 : i32
    %add3A_12 = arith.addi %mul3A_10, %add3A_11 : i32
    "tpu.region"() ({
      %run_scoped3A = tpu.sem_alloc : memref<!tpu.dma_semaphore, #tpu.memory_space<semaphore_mem>>
      %dma_start3A_128 = arith.constant 0 : i32
      %dma_start3A_129 = tpu.memref_slice %arg12[%add3A_12, %dma_start3A_128] : memref<10240x64xf32, #tpu.memory_space<vmem_shared>> -> memref<128x64xf32, #tpu.memory_space<vmem_shared>>
      %dma_start3A_130 = arith.constant 0 : i32
      %dma_start3A_131 = tpu.memref_slice %arg12[%add3A_12, %dma_start3A_130] : memref<10240x64xf32, #tpu.memory_space<vmem_shared>> -> memref<128x64xf32, #tpu.memory_space<vmem_shared>>
      tpu.enqueue_dma source(%arg9 : memref<128x64xf32, #tpu.memory_space<vmem>>) target(%dma_start3A_131 : memref<128x64xf32, #tpu.memory_space<vmem_shared>>) target_semaphore(%run_scoped3A : memref<!tpu.dma_semaphore, #tpu.memory_space<semaphore_mem>>)
      %dma_wait3A = arith.constant 0 : i32
      %dma_wait3A_132 = tpu.memref_slice %arg12[%add3A_12, %dma_wait3A] : memref<10240x64xf32, #tpu.memory_space<vmem_shared>> -> memref<128x64xf32, #tpu.memory_space<vmem_shared>>
      %dma_wait3A_133 = arith.constant 0 : i32
      %dma_wait3A_134 = tpu.memref_slice %arg12[%add3A_12, %dma_wait3A_133] : memref<10240x64xf32, #tpu.memory_space<vmem_shared>> -> memref<128x64xf32, #tpu.memory_space<vmem_shared>>
      tpu.wait_dma2 semaphore(%run_scoped3A : memref<!tpu.dma_semaphore, #tpu.memory_space<semaphore_mem>>) src(%arg9 : memref<128x64xf32, #tpu.memory_space<vmem>>) dst(%dma_wait3A_134 : memref<128x64xf32, #tpu.memory_space<vmem_shared>>)
      tpu.yield
    }) : () -> ()
    %mul3A_13 = arith.constant 640 : i32
    %mul3A_14 = arith.muli %arg1, %mul3A_13 : i32
    %add3A_15 = arith.constant 384 : i32
    %add3A_16 = arith.addi %mul3A_14, %add3A_15 : i32
    "tpu.region"() ({
      %run_scoped3A = tpu.sem_alloc : memref<!tpu.dma_semaphore, #tpu.memory_space<semaphore_mem>>
      %dma_start3A_128 = arith.constant 0 : i32
      %dma_start3A_129 = tpu.memref_slice %arg12[%add3A_16, %dma_start3A_128] : memref<10240x64xf32, #tpu.memory_space<vmem_shared>> -> memref<128x64xf32, #tpu.memory_space<vmem_shared>>
      %dma_start3A_130 = arith.constant 0 : i32
      %dma_start3A_131 = tpu.memref_slice %arg12[%add3A_16, %dma_start3A_130] : memref<10240x64xf32, #tpu.memory_space<vmem_shared>> -> memref<128x64xf32, #tpu.memory_space<vmem_shared>>
      tpu.enqueue_dma source(%arg9 : memref<128x64xf32, #tpu.memory_space<vmem>>) target(%dma_start3A_131 : memref<128x64xf32, #tpu.memory_space<vmem_shared>>) target_semaphore(%run_scoped3A : memref<!tpu.dma_semaphore, #tpu.memory_space<semaphore_mem>>)
      %dma_wait3A = arith.constant 0 : i32
      %dma_wait3A_132 = tpu.memref_slice %arg12[%add3A_16, %dma_wait3A] : memref<10240x64xf32, #tpu.memory_space<vmem_shared>> -> memref<128x64xf32, #tpu.memory_space<vmem_shared>>
      %dma_wait3A_133 = arith.constant 0 : i32
      %dma_wait3A_134 = tpu.memref_slice %arg12[%add3A_16, %dma_wait3A_133] : memref<10240x64xf32, #tpu.memory_space<vmem_shared>> -> memref<128x64xf32, #tpu.memory_space<vmem_shared>>
      tpu.wait_dma2 semaphore(%run_scoped3A : memref<!tpu.dma_semaphore, #tpu.memory_space<semaphore_mem>>) src(%arg9 : memref<128x64xf32, #tpu.memory_space<vmem>>) dst(%dma_wait3A_134 : memref<128x64xf32, #tpu.memory_space<vmem_shared>>)
      tpu.yield
    }) : () -> ()
    %mul3A_17 = arith.constant 640 : i32
    %mul3A_18 = arith.muli %arg1, %mul3A_17 : i32
    %add3A_19 = arith.constant 512 : i32
    %add3A_20 = arith.addi %mul3A_18, %add3A_19 : i32
    "tpu.region"() ({
      %run_scoped3A = tpu.sem_alloc : memref<!tpu.dma_semaphore, #tpu.memory_space<semaphore_mem>>
      %dma_start3A_128 = arith.constant 0 : i32
      %dma_start3A_129 = tpu.memref_slice %arg12[%add3A_20, %dma_start3A_128] : memref<10240x64xf32, #tpu.memory_space<vmem_shared>> -> memref<128x64xf32, #tpu.memory_space<vmem_shared>>
      %dma_start3A_130 = arith.constant 0 : i32
      %dma_start3A_131 = tpu.memref_slice %arg12[%add3A_20, %dma_start3A_130] : memref<10240x64xf32, #tpu.memory_space<vmem_shared>> -> memref<128x64xf32, #tpu.memory_space<vmem_shared>>
      tpu.enqueue_dma source(%arg9 : memref<128x64xf32, #tpu.memory_space<vmem>>) target(%dma_start3A_131 : memref<128x64xf32, #tpu.memory_space<vmem_shared>>) target_semaphore(%run_scoped3A : memref<!tpu.dma_semaphore, #tpu.memory_space<semaphore_mem>>)
      %dma_wait3A = arith.constant 0 : i32
      %dma_wait3A_132 = tpu.memref_slice %arg12[%add3A_20, %dma_wait3A] : memref<10240x64xf32, #tpu.memory_space<vmem_shared>> -> memref<128x64xf32, #tpu.memory_space<vmem_shared>>
      %dma_wait3A_133 = arith.constant 0 : i32
      %dma_wait3A_134 = tpu.memref_slice %arg12[%add3A_20, %dma_wait3A_133] : memref<10240x64xf32, #tpu.memory_space<vmem_shared>> -> memref<128x64xf32, #tpu.memory_space<vmem_shared>>
      tpu.wait_dma2 semaphore(%run_scoped3A : memref<!tpu.dma_semaphore, #tpu.memory_space<semaphore_mem>>) src(%arg9 : memref<128x64xf32, #tpu.memory_space<vmem>>) dst(%dma_wait3A_134 : memref<128x64xf32, #tpu.memory_space<vmem_shared>>)
      tpu.yield
    }) : () -> ()
    %mul3A_21 = arith.constant 78 : i32
    %mul3A_22 = arith.muli %add3A, %mul3A_21 : i32
    "tpu.region"() ({
      %run_scoped3A = tpu.sem_alloc : memref<!tpu.dma_semaphore, #tpu.memory_space<semaphore_mem>>
      %dma_start3A_128 = arith.constant 0 : i32
      %dma_start3A_129 = arith.constant 0 : i32
      %dma_start3A_130 = tpu.memref_slice %arg3[%mul3A_22, %dma_start3A_128, %dma_start3A_129] : memref<2500x2x128xi32, #tpu.memory_space<hbm>> -> memref<78x2x128xi32, #tpu.memory_space<hbm>>
      %dma_start3A_131 = arith.constant 0 : i32
      %dma_start3A_132 = arith.constant 0 : i32
      %dma_start3A_133 = tpu.memref_slice %arg3[%mul3A_22, %dma_start3A_131, %dma_start3A_132] : memref<2500x2x128xi32, #tpu.memory_space<hbm>> -> memref<78x2x128xi32, #tpu.memory_space<hbm>>
      tpu.enqueue_dma source(%dma_start3A_133 : memref<78x2x128xi32, #tpu.memory_space<hbm>>) target(%arg7 : memref<78x2x128xi32, #tpu.memory_space<vmem>>) target_semaphore(%run_scoped3A : memref<!tpu.dma_semaphore, #tpu.memory_space<semaphore_mem>>)
      %dma_wait3A = arith.constant 0 : i32
      %dma_wait3A_134 = arith.constant 0 : i32
      %dma_wait3A_135 = tpu.memref_slice %arg3[%mul3A_22, %dma_wait3A, %dma_wait3A_134] : memref<2500x2x128xi32, #tpu.memory_space<hbm>> -> memref<78x2x128xi32, #tpu.memory_space<hbm>>
      %dma_wait3A_136 = arith.constant 0 : i32
      %dma_wait3A_137 = arith.constant 0 : i32
      %dma_wait3A_138 = tpu.memref_slice %arg3[%mul3A_22, %dma_wait3A_136, %dma_wait3A_137] : memref<2500x2x128xi32, #tpu.memory_space<hbm>> -> memref<78x2x128xi32, #tpu.memory_space<hbm>>
      tpu.wait_dma2 semaphore(%run_scoped3A : memref<!tpu.dma_semaphore, #tpu.memory_space<semaphore_mem>>) src(%dma_wait3A_138 : memref<78x2x128xi32, #tpu.memory_space<hbm>>) dst(%arg7 : memref<78x2x128xi32, #tpu.memory_space<vmem>>)
      tpu.yield
    }) : () -> ()
    %lt3A = arith.constant 4 : i32
    %lt3A_23 = arith.cmpi slt, %add3A, %lt3A : i32
    %convert_element_type3A = arith.extui %lt3A_23 : i1 to i32
    %cond3A = arith.constant 0 : i32
    %cond3A_24 = arith.cmpi ne, %convert_element_type3A, %cond3A : i32
    scf.if %cond3A_24 {
      %add3A_128 = arith.constant 2496 : i32
      %add3A_129 = arith.addi %add3A_128, %add3A : i32
      "tpu.region"() ({
        %run_scoped3A = tpu.sem_alloc : memref<!tpu.dma_semaphore, #tpu.memory_space<semaphore_mem>>
        %dma_start3A_130 = arith.constant 0 : i32
        %dma_start3A_131 = arith.constant 0 : i32
        %dma_start3A_132 = tpu.memref_slice %arg3[%add3A_129, %dma_start3A_130, %dma_start3A_131] : memref<2500x2x128xi32, #tpu.memory_space<hbm>> -> memref<1x2x128xi32, #tpu.memory_space<hbm>>
        %dma_start3A_133 = tpu.memref_squeeze %dma_start3A_132 : memref<1x2x128xi32, #tpu.memory_space<hbm>> -> memref<2x128xi32, #tpu.memory_space<hbm>>
        %dma_start3A_134 = arith.constant 0 : i32
        %dma_start3A_135 = arith.constant 0 : i32
        %dma_start3A_136 = tpu.memref_slice %arg3[%add3A_129, %dma_start3A_134, %dma_start3A_135] : memref<2500x2x128xi32, #tpu.memory_space<hbm>> -> memref<1x2x128xi32, #tpu.memory_space<hbm>>
        %dma_start3A_137 = tpu.memref_squeeze %dma_start3A_136 : memref<1x2x128xi32, #tpu.memory_space<hbm>> -> memref<2x128xi32, #tpu.memory_space<hbm>>
        tpu.enqueue_dma source(%dma_start3A_137 : memref<2x128xi32, #tpu.memory_space<hbm>>) target(%arg8 : memref<2x128xi32, #tpu.memory_space<vmem>>) target_semaphore(%run_scoped3A : memref<!tpu.dma_semaphore, #tpu.memory_space<semaphore_mem>>)
        %dma_wait3A = arith.constant 0 : i32
        %dma_wait3A_138 = arith.constant 0 : i32
        %dma_wait3A_139 = tpu.memref_slice %arg3[%add3A_129, %dma_wait3A, %dma_wait3A_138] : memref<2500x2x128xi32, #tpu.memory_space<hbm>> -> memref<1x2x128xi32, #tpu.memory_space<hbm>>
        %dma_wait3A_140 = tpu.memref_squeeze %dma_wait3A_139 : memref<1x2x128xi32, #tpu.memory_space<hbm>> -> memref<2x128xi32, #tpu.memory_space<hbm>>
        %dma_wait3A_141 = arith.constant 0 : i32
        %dma_wait3A_142 = arith.constant 0 : i32
        %dma_wait3A_143 = tpu.memref_slice %arg3[%add3A_129, %dma_wait3A_141, %dma_wait3A_142] : memref<2500x2x128xi32, #tpu.memory_space<hbm>> -> memref<1x2x128xi32, #tpu.memory_space<hbm>>
        %dma_wait3A_144 = tpu.memref_squeeze %dma_wait3A_143 : memref<1x2x128xi32, #tpu.memory_space<hbm>> -> memref<2x128xi32, #tpu.memory_space<hbm>>
        tpu.wait_dma2 semaphore(%run_scoped3A : memref<!tpu.dma_semaphore, #tpu.memory_space<semaphore_mem>>) src(%dma_wait3A_144 : memref<2x128xi32, #tpu.memory_space<hbm>>) dst(%arg8 : memref<2x128xi32, #tpu.memory_space<vmem>>)
        tpu.yield
      }) : () -> ()
    } else {
    }
    %barrier3A = arith.constant 0 : index
    tpu.barrier barrier_id(%barrier3A)
    %dma_start3A = arith.constant 0 : i32
    %dma_start3A_25 = arith.constant 0 : i32
    %dma_start3A_26 = arith.constant 0 : i32
    %dma_start3A_27 = tpu.memref_slice %arg7[%dma_start3A, %dma_start3A_25, %dma_start3A_26] : memref<78x2x128xi32, #tpu.memory_space<vmem>> -> memref<1x1x128xi32, #tpu.memory_space<vmem>>
    %dma_start3A_28 = tpu.memref_squeeze %dma_start3A_27 : memref<1x1x128xi32, #tpu.memory_space<vmem>> -> memref<128xi32, #tpu.memory_space<vmem>>
    %dma_start3A_29 = arith.constant 0 : i32
    %dma_start3A_30 = arith.constant 0 : i32
    %dma_start3A_31 = tpu.memref_slice %arg2[%dma_start3A_29, %dma_start3A_30] : memref<10240x64xf32, #tpu.memory_space<hbm>> -> memref<10240x64xf32, #tpu.memory_space<hbm>>
    tpu.enqueue_indirect_dma source(%dma_start3A_31 : memref<10240x64xf32, #tpu.memory_space<hbm>>) target(%arg9 : memref<128x64xf32, #tpu.memory_space<vmem>>) offsets(%dma_start3A_28 : memref<128xi32, #tpu.memory_space<vmem>>) semaphore(%arg13 : memref<!tpu.dma_semaphore, #tpu.memory_space<semaphore_mem>>)
    %dma_start3A_32 = arith.constant 1 : i32
    %dma_start3A_33 = arith.constant 0 : i32
    %dma_start3A_34 = arith.constant 0 : i32
    %dma_start3A_35 = tpu.memref_slice %arg7[%dma_start3A_32, %dma_start3A_33, %dma_start3A_34] : memref<78x2x128xi32, #tpu.memory_space<vmem>> -> memref<1x1x128xi32, #tpu.memory_space<vmem>>
    %dma_start3A_36 = tpu.memref_squeeze %dma_start3A_35 : memref<1x1x128xi32, #tpu.memory_space<vmem>> -> memref<128xi32, #tpu.memory_space<vmem>>
    %dma_start3A_37 = arith.constant 0 : i32
    %dma_start3A_38 = arith.constant 0 : i32
    %dma_start3A_39 = tpu.memref_slice %arg2[%dma_start3A_37, %dma_start3A_38] : memref<10240x64xf32, #tpu.memory_space<hbm>> -> memref<10240x64xf32, #tpu.memory_space<hbm>>
    tpu.enqueue_indirect_dma source(%dma_start3A_39 : memref<10240x64xf32, #tpu.memory_space<hbm>>) target(%arg10 : memref<128x64xf32, #tpu.memory_space<vmem>>) offsets(%dma_start3A_36 : memref<128xi32, #tpu.memory_space<vmem>>) semaphore(%arg14 : memref<!tpu.dma_semaphore, #tpu.memory_space<semaphore_mem>>)
    %dma_start3A_40 = arith.constant 2 : i32
    %dma_start3A_41 = arith.constant 0 : i32
    %dma_start3A_42 = arith.constant 0 : i32
    %dma_start3A_43 = tpu.memref_slice %arg7[%dma_start3A_40, %dma_start3A_41, %dma_start3A_42] : memref<78x2x128xi32, #tpu.memory_space<vmem>> -> memref<1x1x128xi32, #tpu.memory_space<vmem>>
    %dma_start3A_44 = tpu.memref_squeeze %dma_start3A_43 : memref<1x1x128xi32, #tpu.memory_space<vmem>> -> memref<128xi32, #tpu.memory_space<vmem>>
    %dma_start3A_45 = arith.constant 0 : i32
    %dma_start3A_46 = arith.constant 0 : i32
    %dma_start3A_47 = tpu.memref_slice %arg2[%dma_start3A_45, %dma_start3A_46] : memref<10240x64xf32, #tpu.memory_space<hbm>> -> memref<10240x64xf32, #tpu.memory_space<hbm>>
    tpu.enqueue_indirect_dma source(%dma_start3A_47 : memref<10240x64xf32, #tpu.memory_space<hbm>>) target(%arg11 : memref<128x64xf32, #tpu.memory_space<vmem>>) offsets(%dma_start3A_44 : memref<128xi32, #tpu.memory_space<vmem>>) semaphore(%arg15 : memref<!tpu.dma_semaphore, #tpu.memory_space<semaphore_mem>>)
    %scan3A = arith.constant 0 : i32
    %scan3A_48 = arith.constant 0 : i32
    %scan3A_49 = arith.constant 26 : i32
    %scan3A_50 = arith.addi %scan3A_48, %scan3A_49 : i32
    %scan3A_51 = arith.constant 1 : i32
    scf.for %scan3A_128 = %scan3A_48 to %scan3A_50 step %scan3A_51  : i32 {
      %mul3A_129 = arith.constant 3 : i32
      %mul3A_130 = arith.muli %mul3A_129, %scan3A_128 : i32
      %add3A_131 = arith.constant 0 : i32
      %add3A_132 = arith.addi %mul3A_130, %add3A_131 : i32
      %dma_wait3A = arith.constant 0 : i32
      %dma_wait3A_133 = arith.constant 0 : i32
      %dma_wait3A_134 = tpu.memref_slice %arg7[%add3A_132, %dma_wait3A, %dma_wait3A_133] : memref<78x2x128xi32, #tpu.memory_space<vmem>> -> memref<1x1x128xi32, #tpu.memory_space<vmem>>
      %dma_wait3A_135 = tpu.memref_squeeze %dma_wait3A_134 : memref<1x1x128xi32, #tpu.memory_space<vmem>> -> memref<128xi32, #tpu.memory_space<vmem>>
      %dma_wait3A_136 = arith.constant 0 : i32
      %dma_wait3A_137 = arith.constant 0 : i32
      %dma_wait3A_138 = tpu.memref_slice %arg2[%dma_wait3A_136, %dma_wait3A_137] : memref<10240x64xf32, #tpu.memory_space<hbm>> -> memref<10240x64xf32, #tpu.memory_space<hbm>>
      tpu.wait_indirect_dma semaphore(%arg13 : memref<!tpu.dma_semaphore, #tpu.memory_space<semaphore_mem>>) src(%dma_wait3A_138 : memref<10240x64xf32, #tpu.memory_space<hbm>>) dst(%arg9 : memref<128x64xf32, #tpu.memory_space<vmem>>)
      %run_scoped3A = arith.constant 1 : i32
      "tpu.region"() ({
        %run_scoped3A_180 = tpu.sem_alloc : memref<!tpu.dma_semaphore, #tpu.memory_space<semaphore_mem>>
        %dma_start3A_181 = arith.constant 0 : i32
        %dma_start3A_182 = tpu.memref_slice %arg7[%add3A_132, %run_scoped3A, %dma_start3A_181] : memref<78x2x128xi32, #tpu.memory_space<vmem>> -> memref<1x1x128xi32, #tpu.memory_space<vmem>>
        %dma_start3A_183 = tpu.memref_squeeze %dma_start3A_182 : memref<1x1x128xi32, #tpu.memory_space<vmem>> -> memref<128xi32, #tpu.memory_space<vmem>>
        %dma_start3A_184 = arith.constant 0 : i32
        %dma_start3A_185 = arith.constant 0 : i32
        %dma_start3A_186 = tpu.memref_slice %arg12[%dma_start3A_184, %dma_start3A_185] : memref<10240x64xf32, #tpu.memory_space<vmem_shared>> -> memref<10240x64xf32, #tpu.memory_space<vmem_shared>>
        tpu.enqueue_indirect_dma source(%arg9 : memref<128x64xf32, #tpu.memory_space<vmem>>) target(%dma_start3A_186 : memref<10240x64xf32, #tpu.memory_space<vmem_shared>>) offsets(%dma_start3A_183 : memref<128xi32, #tpu.memory_space<vmem>>) semaphore(%run_scoped3A_180 : memref<!tpu.dma_semaphore, #tpu.memory_space<semaphore_mem>>) {add = true}
        %dma_wait3A_187 = arith.constant 0 : i32
        %dma_wait3A_188 = tpu.memref_slice %arg7[%add3A_132, %run_scoped3A, %dma_wait3A_187] : memref<78x2x128xi32, #tpu.memory_space<vmem>> -> memref<1x1x128xi32, #tpu.memory_space<vmem>>
        %dma_wait3A_189 = tpu.memref_squeeze %dma_wait3A_188 : memref<1x1x128xi32, #tpu.memory_space<vmem>> -> memref<128xi32, #tpu.memory_space<vmem>>
        %dma_wait3A_190 = arith.constant 0 : i32
        %dma_wait3A_191 = arith.constant 0 : i32
        %dma_wait3A_192 = tpu.memref_slice %arg12[%dma_wait3A_190, %dma_wait3A_191] : memref<10240x64xf32, #tpu.memory_space<vmem_shared>> -> memref<10240x64xf32, #tpu.memory_space<vmem_shared>>
        tpu.wait_indirect_dma semaphore(%run_scoped3A_180 : memref<!tpu.dma_semaphore, #tpu.memory_space<semaphore_mem>>) src(%arg9 : memref<128x64xf32, #tpu.memory_space<vmem>>) dst(%dma_wait3A_192 : memref<10240x64xf32, #tpu.memory_space<vmem_shared>>)
        tpu.yield
      }) : () -> ()
      %add3A_139 = arith.constant 3 : i32
      %add3A_140 = arith.addi %add3A_132, %add3A_139 : i32
      %lt3A_141 = arith.constant 78 : i32
      %lt3A_142 = arith.cmpi slt, %add3A_140, %lt3A_141 : i32
      %convert_element_type3A_143 = arith.extui %lt3A_142 : i1 to i32
      %cond3A_144 = arith.constant 0 : i32
      %cond3A_145 = arith.cmpi ne, %convert_element_type3A_143, %cond3A_144 : i32
      scf.if %cond3A_145 {
        %add3A_180 = arith.constant 3 : i32
        %add3A_181 = arith.addi %add3A_132, %add3A_180 : i32
        %dma_start3A_182 = arith.constant 0 : i32
        %dma_start3A_183 = arith.constant 0 : i32
        %dma_start3A_184 = tpu.memref_slice %arg7[%add3A_181, %dma_start3A_182, %dma_start3A_183] : memref<78x2x128xi32, #tpu.memory_space<vmem>> -> memref<1x1x128xi32, #tpu.memory_space<vmem>>
        %dma_start3A_185 = tpu.memref_squeeze %dma_start3A_184 : memref<1x1x128xi32, #tpu.memory_space<vmem>> -> memref<128xi32, #tpu.memory_space<vmem>>
        %dma_start3A_186 = arith.constant 0 : i32
        %dma_start3A_187 = arith.constant 0 : i32
        %dma_start3A_188 = tpu.memref_slice %arg2[%dma_start3A_186, %dma_start3A_187] : memref<10240x64xf32, #tpu.memory_space<hbm>> -> memref<10240x64xf32, #tpu.memory_space<hbm>>
        tpu.enqueue_indirect_dma source(%dma_start3A_188 : memref<10240x64xf32, #tpu.memory_space<hbm>>) target(%arg9 : memref<128x64xf32, #tpu.memory_space<vmem>>) offsets(%dma_start3A_185 : memref<128xi32, #tpu.memory_space<vmem>>) semaphore(%arg13 : memref<!tpu.dma_semaphore, #tpu.memory_space<semaphore_mem>>)
      } else {
      }
      %add3A_146 = arith.constant 1 : i32
      %add3A_147 = arith.addi %mul3A_130, %add3A_146 : i32
      %dma_wait3A_148 = arith.constant 0 : i32
      %dma_wait3A_149 = arith.constant 0 : i32
      %dma_wait3A_150 = tpu.memref_slice %arg7[%add3A_147, %dma_wait3A_148, %dma_wait3A_149] : memref<78x2x128xi32, #tpu.memory_space<vmem>> -> memref<1x1x128xi32, #tpu.memory_space<vmem>>
      %dma_wait3A_151 = tpu.memref_squeeze %dma_wait3A_150 : memref<1x1x128xi32, #tpu.memory_space<vmem>> -> memref<128xi32, #tpu.memory_space<vmem>>
      %dma_wait3A_152 = arith.constant 0 : i32
      %dma_wait3A_153 = arith.constant 0 : i32
      %dma_wait3A_154 = tpu.memref_slice %arg2[%dma_wait3A_152, %dma_wait3A_153] : memref<10240x64xf32, #tpu.memory_space<hbm>> -> memref<10240x64xf32, #tpu.memory_space<hbm>>
      tpu.wait_indirect_dma semaphore(%arg14 : memref<!tpu.dma_semaphore, #tpu.memory_space<semaphore_mem>>) src(%dma_wait3A_154 : memref<10240x64xf32, #tpu.memory_space<hbm>>) dst(%arg10 : memref<128x64xf32, #tpu.memory_space<vmem>>)
      %run_scoped3A_155 = arith.constant 1 : i32
      "tpu.region"() ({
        %run_scoped3A_180 = tpu.sem_alloc : memref<!tpu.dma_semaphore, #tpu.memory_space<semaphore_mem>>
        %dma_start3A_181 = arith.constant 0 : i32
        %dma_start3A_182 = tpu.memref_slice %arg7[%add3A_147, %run_scoped3A_155, %dma_start3A_181] : memref<78x2x128xi32, #tpu.memory_space<vmem>> -> memref<1x1x128xi32, #tpu.memory_space<vmem>>
        %dma_start3A_183 = tpu.memref_squeeze %dma_start3A_182 : memref<1x1x128xi32, #tpu.memory_space<vmem>> -> memref<128xi32, #tpu.memory_space<vmem>>
        %dma_start3A_184 = arith.constant 0 : i32
        %dma_start3A_185 = arith.constant 0 : i32
        %dma_start3A_186 = tpu.memref_slice %arg12[%dma_start3A_184, %dma_start3A_185] : memref<10240x64xf32, #tpu.memory_space<vmem_shared>> -> memref<10240x64xf32, #tpu.memory_space<vmem_shared>>
        tpu.enqueue_indirect_dma source(%arg10 : memref<128x64xf32, #tpu.memory_space<vmem>>) target(%dma_start3A_186 : memref<10240x64xf32, #tpu.memory_space<vmem_shared>>) offsets(%dma_start3A_183 : memref<128xi32, #tpu.memory_space<vmem>>) semaphore(%run_scoped3A_180 : memref<!tpu.dma_semaphore, #tpu.memory_space<semaphore_mem>>) {add = true}
        %dma_wait3A_187 = arith.constant 0 : i32
        %dma_wait3A_188 = tpu.memref_slice %arg7[%add3A_147, %run_scoped3A_155, %dma_wait3A_187] : memref<78x2x128xi32, #tpu.memory_space<vmem>> -> memref<1x1x128xi32, #tpu.memory_space<vmem>>
        %dma_wait3A_189 = tpu.memref_squeeze %dma_wait3A_188 : memref<1x1x128xi32, #tpu.memory_space<vmem>> -> memref<128xi32, #tpu.memory_space<vmem>>
        %dma_wait3A_190 = arith.constant 0 : i32
        %dma_wait3A_191 = arith.constant 0 : i32
        %dma_wait3A_192 = tpu.memref_slice %arg12[%dma_wait3A_190, %dma_wait3A_191] : memref<10240x64xf32, #tpu.memory_space<vmem_shared>> -> memref<10240x64xf32, #tpu.memory_space<vmem_shared>>
        tpu.wait_indirect_dma semaphore(%run_scoped3A_180 : memref<!tpu.dma_semaphore, #tpu.memory_space<semaphore_mem>>) src(%arg10 : memref<128x64xf32, #tpu.memory_space<vmem>>) dst(%dma_wait3A_192 : memref<10240x64xf32, #tpu.memory_space<vmem_shared>>)
        tpu.yield
      }) : () -> ()
      %add3A_156 = arith.constant 3 : i32
      %add3A_157 = arith.addi %add3A_147, %add3A_156 : i32
      %lt3A_158 = arith.constant 78 : i32
      %lt3A_159 = arith.cmpi slt, %add3A_157, %lt3A_158 : i32
      %convert_element_type3A_160 = arith.extui %lt3A_159 : i1 to i32
      %cond3A_161 = arith.constant 0 : i32
      %cond3A_162 = arith.cmpi ne, %convert_element_type3A_160, %cond3A_161 : i32
      scf.if %cond3A_162 {
        %add3A_180 = arith.constant 3 : i32
        %add3A_181 = arith.addi %add3A_147, %add3A_180 : i32
        %dma_start3A_182 = arith.constant 0 : i32
        %dma_start3A_183 = arith.constant 0 : i32
        %dma_start3A_184 = tpu.memref_slice %arg7[%add3A_181, %dma_start3A_182, %dma_start3A_183] : memref<78x2x128xi32, #tpu.memory_space<vmem>> -> memref<1x1x128xi32, #tpu.memory_space<vmem>>
        %dma_start3A_185 = tpu.memref_squeeze %dma_start3A_184 : memref<1x1x128xi32, #tpu.memory_space<vmem>> -> memref<128xi32, #tpu.memory_space<vmem>>
        %dma_start3A_186 = arith.constant 0 : i32
        %dma_start3A_187 = arith.constant 0 : i32
        %dma_start3A_188 = tpu.memref_slice %arg2[%dma_start3A_186, %dma_start3A_187] : memref<10240x64xf32, #tpu.memory_space<hbm>> -> memref<10240x64xf32, #tpu.memory_space<hbm>>
        tpu.enqueue_indirect_dma source(%dma_start3A_188 : memref<10240x64xf32, #tpu.memory_space<hbm>>) target(%arg10 : memref<128x64xf32, #tpu.memory_space<vmem>>) offsets(%dma_start3A_185 : memref<128xi32, #tpu.memory_space<vmem>>) semaphore(%arg14 : memref<!tpu.dma_semaphore, #tpu.memory_space<semaphore_mem>>)
      } else {
      }
      %add3A_163 = arith.constant 2 : i32
      %add3A_164 = arith.addi %mul3A_130, %add3A_163 : i32
      %dma_wait3A_165 = arith.constant 0 : i32
      %dma_wait3A_166 = arith.constant 0 : i32
      %dma_wait3A_167 = tpu.memref_slice %arg7[%add3A_164, %dma_wait3A_165, %dma_wait3A_166] : memref<78x2x128xi32, #tpu.memory_space<vmem>> -> memref<1x1x128xi32, #tpu.memory_space<vmem>>
      %dma_wait3A_168 = tpu.memref_squeeze %dma_wait3A_167 : memref<1x1x128xi32, #tpu.memory_space<vmem>> -> memref<128xi32, #tpu.memory_space<vmem>>
      %dma_wait3A_169 = arith.constant 0 : i32
      %dma_wait3A_170 = arith.constant 0 : i32
      %dma_wait3A_171 = tpu.memref_slice %arg2[%dma_wait3A_169, %dma_wait3A_170] : memref<10240x64xf32, #tpu.memory_space<hbm>> -> memref<10240x64xf32, #tpu.memory_space<hbm>>
      tpu.wait_indirect_dma semaphore(%arg15 : memref<!tpu.dma_semaphore, #tpu.memory_space<semaphore_mem>>) src(%dma_wait3A_171 : memref<10240x64xf32, #tpu.memory_space<hbm>>) dst(%arg11 : memref<128x64xf32, #tpu.memory_space<vmem>>)
      %run_scoped3A_172 = arith.constant 1 : i32
      "tpu.region"() ({
        %run_scoped3A_180 = tpu.sem_alloc : memref<!tpu.dma_semaphore, #tpu.memory_space<semaphore_mem>>
        %dma_start3A_181 = arith.constant 0 : i32
        %dma_start3A_182 = tpu.memref_slice %arg7[%add3A_164, %run_scoped3A_172, %dma_start3A_181] : memref<78x2x128xi32, #tpu.memory_space<vmem>> -> memref<1x1x128xi32, #tpu.memory_space<vmem>>
        %dma_start3A_183 = tpu.memref_squeeze %dma_start3A_182 : memref<1x1x128xi32, #tpu.memory_space<vmem>> -> memref<128xi32, #tpu.memory_space<vmem>>
        %dma_start3A_184 = arith.constant 0 : i32
        %dma_start3A_185 = arith.constant 0 : i32
        %dma_start3A_186 = tpu.memref_slice %arg12[%dma_start3A_184, %dma_start3A_185] : memref<10240x64xf32, #tpu.memory_space<vmem_shared>> -> memref<10240x64xf32, #tpu.memory_space<vmem_shared>>
        tpu.enqueue_indirect_dma source(%arg11 : memref<128x64xf32, #tpu.memory_space<vmem>>) target(%dma_start3A_186 : memref<10240x64xf32, #tpu.memory_space<vmem_shared>>) offsets(%dma_start3A_183 : memref<128xi32, #tpu.memory_space<vmem>>) semaphore(%run_scoped3A_180 : memref<!tpu.dma_semaphore, #tpu.memory_space<semaphore_mem>>) {add = true}
        %dma_wait3A_187 = arith.constant 0 : i32
        %dma_wait3A_188 = tpu.memref_slice %arg7[%add3A_164, %run_scoped3A_172, %dma_wait3A_187] : memref<78x2x128xi32, #tpu.memory_space<vmem>> -> memref<1x1x128xi32, #tpu.memory_space<vmem>>
        %dma_wait3A_189 = tpu.memref_squeeze %dma_wait3A_188 : memref<1x1x128xi32, #tpu.memory_space<vmem>> -> memref<128xi32, #tpu.memory_space<vmem>>
        %dma_wait3A_190 = arith.constant 0 : i32
        %dma_wait3A_191 = arith.constant 0 : i32
        %dma_wait3A_192 = tpu.memref_slice %arg12[%dma_wait3A_190, %dma_wait3A_191] : memref<10240x64xf32, #tpu.memory_space<vmem_shared>> -> memref<10240x64xf32, #tpu.memory_space<vmem_shared>>
        tpu.wait_indirect_dma semaphore(%run_scoped3A_180 : memref<!tpu.dma_semaphore, #tpu.memory_space<semaphore_mem>>) src(%arg11 : memref<128x64xf32, #tpu.memory_space<vmem>>) dst(%dma_wait3A_192 : memref<10240x64xf32, #tpu.memory_space<vmem_shared>>)
        tpu.yield
      }) : () -> ()
      %add3A_173 = arith.constant 3 : i32
      %add3A_174 = arith.addi %add3A_164, %add3A_173 : i32
      %lt3A_175 = arith.constant 78 : i32
      %lt3A_176 = arith.cmpi slt, %add3A_174, %lt3A_175 : i32
      %convert_element_type3A_177 = arith.extui %lt3A_176 : i1 to i32
      %cond3A_178 = arith.constant 0 : i32
      %cond3A_179 = arith.cmpi ne, %convert_element_type3A_177, %cond3A_178 : i32
      scf.if %cond3A_179 {
        %add3A_180 = arith.constant 3 : i32
        %add3A_181 = arith.addi %add3A_164, %add3A_180 : i32
        %dma_start3A_182 = arith.constant 0 : i32
        %dma_start3A_183 = arith.constant 0 : i32
        %dma_start3A_184 = tpu.memref_slice %arg7[%add3A_181, %dma_start3A_182, %dma_start3A_183] : memref<78x2x128xi32, #tpu.memory_space<vmem>> -> memref<1x1x128xi32, #tpu.memory_space<vmem>>
        %dma_start3A_185 = tpu.memref_squeeze %dma_start3A_184 : memref<1x1x128xi32, #tpu.memory_space<vmem>> -> memref<128xi32, #tpu.memory_space<vmem>>
        %dma_start3A_186 = arith.constant 0 : i32
        %dma_start3A_187 = arith.constant 0 : i32
        %dma_start3A_188 = tpu.memref_slice %arg2[%dma_start3A_186, %dma_start3A_187] : memref<10240x64xf32, #tpu.memory_space<hbm>> -> memref<10240x64xf32, #tpu.memory_space<hbm>>
        tpu.enqueue_indirect_dma source(%dma_start3A_188 : memref<10240x64xf32, #tpu.memory_space<hbm>>) target(%arg11 : memref<128x64xf32, #tpu.memory_space<vmem>>) offsets(%dma_start3A_185 : memref<128xi32, #tpu.memory_space<vmem>>) semaphore(%arg15 : memref<!tpu.dma_semaphore, #tpu.memory_space<semaphore_mem>>)
      } else {
      }
    }
    %scan3A_52 = arith.constant 26 : i32
    %lt3A_53 = arith.constant 4 : i32
    %lt3A_54 = arith.cmpi slt, %add3A, %lt3A_53 : i32
    %convert_element_type3A_55 = arith.extui %lt3A_54 : i1 to i32
    %cond3A_56 = arith.constant 0 : i32
    %cond3A_57 = arith.cmpi ne, %convert_element_type3A_55, %cond3A_56 : i32
    scf.if %cond3A_57 {
      %run_scoped3A = arith.constant 0 : i32
      "tpu.region"() ({
        %run_scoped3A_129 = tpu.sem_alloc : memref<!tpu.dma_semaphore, #tpu.memory_space<semaphore_mem>>
        %dma_start3A_130 = arith.constant 0 : i32
        %dma_start3A_131 = tpu.memref_slice %arg8[%run_scoped3A, %dma_start3A_130] : memref<2x128xi32, #tpu.memory_space<vmem>> -> memref<1x128xi32, #tpu.memory_space<vmem>>
        %dma_start3A_132 = tpu.memref_squeeze %dma_start3A_131 : memref<1x128xi32, #tpu.memory_space<vmem>> -> memref<128xi32, #tpu.memory_space<vmem>>
        %dma_start3A_133 = arith.constant 0 : i32
        %dma_start3A_134 = arith.constant 0 : i32
        %dma_start3A_135 = tpu.memref_slice %arg2[%dma_start3A_133, %dma_start3A_134] : memref<10240x64xf32, #tpu.memory_space<hbm>> -> memref<10240x64xf32, #tpu.memory_space<hbm>>
        tpu.enqueue_indirect_dma source(%dma_start3A_135 : memref<10240x64xf32, #tpu.memory_space<hbm>>) target(%arg9 : memref<128x64xf32, #tpu.memory_space<vmem>>) offsets(%dma_start3A_132 : memref<128xi32, #tpu.memory_space<vmem>>) semaphore(%run_scoped3A_129 : memref<!tpu.dma_semaphore, #tpu.memory_space<semaphore_mem>>)
        %dma_wait3A = arith.constant 0 : i32
        %dma_wait3A_136 = tpu.memref_slice %arg8[%run_scoped3A, %dma_wait3A] : memref<2x128xi32, #tpu.memory_space<vmem>> -> memref<1x128xi32, #tpu.memory_space<vmem>>
        %dma_wait3A_137 = tpu.memref_squeeze %dma_wait3A_136 : memref<1x128xi32, #tpu.memory_space<vmem>> -> memref<128xi32, #tpu.memory_space<vmem>>
        %dma_wait3A_138 = arith.constant 0 : i32
        %dma_wait3A_139 = arith.constant 0 : i32
        %dma_wait3A_140 = tpu.memref_slice %arg2[%dma_wait3A_138, %dma_wait3A_139] : memref<10240x64xf32, #tpu.memory_space<hbm>> -> memref<10240x64xf32, #tpu.memory_space<hbm>>
        tpu.wait_indirect_dma semaphore(%run_scoped3A_129 : memref<!tpu.dma_semaphore, #tpu.memory_space<semaphore_mem>>) src(%dma_wait3A_140 : memref<10240x64xf32, #tpu.memory_space<hbm>>) dst(%arg9 : memref<128x64xf32, #tpu.memory_space<vmem>>)
        tpu.yield
      }) : () -> ()
      %run_scoped3A_128 = arith.constant 1 : i32
      "tpu.region"() ({
        %run_scoped3A_129 = tpu.sem_alloc : memref<!tpu.dma_semaphore, #tpu.memory_space<semaphore_mem>>
        %dma_start3A_130 = arith.constant 0 : i32
        %dma_start3A_131 = tpu.memref_slice %arg8[%run_scoped3A_128, %dma_start3A_130] : memref<2x128xi32, #tpu.memory_space<vmem>> -> memref<1x128xi32, #tpu.memory_space<vmem>>
        %dma_start3A_132 = tpu.memref_squeeze %dma_start3A_131 : memref<1x128xi32, #tpu.memory_space<vmem>> -> memref<128xi32, #tpu.memory_space<vmem>>
        %dma_start3A_133 = arith.constant 0 : i32
        %dma_start3A_134 = arith.constant 0 : i32
        %dma_start3A_135 = tpu.memref_slice %arg12[%dma_start3A_133, %dma_start3A_134] : memref<10240x64xf32, #tpu.memory_space<vmem_shared>> -> memref<10240x64xf32, #tpu.memory_space<vmem_shared>>
        tpu.enqueue_indirect_dma source(%arg9 : memref<128x64xf32, #tpu.memory_space<vmem>>) target(%dma_start3A_135 : memref<10240x64xf32, #tpu.memory_space<vmem_shared>>) offsets(%dma_start3A_132 : memref<128xi32, #tpu.memory_space<vmem>>) semaphore(%run_scoped3A_129 : memref<!tpu.dma_semaphore, #tpu.memory_space<semaphore_mem>>) {add = true}
        %dma_wait3A = arith.constant 0 : i32
        %dma_wait3A_136 = tpu.memref_slice %arg8[%run_scoped3A_128, %dma_wait3A] : memref<2x128xi32, #tpu.memory_space<vmem>> -> memref<1x128xi32, #tpu.memory_space<vmem>>
        %dma_wait3A_137 = tpu.memref_squeeze %dma_wait3A_136 : memref<1x128xi32, #tpu.memory_space<vmem>> -> memref<128xi32, #tpu.memory_space<vmem>>
        %dma_wait3A_138 = arith.constant 0 : i32
        %dma_wait3A_139 = arith.constant 0 : i32
        %dma_wait3A_140 = tpu.memref_slice %arg12[%dma_wait3A_138, %dma_wait3A_139] : memref<10240x64xf32, #tpu.memory_space<vmem_shared>> -> memref<10240x64xf32, #tpu.memory_space<vmem_shared>>
        tpu.wait_indirect_dma semaphore(%run_scoped3A_129 : memref<!tpu.dma_semaphore, #tpu.memory_space<semaphore_mem>>) src(%arg9 : memref<128x64xf32, #tpu.memory_space<vmem>>) dst(%dma_wait3A_140 : memref<10240x64xf32, #tpu.memory_space<vmem_shared>>)
        tpu.yield
      }) : () -> ()
    } else {
    }
    %barrier3A_58 = arith.constant 0 : index
    tpu.barrier barrier_id(%barrier3A_58)
    %mul3A_59 = arith.constant 640 : i32
    %mul3A_60 = arith.muli %arg1, %mul3A_59 : i32
    %add3A_61 = arith.constant 0 : i32
    %add3A_62 = arith.addi %mul3A_60, %add3A_61 : i32
    "tpu.region"() ({
      %run_scoped3A = tpu.sem_alloc : memref<!tpu.dma_semaphore, #tpu.memory_space<semaphore_mem>>
      %dma_start3A_128 = arith.constant 0 : i32
      %dma_start3A_129 = tpu.memref_slice %arg12[%add3A_62, %dma_start3A_128] : memref<10240x64xf32, #tpu.memory_space<vmem_shared>> -> memref<128x64xf32, #tpu.memory_space<vmem_shared>>
      %dma_start3A_130 = arith.constant 0 : i32
      %dma_start3A_131 = tpu.memref_slice %arg12[%add3A_62, %dma_start3A_130] : memref<10240x64xf32, #tpu.memory_space<vmem_shared>> -> memref<128x64xf32, #tpu.memory_space<vmem_shared>>
      tpu.enqueue_dma source(%dma_start3A_131 : memref<128x64xf32, #tpu.memory_space<vmem_shared>>) target(%arg9 : memref<128x64xf32, #tpu.memory_space<vmem>>) target_semaphore(%run_scoped3A : memref<!tpu.dma_semaphore, #tpu.memory_space<semaphore_mem>>)
      %dma_wait3A = arith.constant 0 : i32
      %dma_wait3A_132 = tpu.memref_slice %arg12[%add3A_62, %dma_wait3A] : memref<10240x64xf32, #tpu.memory_space<vmem_shared>> -> memref<128x64xf32, #tpu.memory_space<vmem_shared>>
      %dma_wait3A_133 = arith.constant 0 : i32
      %dma_wait3A_134 = tpu.memref_slice %arg12[%add3A_62, %dma_wait3A_133] : memref<10240x64xf32, #tpu.memory_space<vmem_shared>> -> memref<128x64xf32, #tpu.memory_space<vmem_shared>>
      tpu.wait_dma2 semaphore(%run_scoped3A : memref<!tpu.dma_semaphore, #tpu.memory_space<semaphore_mem>>) src(%dma_wait3A_134 : memref<128x64xf32, #tpu.memory_space<vmem_shared>>) dst(%arg9 : memref<128x64xf32, #tpu.memory_space<vmem>>)
      tpu.yield
    }) : () -> ()
    %eq3A = arith.constant 0 : i32
    %eq3A_63 = arith.cmpi eq, %arg0, %eq3A : i32
    %convert_element_type3A_64 = arith.extui %eq3A_63 : i1 to i32
    %cond3A_65 = arith.constant 0 : i32
    %cond3A_66 = arith.cmpi ne, %convert_element_type3A_64, %cond3A_65 : i32
    scf.if %cond3A_66 {
      %mul3A_128 = arith.constant 640 : i32
      %mul3A_129 = arith.muli %arg1, %mul3A_128 : i32
      %add3A_130 = arith.constant 0 : i32
      %add3A_131 = arith.addi %mul3A_129, %add3A_130 : i32
      "tpu.region"() ({
        %run_scoped3A = tpu.sem_alloc : memref<!tpu.dma_semaphore, #tpu.memory_space<semaphore_mem>>
        %dma_start3A_132 = arith.constant 0 : i32
        %dma_start3A_133 = tpu.memref_slice %arg5[%add3A_131, %dma_start3A_132] : memref<10240x64xf32, #tpu.memory_space<hbm>> -> memref<128x64xf32, #tpu.memory_space<hbm>>
        %dma_start3A_134 = arith.constant 0 : i32
        %dma_start3A_135 = tpu.memref_slice %arg5[%add3A_131, %dma_start3A_134] : memref<10240x64xf32, #tpu.memory_space<hbm>> -> memref<128x64xf32, #tpu.memory_space<hbm>>
        tpu.enqueue_dma source(%arg9 : memref<128x64xf32, #tpu.memory_space<vmem>>) target(%dma_start3A_135 : memref<128x64xf32, #tpu.memory_space<hbm>>) target_semaphore(%run_scoped3A : memref<!tpu.dma_semaphore, #tpu.memory_space<semaphore_mem>>)
        %dma_wait3A = arith.constant 0 : i32
        %dma_wait3A_136 = tpu.memref_slice %arg5[%add3A_131, %dma_wait3A] : memref<10240x64xf32, #tpu.memory_space<hbm>> -> memref<128x64xf32, #tpu.memory_space<hbm>>
        %dma_wait3A_137 = arith.constant 0 : i32
        %dma_wait3A_138 = tpu.memref_slice %arg5[%add3A_131, %dma_wait3A_137] : memref<10240x64xf32, #tpu.memory_space<hbm>> -> memref<128x64xf32, #tpu.memory_space<hbm>>
        tpu.wait_dma2 semaphore(%run_scoped3A : memref<!tpu.dma_semaphore, #tpu.memory_space<semaphore_mem>>) src(%arg9 : memref<128x64xf32, #tpu.memory_space<vmem>>) dst(%dma_wait3A_138 : memref<128x64xf32, #tpu.memory_space<hbm>>)
        tpu.yield
      }) : () -> ()
    } else {
    }
    %eq3A_67 = arith.constant 1 : i32
    %eq3A_68 = arith.cmpi eq, %arg0, %eq3A_67 : i32
    %convert_element_type3A_69 = arith.extui %eq3A_68 : i1 to i32
    %cond3A_70 = arith.constant 0 : i32
    %cond3A_71 = arith.cmpi ne, %convert_element_type3A_69, %cond3A_70 : i32
    scf.if %cond3A_71 {
      %mul3A_128 = arith.constant 640 : i32
      %mul3A_129 = arith.muli %arg1, %mul3A_128 : i32
      %add3A_130 = arith.constant 0 : i32
      %add3A_131 = arith.addi %mul3A_129, %add3A_130 : i32
      "tpu.region"() ({
        %run_scoped3A = tpu.sem_alloc : memref<!tpu.dma_semaphore, #tpu.memory_space<semaphore_mem>>
        %dma_start3A_132 = arith.constant 0 : i32
        %dma_start3A_133 = tpu.memref_slice %arg6[%add3A_131, %dma_start3A_132] : memref<10240x64xf32, #tpu.memory_space<hbm>> -> memref<128x64xf32, #tpu.memory_space<hbm>>
        %dma_start3A_134 = arith.constant 0 : i32
        %dma_start3A_135 = tpu.memref_slice %arg6[%add3A_131, %dma_start3A_134] : memref<10240x64xf32, #tpu.memory_space<hbm>> -> memref<128x64xf32, #tpu.memory_space<hbm>>
        tpu.enqueue_dma source(%arg9 : memref<128x64xf32, #tpu.memory_space<vmem>>) target(%dma_start3A_135 : memref<128x64xf32, #tpu.memory_space<hbm>>) target_semaphore(%run_scoped3A : memref<!tpu.dma_semaphore, #tpu.memory_space<semaphore_mem>>)
        %dma_wait3A = arith.constant 0 : i32
        %dma_wait3A_136 = tpu.memref_slice %arg6[%add3A_131, %dma_wait3A] : memref<10240x64xf32, #tpu.memory_space<hbm>> -> memref<128x64xf32, #tpu.memory_space<hbm>>
        %dma_wait3A_137 = arith.constant 0 : i32
        %dma_wait3A_138 = tpu.memref_slice %arg6[%add3A_131, %dma_wait3A_137] : memref<10240x64xf32, #tpu.memory_space<hbm>> -> memref<128x64xf32, #tpu.memory_space<hbm>>
        tpu.wait_dma2 semaphore(%run_scoped3A : memref<!tpu.dma_semaphore, #tpu.memory_space<semaphore_mem>>) src(%arg9 : memref<128x64xf32, #tpu.memory_space<vmem>>) dst(%dma_wait3A_138 : memref<128x64xf32, #tpu.memory_space<hbm>>)
        tpu.yield
      }) : () -> ()
    } else {
    }
    %mul3A_72 = arith.constant 640 : i32
    %mul3A_73 = arith.muli %arg1, %mul3A_72 : i32
    %add3A_74 = arith.constant 128 : i32
    %add3A_75 = arith.addi %mul3A_73, %add3A_74 : i32
    "tpu.region"() ({
      %run_scoped3A = tpu.sem_alloc : memref<!tpu.dma_semaphore, #tpu.memory_space<semaphore_mem>>
      %dma_start3A_128 = arith.constant 0 : i32
      %dma_start3A_129 = tpu.memref_slice %arg12[%add3A_75, %dma_start3A_128] : memref<10240x64xf32, #tpu.memory_space<vmem_shared>> -> memref<128x64xf32, #tpu.memory_space<vmem_shared>>
      %dma_start3A_130 = arith.constant 0 : i32
      %dma_start3A_131 = tpu.memref_slice %arg12[%add3A_75, %dma_start3A_130] : memref<10240x64xf32, #tpu.memory_space<vmem_shared>> -> memref<128x64xf32, #tpu.memory_space<vmem_shared>>
      tpu.enqueue_dma source(%dma_start3A_131 : memref<128x64xf32, #tpu.memory_space<vmem_shared>>) target(%arg10 : memref<128x64xf32, #tpu.memory_space<vmem>>) target_semaphore(%run_scoped3A : memref<!tpu.dma_semaphore, #tpu.memory_space<semaphore_mem>>)
      %dma_wait3A = arith.constant 0 : i32
      %dma_wait3A_132 = tpu.memref_slice %arg12[%add3A_75, %dma_wait3A] : memref<10240x64xf32, #tpu.memory_space<vmem_shared>> -> memref<128x64xf32, #tpu.memory_space<vmem_shared>>
      %dma_wait3A_133 = arith.constant 0 : i32
      %dma_wait3A_134 = tpu.memref_slice %arg12[%add3A_75, %dma_wait3A_133] : memref<10240x64xf32, #tpu.memory_space<vmem_shared>> -> memref<128x64xf32, #tpu.memory_space<vmem_shared>>
      tpu.wait_dma2 semaphore(%run_scoped3A : memref<!tpu.dma_semaphore, #tpu.memory_space<semaphore_mem>>) src(%dma_wait3A_134 : memref<128x64xf32, #tpu.memory_space<vmem_shared>>) dst(%arg10 : memref<128x64xf32, #tpu.memory_space<vmem>>)
      tpu.yield
    }) : () -> ()
    %eq3A_76 = arith.constant 0 : i32
    %eq3A_77 = arith.cmpi eq, %arg0, %eq3A_76 : i32
    %convert_element_type3A_78 = arith.extui %eq3A_77 : i1 to i32
    %cond3A_79 = arith.constant 0 : i32
    %cond3A_80 = arith.cmpi ne, %convert_element_type3A_78, %cond3A_79 : i32
    scf.if %cond3A_80 {
      %mul3A_128 = arith.constant 640 : i32
      %mul3A_129 = arith.muli %arg1, %mul3A_128 : i32
      %add3A_130 = arith.constant 128 : i32
      %add3A_131 = arith.addi %mul3A_129, %add3A_130 : i32
      "tpu.region"() ({
        %run_scoped3A = tpu.sem_alloc : memref<!tpu.dma_semaphore, #tpu.memory_space<semaphore_mem>>
        %dma_start3A_132 = arith.constant 0 : i32
        %dma_start3A_133 = tpu.memref_slice %arg5[%add3A_131, %dma_start3A_132] : memref<10240x64xf32, #tpu.memory_space<hbm>> -> memref<128x64xf32, #tpu.memory_space<hbm>>
        %dma_start3A_134 = arith.constant 0 : i32
        %dma_start3A_135 = tpu.memref_slice %arg5[%add3A_131, %dma_start3A_134] : memref<10240x64xf32, #tpu.memory_space<hbm>> -> memref<128x64xf32, #tpu.memory_space<hbm>>
        tpu.enqueue_dma source(%arg10 : memref<128x64xf32, #tpu.memory_space<vmem>>) target(%dma_start3A_135 : memref<128x64xf32, #tpu.memory_space<hbm>>) target_semaphore(%run_scoped3A : memref<!tpu.dma_semaphore, #tpu.memory_space<semaphore_mem>>)
        %dma_wait3A = arith.constant 0 : i32
        %dma_wait3A_136 = tpu.memref_slice %arg5[%add3A_131, %dma_wait3A] : memref<10240x64xf32, #tpu.memory_space<hbm>> -> memref<128x64xf32, #tpu.memory_space<hbm>>
        %dma_wait3A_137 = arith.constant 0 : i32
        %dma_wait3A_138 = tpu.memref_slice %arg5[%add3A_131, %dma_wait3A_137] : memref<10240x64xf32, #tpu.memory_space<hbm>> -> memref<128x64xf32, #tpu.memory_space<hbm>>
        tpu.wait_dma2 semaphore(%run_scoped3A : memref<!tpu.dma_semaphore, #tpu.memory_space<semaphore_mem>>) src(%arg10 : memref<128x64xf32, #tpu.memory_space<vmem>>) dst(%dma_wait3A_138 : memref<128x64xf32, #tpu.memory_space<hbm>>)
        tpu.yield
      }) : () -> ()
    } else {
    }
    %eq3A_81 = arith.constant 1 : i32
    %eq3A_82 = arith.cmpi eq, %arg0, %eq3A_81 : i32
    %convert_element_type3A_83 = arith.extui %eq3A_82 : i1 to i32
    %cond3A_84 = arith.constant 0 : i32
    %cond3A_85 = arith.cmpi ne, %convert_element_type3A_83, %cond3A_84 : i32
    scf.if %cond3A_85 {
      %mul3A_128 = arith.constant 640 : i32
      %mul3A_129 = arith.muli %arg1, %mul3A_128 : i32
      %add3A_130 = arith.constant 128 : i32
      %add3A_131 = arith.addi %mul3A_129, %add3A_130 : i32
      "tpu.region"() ({
        %run_scoped3A = tpu.sem_alloc : memref<!tpu.dma_semaphore, #tpu.memory_space<semaphore_mem>>
        %dma_start3A_132 = arith.constant 0 : i32
        %dma_start3A_133 = tpu.memref_slice %arg6[%add3A_131, %dma_start3A_132] : memref<10240x64xf32, #tpu.memory_space<hbm>> -> memref<128x64xf32, #tpu.memory_space<hbm>>
        %dma_start3A_134 = arith.constant 0 : i32
        %dma_start3A_135 = tpu.memref_slice %arg6[%add3A_131, %dma_start3A_134] : memref<10240x64xf32, #tpu.memory_space<hbm>> -> memref<128x64xf32, #tpu.memory_space<hbm>>
        tpu.enqueue_dma source(%arg10 : memref<128x64xf32, #tpu.memory_space<vmem>>) target(%dma_start3A_135 : memref<128x64xf32, #tpu.memory_space<hbm>>) target_semaphore(%run_scoped3A : memref<!tpu.dma_semaphore, #tpu.memory_space<semaphore_mem>>)
        %dma_wait3A = arith.constant 0 : i32
        %dma_wait3A_136 = tpu.memref_slice %arg6[%add3A_131, %dma_wait3A] : memref<10240x64xf32, #tpu.memory_space<hbm>> -> memref<128x64xf32, #tpu.memory_space<hbm>>
        %dma_wait3A_137 = arith.constant 0 : i32
        %dma_wait3A_138 = tpu.memref_slice %arg6[%add3A_131, %dma_wait3A_137] : memref<10240x64xf32, #tpu.memory_space<hbm>> -> memref<128x64xf32, #tpu.memory_space<hbm>>
        tpu.wait_dma2 semaphore(%run_scoped3A : memref<!tpu.dma_semaphore, #tpu.memory_space<semaphore_mem>>) src(%arg10 : memref<128x64xf32, #tpu.memory_space<vmem>>) dst(%dma_wait3A_138 : memref<128x64xf32, #tpu.memory_space<hbm>>)
        tpu.yield
      }) : () -> ()
    } else {
    }
    %mul3A_86 = arith.constant 640 : i32
    %mul3A_87 = arith.muli %arg1, %mul3A_86 : i32
    %add3A_88 = arith.constant 256 : i32
    %add3A_89 = arith.addi %mul3A_87, %add3A_88 : i32
    "tpu.region"() ({
      %run_scoped3A = tpu.sem_alloc : memref<!tpu.dma_semaphore, #tpu.memory_space<semaphore_mem>>
      %dma_start3A_128 = arith.constant 0 : i32
      %dma_start3A_129 = tpu.memref_slice %arg12[%add3A_89, %dma_start3A_128] : memref<10240x64xf32, #tpu.memory_space<vmem_shared>> -> memref<128x64xf32, #tpu.memory_space<vmem_shared>>
      %dma_start3A_130 = arith.constant 0 : i32
      %dma_start3A_131 = tpu.memref_slice %arg12[%add3A_89, %dma_start3A_130] : memref<10240x64xf32, #tpu.memory_space<vmem_shared>> -> memref<128x64xf32, #tpu.memory_space<vmem_shared>>
      tpu.enqueue_dma source(%dma_start3A_131 : memref<128x64xf32, #tpu.memory_space<vmem_shared>>) target(%arg11 : memref<128x64xf32, #tpu.memory_space<vmem>>) target_semaphore(%run_scoped3A : memref<!tpu.dma_semaphore, #tpu.memory_space<semaphore_mem>>)
      %dma_wait3A = arith.constant 0 : i32
      %dma_wait3A_132 = tpu.memref_slice %arg12[%add3A_89, %dma_wait3A] : memref<10240x64xf32, #tpu.memory_space<vmem_shared>> -> memref<128x64xf32, #tpu.memory_space<vmem_shared>>
      %dma_wait3A_133 = arith.constant 0 : i32
      %dma_wait3A_134 = tpu.memref_slice %arg12[%add3A_89, %dma_wait3A_133] : memref<10240x64xf32, #tpu.memory_space<vmem_shared>> -> memref<128x64xf32, #tpu.memory_space<vmem_shared>>
      tpu.wait_dma2 semaphore(%run_scoped3A : memref<!tpu.dma_semaphore, #tpu.memory_space<semaphore_mem>>) src(%dma_wait3A_134 : memref<128x64xf32, #tpu.memory_space<vmem_shared>>) dst(%arg11 : memref<128x64xf32, #tpu.memory_space<vmem>>)
      tpu.yield
    }) : () -> ()
    %eq3A_90 = arith.constant 0 : i32
    %eq3A_91 = arith.cmpi eq, %arg0, %eq3A_90 : i32
    %convert_element_type3A_92 = arith.extui %eq3A_91 : i1 to i32
    %cond3A_93 = arith.constant 0 : i32
    %cond3A_94 = arith.cmpi ne, %convert_element_type3A_92, %cond3A_93 : i32
    scf.if %cond3A_94 {
      %mul3A_128 = arith.constant 640 : i32
      %mul3A_129 = arith.muli %arg1, %mul3A_128 : i32
      %add3A_130 = arith.constant 256 : i32
      %add3A_131 = arith.addi %mul3A_129, %add3A_130 : i32
      "tpu.region"() ({
        %run_scoped3A = tpu.sem_alloc : memref<!tpu.dma_semaphore, #tpu.memory_space<semaphore_mem>>
        %dma_start3A_132 = arith.constant 0 : i32
        %dma_start3A_133 = tpu.memref_slice %arg5[%add3A_131, %dma_start3A_132] : memref<10240x64xf32, #tpu.memory_space<hbm>> -> memref<128x64xf32, #tpu.memory_space<hbm>>
        %dma_start3A_134 = arith.constant 0 : i32
        %dma_start3A_135 = tpu.memref_slice %arg5[%add3A_131, %dma_start3A_134] : memref<10240x64xf32, #tpu.memory_space<hbm>> -> memref<128x64xf32, #tpu.memory_space<hbm>>
        tpu.enqueue_dma source(%arg11 : memref<128x64xf32, #tpu.memory_space<vmem>>) target(%dma_start3A_135 : memref<128x64xf32, #tpu.memory_space<hbm>>) target_semaphore(%run_scoped3A : memref<!tpu.dma_semaphore, #tpu.memory_space<semaphore_mem>>)
        %dma_wait3A = arith.constant 0 : i32
        %dma_wait3A_136 = tpu.memref_slice %arg5[%add3A_131, %dma_wait3A] : memref<10240x64xf32, #tpu.memory_space<hbm>> -> memref<128x64xf32, #tpu.memory_space<hbm>>
        %dma_wait3A_137 = arith.constant 0 : i32
        %dma_wait3A_138 = tpu.memref_slice %arg5[%add3A_131, %dma_wait3A_137] : memref<10240x64xf32, #tpu.memory_space<hbm>> -> memref<128x64xf32, #tpu.memory_space<hbm>>
        tpu.wait_dma2 semaphore(%run_scoped3A : memref<!tpu.dma_semaphore, #tpu.memory_space<semaphore_mem>>) src(%arg11 : memref<128x64xf32, #tpu.memory_space<vmem>>) dst(%dma_wait3A_138 : memref<128x64xf32, #tpu.memory_space<hbm>>)
        tpu.yield
      }) : () -> ()
    } else {
    }
    %eq3A_95 = arith.constant 1 : i32
    %eq3A_96 = arith.cmpi eq, %arg0, %eq3A_95 : i32
    %convert_element_type3A_97 = arith.extui %eq3A_96 : i1 to i32
    %cond3A_98 = arith.constant 0 : i32
    %cond3A_99 = arith.cmpi ne, %convert_element_type3A_97, %cond3A_98 : i32
    scf.if %cond3A_99 {
      %mul3A_128 = arith.constant 640 : i32
      %mul3A_129 = arith.muli %arg1, %mul3A_128 : i32
      %add3A_130 = arith.constant 256 : i32
      %add3A_131 = arith.addi %mul3A_129, %add3A_130 : i32
      "tpu.region"() ({
        %run_scoped3A = tpu.sem_alloc : memref<!tpu.dma_semaphore, #tpu.memory_space<semaphore_mem>>
        %dma_start3A_132 = arith.constant 0 : i32
        %dma_start3A_133 = tpu.memref_slice %arg6[%add3A_131, %dma_start3A_132] : memref<10240x64xf32, #tpu.memory_space<hbm>> -> memref<128x64xf32, #tpu.memory_space<hbm>>
        %dma_start3A_134 = arith.constant 0 : i32
        %dma_start3A_135 = tpu.memref_slice %arg6[%add3A_131, %dma_start3A_134] : memref<10240x64xf32, #tpu.memory_space<hbm>> -> memref<128x64xf32, #tpu.memory_space<hbm>>
        tpu.enqueue_dma source(%arg11 : memref<128x64xf32, #tpu.memory_space<vmem>>) target(%dma_start3A_135 : memref<128x64xf32, #tpu.memory_space<hbm>>) target_semaphore(%run_scoped3A : memref<!tpu.dma_semaphore, #tpu.memory_space<semaphore_mem>>)
        %dma_wait3A = arith.constant 0 : i32
        %dma_wait3A_136 = tpu.memref_slice %arg6[%add3A_131, %dma_wait3A] : memref<10240x64xf32, #tpu.memory_space<hbm>> -> memref<128x64xf32, #tpu.memory_space<hbm>>
        %dma_wait3A_137 = arith.constant 0 : i32
        %dma_wait3A_138 = tpu.memref_slice %arg6[%add3A_131, %dma_wait3A_137] : memref<10240x64xf32, #tpu.memory_space<hbm>> -> memref<128x64xf32, #tpu.memory_space<hbm>>
        tpu.wait_dma2 semaphore(%run_scoped3A : memref<!tpu.dma_semaphore, #tpu.memory_space<semaphore_mem>>) src(%arg11 : memref<128x64xf32, #tpu.memory_space<vmem>>) dst(%dma_wait3A_138 : memref<128x64xf32, #tpu.memory_space<hbm>>)
        tpu.yield
      }) : () -> ()
    } else {
    }
    %mul3A_100 = arith.constant 640 : i32
    %mul3A_101 = arith.muli %arg1, %mul3A_100 : i32
    %add3A_102 = arith.constant 384 : i32
    %add3A_103 = arith.addi %mul3A_101, %add3A_102 : i32
    "tpu.region"() ({
      %run_scoped3A = tpu.sem_alloc : memref<!tpu.dma_semaphore, #tpu.memory_space<semaphore_mem>>
      %dma_start3A_128 = arith.constant 0 : i32
      %dma_start3A_129 = tpu.memref_slice %arg12[%add3A_103, %dma_start3A_128] : memref<10240x64xf32, #tpu.memory_space<vmem_shared>> -> memref<128x64xf32, #tpu.memory_space<vmem_shared>>
      %dma_start3A_130 = arith.constant 0 : i32
      %dma_start3A_131 = tpu.memref_slice %arg12[%add3A_103, %dma_start3A_130] : memref<10240x64xf32, #tpu.memory_space<vmem_shared>> -> memref<128x64xf32, #tpu.memory_space<vmem_shared>>
      tpu.enqueue_dma source(%dma_start3A_131 : memref<128x64xf32, #tpu.memory_space<vmem_shared>>) target(%arg9 : memref<128x64xf32, #tpu.memory_space<vmem>>) target_semaphore(%run_scoped3A : memref<!tpu.dma_semaphore, #tpu.memory_space<semaphore_mem>>)
      %dma_wait3A = arith.constant 0 : i32
      %dma_wait3A_132 = tpu.memref_slice %arg12[%add3A_103, %dma_wait3A] : memref<10240x64xf32, #tpu.memory_space<vmem_shared>> -> memref<128x64xf32, #tpu.memory_space<vmem_shared>>
      %dma_wait3A_133 = arith.constant 0 : i32
      %dma_wait3A_134 = tpu.memref_slice %arg12[%add3A_103, %dma_wait3A_133] : memref<10240x64xf32, #tpu.memory_space<vmem_shared>> -> memref<128x64xf32, #tpu.memory_space<vmem_shared>>
      tpu.wait_dma2 semaphore(%run_scoped3A : memref<!tpu.dma_semaphore, #tpu.memory_space<semaphore_mem>>) src(%dma_wait3A_134 : memref<128x64xf32, #tpu.memory_space<vmem_shared>>) dst(%arg9 : memref<128x64xf32, #tpu.memory_space<vmem>>)
      tpu.yield
    }) : () -> ()
    %eq3A_104 = arith.constant 0 : i32
    %eq3A_105 = arith.cmpi eq, %arg0, %eq3A_104 : i32
    %convert_element_type3A_106 = arith.extui %eq3A_105 : i1 to i32
    %cond3A_107 = arith.constant 0 : i32
    %cond3A_108 = arith.cmpi ne, %convert_element_type3A_106, %cond3A_107 : i32
    scf.if %cond3A_108 {
      %mul3A_128 = arith.constant 640 : i32
      %mul3A_129 = arith.muli %arg1, %mul3A_128 : i32
      %add3A_130 = arith.constant 384 : i32
      %add3A_131 = arith.addi %mul3A_129, %add3A_130 : i32
      "tpu.region"() ({
        %run_scoped3A = tpu.sem_alloc : memref<!tpu.dma_semaphore, #tpu.memory_space<semaphore_mem>>
        %dma_start3A_132 = arith.constant 0 : i32
        %dma_start3A_133 = tpu.memref_slice %arg5[%add3A_131, %dma_start3A_132] : memref<10240x64xf32, #tpu.memory_space<hbm>> -> memref<128x64xf32, #tpu.memory_space<hbm>>
        %dma_start3A_134 = arith.constant 0 : i32
        %dma_start3A_135 = tpu.memref_slice %arg5[%add3A_131, %dma_start3A_134] : memref<10240x64xf32, #tpu.memory_space<hbm>> -> memref<128x64xf32, #tpu.memory_space<hbm>>
        tpu.enqueue_dma source(%arg9 : memref<128x64xf32, #tpu.memory_space<vmem>>) target(%dma_start3A_135 : memref<128x64xf32, #tpu.memory_space<hbm>>) target_semaphore(%run_scoped3A : memref<!tpu.dma_semaphore, #tpu.memory_space<semaphore_mem>>)
        %dma_wait3A = arith.constant 0 : i32
        %dma_wait3A_136 = tpu.memref_slice %arg5[%add3A_131, %dma_wait3A] : memref<10240x64xf32, #tpu.memory_space<hbm>> -> memref<128x64xf32, #tpu.memory_space<hbm>>
        %dma_wait3A_137 = arith.constant 0 : i32
        %dma_wait3A_138 = tpu.memref_slice %arg5[%add3A_131, %dma_wait3A_137] : memref<10240x64xf32, #tpu.memory_space<hbm>> -> memref<128x64xf32, #tpu.memory_space<hbm>>
        tpu.wait_dma2 semaphore(%run_scoped3A : memref<!tpu.dma_semaphore, #tpu.memory_space<semaphore_mem>>) src(%arg9 : memref<128x64xf32, #tpu.memory_space<vmem>>) dst(%dma_wait3A_138 : memref<128x64xf32, #tpu.memory_space<hbm>>)
        tpu.yield
      }) : () -> ()
    } else {
    }
    %eq3A_109 = arith.constant 1 : i32
    %eq3A_110 = arith.cmpi eq, %arg0, %eq3A_109 : i32
    %convert_element_type3A_111 = arith.extui %eq3A_110 : i1 to i32
    %cond3A_112 = arith.constant 0 : i32
    %cond3A_113 = arith.cmpi ne, %convert_element_type3A_111, %cond3A_112 : i32
    scf.if %cond3A_113 {
      %mul3A_128 = arith.constant 640 : i32
      %mul3A_129 = arith.muli %arg1, %mul3A_128 : i32
      %add3A_130 = arith.constant 384 : i32
      %add3A_131 = arith.addi %mul3A_129, %add3A_130 : i32
      "tpu.region"() ({
        %run_scoped3A = tpu.sem_alloc : memref<!tpu.dma_semaphore, #tpu.memory_space<semaphore_mem>>
        %dma_start3A_132 = arith.constant 0 : i32
        %dma_start3A_133 = tpu.memref_slice %arg6[%add3A_131, %dma_start3A_132] : memref<10240x64xf32, #tpu.memory_space<hbm>> -> memref<128x64xf32, #tpu.memory_space<hbm>>
        %dma_start3A_134 = arith.constant 0 : i32
        %dma_start3A_135 = tpu.memref_slice %arg6[%add3A_131, %dma_start3A_134] : memref<10240x64xf32, #tpu.memory_space<hbm>> -> memref<128x64xf32, #tpu.memory_space<hbm>>
        tpu.enqueue_dma source(%arg9 : memref<128x64xf32, #tpu.memory_space<vmem>>) target(%dma_start3A_135 : memref<128x64xf32, #tpu.memory_space<hbm>>) target_semaphore(%run_scoped3A : memref<!tpu.dma_semaphore, #tpu.memory_space<semaphore_mem>>)
        %dma_wait3A = arith.constant 0 : i32
        %dma_wait3A_136 = tpu.memref_slice %arg6[%add3A_131, %dma_wait3A] : memref<10240x64xf32, #tpu.memory_space<hbm>> -> memref<128x64xf32, #tpu.memory_space<hbm>>
        %dma_wait3A_137 = arith.constant 0 : i32
        %dma_wait3A_138 = tpu.memref_slice %arg6[%add3A_131, %dma_wait3A_137] : memref<10240x64xf32, #tpu.memory_space<hbm>> -> memref<128x64xf32, #tpu.memory_space<hbm>>
        tpu.wait_dma2 semaphore(%run_scoped3A : memref<!tpu.dma_semaphore, #tpu.memory_space<semaphore_mem>>) src(%arg9 : memref<128x64xf32, #tpu.memory_space<vmem>>) dst(%dma_wait3A_138 : memref<128x64xf32, #tpu.memory_space<hbm>>)
        tpu.yield
      }) : () -> ()
    } else {
    }
    %mul3A_114 = arith.constant 640 : i32
    %mul3A_115 = arith.muli %arg1, %mul3A_114 : i32
    %add3A_116 = arith.constant 512 : i32
    %add3A_117 = arith.addi %mul3A_115, %add3A_116 : i32
    "tpu.region"() ({
      %run_scoped3A = tpu.sem_alloc : memref<!tpu.dma_semaphore, #tpu.memory_space<semaphore_mem>>
      %dma_start3A_128 = arith.constant 0 : i32
      %dma_start3A_129 = tpu.memref_slice %arg12[%add3A_117, %dma_start3A_128] : memref<10240x64xf32, #tpu.memory_space<vmem_shared>> -> memref<128x64xf32, #tpu.memory_space<vmem_shared>>
      %dma_start3A_130 = arith.constant 0 : i32
      %dma_start3A_131 = tpu.memref_slice %arg12[%add3A_117, %dma_start3A_130] : memref<10240x64xf32, #tpu.memory_space<vmem_shared>> -> memref<128x64xf32, #tpu.memory_space<vmem_shared>>
      tpu.enqueue_dma source(%dma_start3A_131 : memref<128x64xf32, #tpu.memory_space<vmem_shared>>) target(%arg10 : memref<128x64xf32, #tpu.memory_space<vmem>>) target_semaphore(%run_scoped3A : memref<!tpu.dma_semaphore, #tpu.memory_space<semaphore_mem>>)
      %dma_wait3A = arith.constant 0 : i32
      %dma_wait3A_132 = tpu.memref_slice %arg12[%add3A_117, %dma_wait3A] : memref<10240x64xf32, #tpu.memory_space<vmem_shared>> -> memref<128x64xf32, #tpu.memory_space<vmem_shared>>
      %dma_wait3A_133 = arith.constant 0 : i32
      %dma_wait3A_134 = tpu.memref_slice %arg12[%add3A_117, %dma_wait3A_133] : memref<10240x64xf32, #tpu.memory_space<vmem_shared>> -> memref<128x64xf32, #tpu.memory_space<vmem_shared>>
      tpu.wait_dma2 semaphore(%run_scoped3A : memref<!tpu.dma_semaphore, #tpu.memory_space<semaphore_mem>>) src(%dma_wait3A_134 : memref<128x64xf32, #tpu.memory_space<vmem_shared>>) dst(%arg10 : memref<128x64xf32, #tpu.memory_space<vmem>>)
      tpu.yield
    }) : () -> ()
    %eq3A_118 = arith.constant 0 : i32
    %eq3A_119 = arith.cmpi eq, %arg0, %eq3A_118 : i32
    %convert_element_type3A_120 = arith.extui %eq3A_119 : i1 to i32
    %cond3A_121 = arith.constant 0 : i32
    %cond3A_122 = arith.cmpi ne, %convert_element_type3A_120, %cond3A_121 : i32
    scf.if %cond3A_122 {
      %mul3A_128 = arith.constant 640 : i32
      %mul3A_129 = arith.muli %arg1, %mul3A_128 : i32
      %add3A_130 = arith.constant 512 : i32
      %add3A_131 = arith.addi %mul3A_129, %add3A_130 : i32
      "tpu.region"() ({
        %run_scoped3A = tpu.sem_alloc : memref<!tpu.dma_semaphore, #tpu.memory_space<semaphore_mem>>
        %dma_start3A_132 = arith.constant 0 : i32
        %dma_start3A_133 = tpu.memref_slice %arg5[%add3A_131, %dma_start3A_132] : memref<10240x64xf32, #tpu.memory_space<hbm>> -> memref<128x64xf32, #tpu.memory_space<hbm>>
        %dma_start3A_134 = arith.constant 0 : i32
        %dma_start3A_135 = tpu.memref_slice %arg5[%add3A_131, %dma_start3A_134] : memref<10240x64xf32, #tpu.memory_space<hbm>> -> memref<128x64xf32, #tpu.memory_space<hbm>>
        tpu.enqueue_dma source(%arg10 : memref<128x64xf32, #tpu.memory_space<vmem>>) target(%dma_start3A_135 : memref<128x64xf32, #tpu.memory_space<hbm>>) target_semaphore(%run_scoped3A : memref<!tpu.dma_semaphore, #tpu.memory_space<semaphore_mem>>)
        %dma_wait3A = arith.constant 0 : i32
        %dma_wait3A_136 = tpu.memref_slice %arg5[%add3A_131, %dma_wait3A] : memref<10240x64xf32, #tpu.memory_space<hbm>> -> memref<128x64xf32, #tpu.memory_space<hbm>>
        %dma_wait3A_137 = arith.constant 0 : i32
        %dma_wait3A_138 = tpu.memref_slice %arg5[%add3A_131, %dma_wait3A_137] : memref<10240x64xf32, #tpu.memory_space<hbm>> -> memref<128x64xf32, #tpu.memory_space<hbm>>
        tpu.wait_dma2 semaphore(%run_scoped3A : memref<!tpu.dma_semaphore, #tpu.memory_space<semaphore_mem>>) src(%arg10 : memref<128x64xf32, #tpu.memory_space<vmem>>) dst(%dma_wait3A_138 : memref<128x64xf32, #tpu.memory_space<hbm>>)
        tpu.yield
      }) : () -> ()
    } else {
    }
    %eq3A_123 = arith.constant 1 : i32
    %eq3A_124 = arith.cmpi eq, %arg0, %eq3A_123 : i32
    %convert_element_type3A_125 = arith.extui %eq3A_124 : i1 to i32
    %cond3A_126 = arith.constant 0 : i32
    %cond3A_127 = arith.cmpi ne, %convert_element_type3A_125, %cond3A_126 : i32
    scf.if %cond3A_127 {
      %mul3A_128 = arith.constant 640 : i32
      %mul3A_129 = arith.muli %arg1, %mul3A_128 : i32
      %add3A_130 = arith.constant 512 : i32
      %add3A_131 = arith.addi %mul3A_129, %add3A_130 : i32
      "tpu.region"() ({
        %run_scoped3A = tpu.sem_alloc : memref<!tpu.dma_semaphore, #tpu.memory_space<semaphore_mem>>
        %dma_start3A_132 = arith.constant 0 : i32
        %dma_start3A_133 = tpu.memref_slice %arg6[%add3A_131, %dma_start3A_132] : memref<10240x64xf32, #tpu.memory_space<hbm>> -> memref<128x64xf32, #tpu.memory_space<hbm>>
        %dma_start3A_134 = arith.constant 0 : i32
        %dma_start3A_135 = tpu.memref_slice %arg6[%add3A_131, %dma_start3A_134] : memref<10240x64xf32, #tpu.memory_space<hbm>> -> memref<128x64xf32, #tpu.memory_space<hbm>>
        tpu.enqueue_dma source(%arg10 : memref<128x64xf32, #tpu.memory_space<vmem>>) target(%dma_start3A_135 : memref<128x64xf32, #tpu.memory_space<hbm>>) target_semaphore(%run_scoped3A : memref<!tpu.dma_semaphore, #tpu.memory_space<semaphore_mem>>)
        %dma_wait3A = arith.constant 0 : i32
        %dma_wait3A_136 = tpu.memref_slice %arg6[%add3A_131, %dma_wait3A] : memref<10240x64xf32, #tpu.memory_space<hbm>> -> memref<128x64xf32, #tpu.memory_space<hbm>>
        %dma_wait3A_137 = arith.constant 0 : i32
        %dma_wait3A_138 = tpu.memref_slice %arg6[%add3A_131, %dma_wait3A_137] : memref<10240x64xf32, #tpu.memory_space<hbm>> -> memref<128x64xf32, #tpu.memory_space<hbm>>
        tpu.wait_dma2 semaphore(%run_scoped3A : memref<!tpu.dma_semaphore, #tpu.memory_space<semaphore_mem>>) src(%arg10 : memref<128x64xf32, #tpu.memory_space<vmem>>) dst(%dma_wait3A_138 : memref<128x64xf32, #tpu.memory_space<hbm>>)
        tpu.yield
      }) : () -> ()
    } else {
    }
    return
  }
}

#map = affine_map<(d0, d1) -> (0, 0, 0)>
#map1 = affine_map<(d0, d1) -> (0)>
module attributes {stable_mosaic.version = 14 : i64} {
  func.func @_deg_kernel(%arg0: i32, %arg1: i32, %arg2: memref<2500x2x128xi32, #tpu.memory_space<hbm>>, %arg3: memref<640xf32, #tpu.memory_space<hbm>>, %arg4: memref<128xf32, #tpu.memory_space<hbm>>, %arg5: memref<20480xf32, #tpu.memory_space<hbm>>, %arg6: memref<78x2x128xi32, #tpu.memory_space<vmem>>, %arg7: memref<2x128xi32, #tpu.memory_space<vmem>>, %arg8: memref<128xf32, #tpu.memory_space<vmem>>, %arg9: memref<640xf32, #tpu.memory_space<vmem>>, %arg10: memref<10240xf32, #tpu.memory_space<vmem_shared>>, %arg11: memref<!tpu.dma_semaphore, #tpu.memory_space<semaphore_mem>>) attributes {dimension_semantics = [#tpu.dimension_semantics<core_parallel>, #tpu.dimension_semantics<subcore_parallel>], iteration_bounds = array<i64: 2, 16>, scalar_prefetch = 0 : i64, scratch_operands = 6 : i64, tpu.core_type = #tpu.core_type<sc_vector_subcore>, window_params = [{transform_indices = #map}, {transform_indices = #map1}, {transform_indices = #map1}, {transform_indices = #map1}]} {
    %mul3A = arith.constant 16 : i32
    %mul3A_0 = arith.muli %arg0, %mul3A : i32
    %add3A = arith.addi %mul3A_0, %arg1 : i32
    "tpu.region"() ({
      %run_scoped3A = tpu.sem_alloc : memref<!tpu.dma_semaphore, #tpu.memory_space<semaphore_mem>>
      tpu.enqueue_dma source(%arg4 : memref<128xf32, #tpu.memory_space<hbm>>) target(%arg8 : memref<128xf32, #tpu.memory_space<vmem>>) target_semaphore(%run_scoped3A : memref<!tpu.dma_semaphore, #tpu.memory_space<semaphore_mem>>)
      tpu.wait_dma2 semaphore(%run_scoped3A : memref<!tpu.dma_semaphore, #tpu.memory_space<semaphore_mem>>) src(%arg4 : memref<128xf32, #tpu.memory_space<hbm>>) dst(%arg8 : memref<128xf32, #tpu.memory_space<vmem>>)
      tpu.yield
    }) : () -> ()
    "tpu.region"() ({
      %run_scoped3A = tpu.sem_alloc : memref<!tpu.dma_semaphore, #tpu.memory_space<semaphore_mem>>
      tpu.enqueue_dma source(%arg3 : memref<640xf32, #tpu.memory_space<hbm>>) target(%arg9 : memref<640xf32, #tpu.memory_space<vmem>>) target_semaphore(%run_scoped3A : memref<!tpu.dma_semaphore, #tpu.memory_space<semaphore_mem>>)
      tpu.wait_dma2 semaphore(%run_scoped3A : memref<!tpu.dma_semaphore, #tpu.memory_space<semaphore_mem>>) src(%arg3 : memref<640xf32, #tpu.memory_space<hbm>>) dst(%arg9 : memref<640xf32, #tpu.memory_space<vmem>>)
      tpu.yield
    }) : () -> ()
    %mul3A_1 = arith.constant 640 : i32
    %mul3A_2 = arith.muli %arg1, %mul3A_1 : i32
    "tpu.region"() ({
      %run_scoped3A = tpu.sem_alloc : memref<!tpu.dma_semaphore, #tpu.memory_space<semaphore_mem>>
      %dma_start3A = tpu.memref_slice %arg10[%mul3A_2] : memref<10240xf32, #tpu.memory_space<vmem_shared>> -> memref<640xf32, #tpu.memory_space<vmem_shared>>
      %dma_start3A_31 = tpu.memref_slice %arg10[%mul3A_2] : memref<10240xf32, #tpu.memory_space<vmem_shared>> -> memref<640xf32, #tpu.memory_space<vmem_shared>>
      tpu.enqueue_dma source(%arg9 : memref<640xf32, #tpu.memory_space<vmem>>) target(%dma_start3A_31 : memref<640xf32, #tpu.memory_space<vmem_shared>>) target_semaphore(%run_scoped3A : memref<!tpu.dma_semaphore, #tpu.memory_space<semaphore_mem>>)
      %dma_wait3A_32 = tpu.memref_slice %arg10[%mul3A_2] : memref<10240xf32, #tpu.memory_space<vmem_shared>> -> memref<640xf32, #tpu.memory_space<vmem_shared>>
      %dma_wait3A_33 = tpu.memref_slice %arg10[%mul3A_2] : memref<10240xf32, #tpu.memory_space<vmem_shared>> -> memref<640xf32, #tpu.memory_space<vmem_shared>>
      tpu.wait_dma2 semaphore(%run_scoped3A : memref<!tpu.dma_semaphore, #tpu.memory_space<semaphore_mem>>) src(%arg9 : memref<640xf32, #tpu.memory_space<vmem>>) dst(%dma_wait3A_33 : memref<640xf32, #tpu.memory_space<vmem_shared>>)
      tpu.yield
    }) : () -> ()
    %mul3A_3 = arith.constant 78 : i32
    %mul3A_4 = arith.muli %add3A, %mul3A_3 : i32
    "tpu.region"() ({
      %run_scoped3A = tpu.sem_alloc : memref<!tpu.dma_semaphore, #tpu.memory_space<semaphore_mem>>
      %dma_start3A = arith.constant 0 : i32
      %dma_start3A_31 = arith.constant 0 : i32
      %dma_start3A_32 = tpu.memref_slice %arg2[%mul3A_4, %dma_start3A, %dma_start3A_31] : memref<2500x2x128xi32, #tpu.memory_space<hbm>> -> memref<78x2x128xi32, #tpu.memory_space<hbm>>
      %dma_start3A_33 = arith.constant 0 : i32
      %dma_start3A_34 = arith.constant 0 : i32
      %dma_start3A_35 = tpu.memref_slice %arg2[%mul3A_4, %dma_start3A_33, %dma_start3A_34] : memref<2500x2x128xi32, #tpu.memory_space<hbm>> -> memref<78x2x128xi32, #tpu.memory_space<hbm>>
      tpu.enqueue_dma source(%dma_start3A_35 : memref<78x2x128xi32, #tpu.memory_space<hbm>>) target(%arg6 : memref<78x2x128xi32, #tpu.memory_space<vmem>>) target_semaphore(%run_scoped3A : memref<!tpu.dma_semaphore, #tpu.memory_space<semaphore_mem>>)
      %dma_wait3A_36 = arith.constant 0 : i32
      %dma_wait3A_37 = arith.constant 0 : i32
      %dma_wait3A_38 = tpu.memref_slice %arg2[%mul3A_4, %dma_wait3A_36, %dma_wait3A_37] : memref<2500x2x128xi32, #tpu.memory_space<hbm>> -> memref<78x2x128xi32, #tpu.memory_space<hbm>>
      %dma_wait3A_39 = arith.constant 0 : i32
      %dma_wait3A_40 = arith.constant 0 : i32
      %dma_wait3A_41 = tpu.memref_slice %arg2[%mul3A_4, %dma_wait3A_39, %dma_wait3A_40] : memref<2500x2x128xi32, #tpu.memory_space<hbm>> -> memref<78x2x128xi32, #tpu.memory_space<hbm>>
      tpu.wait_dma2 semaphore(%run_scoped3A : memref<!tpu.dma_semaphore, #tpu.memory_space<semaphore_mem>>) src(%dma_wait3A_41 : memref<78x2x128xi32, #tpu.memory_space<hbm>>) dst(%arg6 : memref<78x2x128xi32, #tpu.memory_space<vmem>>)
      tpu.yield
    }) : () -> ()
    %lt3A = arith.constant 4 : i32
    %lt3A_5 = arith.cmpi slt, %add3A, %lt3A : i32
    %convert_element_type3A = arith.extui %lt3A_5 : i1 to i32
    %cond3A = arith.constant 0 : i32
    %cond3A_6 = arith.cmpi ne, %convert_element_type3A, %cond3A : i32
    scf.if %cond3A_6 {
      %add3A_31 = arith.constant 2496 : i32
      %add3A_32 = arith.addi %add3A_31, %add3A : i32
      "tpu.region"() ({
        %run_scoped3A = tpu.sem_alloc : memref<!tpu.dma_semaphore, #tpu.memory_space<semaphore_mem>>
        %dma_start3A = arith.constant 0 : i32
        %dma_start3A_33 = arith.constant 0 : i32
        %dma_start3A_34 = tpu.memref_slice %arg2[%add3A_32, %dma_start3A, %dma_start3A_33] : memref<2500x2x128xi32, #tpu.memory_space<hbm>> -> memref<1x2x128xi32, #tpu.memory_space<hbm>>
        %dma_start3A_35 = tpu.memref_squeeze %dma_start3A_34 : memref<1x2x128xi32, #tpu.memory_space<hbm>> -> memref<2x128xi32, #tpu.memory_space<hbm>>
        %dma_start3A_36 = arith.constant 0 : i32
        %dma_start3A_37 = arith.constant 0 : i32
        %dma_start3A_38 = tpu.memref_slice %arg2[%add3A_32, %dma_start3A_36, %dma_start3A_37] : memref<2500x2x128xi32, #tpu.memory_space<hbm>> -> memref<1x2x128xi32, #tpu.memory_space<hbm>>
        %dma_start3A_39 = tpu.memref_squeeze %dma_start3A_38 : memref<1x2x128xi32, #tpu.memory_space<hbm>> -> memref<2x128xi32, #tpu.memory_space<hbm>>
        tpu.enqueue_dma source(%dma_start3A_39 : memref<2x128xi32, #tpu.memory_space<hbm>>) target(%arg7 : memref<2x128xi32, #tpu.memory_space<vmem>>) target_semaphore(%run_scoped3A : memref<!tpu.dma_semaphore, #tpu.memory_space<semaphore_mem>>)
        %dma_wait3A_40 = arith.constant 0 : i32
        %dma_wait3A_41 = arith.constant 0 : i32
        %dma_wait3A_42 = tpu.memref_slice %arg2[%add3A_32, %dma_wait3A_40, %dma_wait3A_41] : memref<2500x2x128xi32, #tpu.memory_space<hbm>> -> memref<1x2x128xi32, #tpu.memory_space<hbm>>
        %dma_wait3A_43 = tpu.memref_squeeze %dma_wait3A_42 : memref<1x2x128xi32, #tpu.memory_space<hbm>> -> memref<2x128xi32, #tpu.memory_space<hbm>>
        %dma_wait3A_44 = arith.constant 0 : i32
        %dma_wait3A_45 = arith.constant 0 : i32
        %dma_wait3A_46 = tpu.memref_slice %arg2[%add3A_32, %dma_wait3A_44, %dma_wait3A_45] : memref<2500x2x128xi32, #tpu.memory_space<hbm>> -> memref<1x2x128xi32, #tpu.memory_space<hbm>>
        %dma_wait3A_47 = tpu.memref_squeeze %dma_wait3A_46 : memref<1x2x128xi32, #tpu.memory_space<hbm>> -> memref<2x128xi32, #tpu.memory_space<hbm>>
        tpu.wait_dma2 semaphore(%run_scoped3A : memref<!tpu.dma_semaphore, #tpu.memory_space<semaphore_mem>>) src(%dma_wait3A_47 : memref<2x128xi32, #tpu.memory_space<hbm>>) dst(%arg7 : memref<2x128xi32, #tpu.memory_space<vmem>>)
        tpu.yield
      }) : () -> ()
    } else {
    }
    %barrier3A = arith.constant 0 : index
    tpu.barrier barrier_id(%barrier3A)
    %scan3A = arith.constant 0 : i32
    %scan3A_7 = arith.constant 0 : i32
    %scan3A_8 = arith.constant 78 : i32
    %scan3A_9 = arith.addi %scan3A_7, %scan3A_8 : i32
    %scan3A_10 = arith.constant 1 : i32
    scf.for %scan3A_31 = %scan3A_7 to %scan3A_9 step %scan3A_10  : i32 {
      %get3A = arith.constant 1 : i32
      %get3A_32 = arith.index_cast %scan3A_31 : i32 to index
      %get3A_33 = arith.index_cast %get3A : i32 to index
      %get3A_34 = arith.constant 0 : index
      %get3A_35 = tpu.vector_load %arg6[%get3A_32, %get3A_33, %get3A_34] {strides = array<i32>} : memref<78x2x128xi32, #tpu.memory_space<vmem>>, vector<1x1x16xi32>,
      %get3A_36 = vector.shape_cast %get3A_35 : vector<1x1x16xi32> to vector<16xi32>
      %shift_right_logical3A = arith.constant 1 : i32
      %shift_right_logical3A_37 = vector.broadcast %shift_right_logical3A : i32 to vector<16xi32>
      %shift_right_logical3A_38 = arith.shrui %get3A_36, %shift_right_logical3A_37 : vector<16xi32>
      %and3A = arith.constant 1 : i32
      %and3A_39 = vector.broadcast %and3A : i32 to vector<16xi32>
      %and3A_40 = arith.andi %get3A_36, %and3A_39 : vector<16xi32>
      %mul3A_41 = arith.constant 5120 : i32
      %mul3A_42 = vector.broadcast %mul3A_41 : i32 to vector<16xi32>
      %mul3A_43 = arith.muli %and3A_40, %mul3A_42 : vector<16xi32>
      %add3A_44 = arith.addi %shift_right_logical3A_38, %mul3A_43 : vector<16xi32>
      %swap3A = arith.constant 1 : i32
      %swap3A_45 = arith.index_cast %scan3A_31 : i32 to index
      %swap3A_46 = arith.index_cast %swap3A : i32 to index
      %swap3A_47 = arith.constant 0 : index
      %swap3A_48 = tpu.vector_load %arg6[%swap3A_45, %swap3A_46, %swap3A_47] {strides = array<i32>} : memref<78x2x128xi32, #tpu.memory_space<vmem>>, vector<1x1x16xi32>,
      %swap3A_49 = vector.shape_cast %swap3A_48 : vector<1x1x16xi32> to vector<16xi32>
      %swap3A_50 = vector.shape_cast %add3A_44 : vector<16xi32> to vector<1x1x16xi32>
      tpu.vector_store %arg6[%swap3A_45, %swap3A_46, %swap3A_47], %swap3A_50 {strides = array<i32>} : memref<78x2x128xi32, #tpu.memory_space<vmem>>, vector<1x1x16xi32>,
      %get3A_51 = arith.constant 1 : i32
      %get3A_52 = arith.index_cast %scan3A_31 : i32 to index
      %get3A_53 = arith.index_cast %get3A_51 : i32 to index
      %get3A_54 = arith.constant 16 : index
      %get3A_55 = tpu.vector_load %arg6[%get3A_52, %get3A_53, %get3A_54] {strides = array<i32>} : memref<78x2x128xi32, #tpu.memory_space<vmem>>, vector<1x1x16xi32>,
      %get3A_56 = vector.shape_cast %get3A_55 : vector<1x1x16xi32> to vector<16xi32>
      %shift_right_logical3A_57 = arith.constant 1 : i32
      %shift_right_logical3A_58 = vector.broadcast %shift_right_logical3A_57 : i32 to vector<16xi32>
      %shift_right_logical3A_59 = arith.shrui %get3A_56, %shift_right_logical3A_58 : vector<16xi32>
      %and3A_60 = arith.constant 1 : i32
      %and3A_61 = vector.broadcast %and3A_60 : i32 to vector<16xi32>
      %and3A_62 = arith.andi %get3A_56, %and3A_61 : vector<16xi32>
      %mul3A_63 = arith.constant 5120 : i32
      %mul3A_64 = vector.broadcast %mul3A_63 : i32 to vector<16xi32>
      %mul3A_65 = arith.muli %and3A_62, %mul3A_64 : vector<16xi32>
      %add3A_66 = arith.addi %shift_right_logical3A_59, %mul3A_65 : vector<16xi32>
      %swap3A_67 = arith.constant 1 : i32
      %swap3A_68 = arith.index_cast %scan3A_31 : i32 to index
      %swap3A_69 = arith.index_cast %swap3A_67 : i32 to index
      %swap3A_70 = arith.constant 16 : index
      %swap3A_71 = tpu.vector_load %arg6[%swap3A_68, %swap3A_69, %swap3A_70] {strides = array<i32>} : memref<78x2x128xi32, #tpu.memory_space<vmem>>, vector<1x1x16xi32>,
      %swap3A_72 = vector.shape_cast %swap3A_71 : vector<1x1x16xi32> to vector<16xi32>
      %swap3A_73 = vector.shape_cast %add3A_66 : vector<16xi32> to vector<1x1x16xi32>
      tpu.vector_store %arg6[%swap3A_68, %swap3A_69, %swap3A_70], %swap3A_73 {strides = array<i32>} : memref<78x2x128xi32, #tpu.memory_space<vmem>>, vector<1x1x16xi32>,
      %get3A_74 = arith.constant 1 : i32
      %get3A_75 = arith.index_cast %scan3A_31 : i32 to index
      %get3A_76 = arith.index_cast %get3A_74 : i32 to index
      %get3A_77 = arith.constant 32 : index
      %get3A_78 = tpu.vector_load %arg6[%get3A_75, %get3A_76, %get3A_77] {strides = array<i32>} : memref<78x2x128xi32, #tpu.memory_space<vmem>>, vector<1x1x16xi32>,
      %get3A_79 = vector.shape_cast %get3A_78 : vector<1x1x16xi32> to vector<16xi32>
      %shift_right_logical3A_80 = arith.constant 1 : i32
      %shift_right_logical3A_81 = vector.broadcast %shift_right_logical3A_80 : i32 to vector<16xi32>
      %shift_right_logical3A_82 = arith.shrui %get3A_79, %shift_right_logical3A_81 : vector<16xi32>
      %and3A_83 = arith.constant 1 : i32
      %and3A_84 = vector.broadcast %and3A_83 : i32 to vector<16xi32>
      %and3A_85 = arith.andi %get3A_79, %and3A_84 : vector<16xi32>
      %mul3A_86 = arith.constant 5120 : i32
      %mul3A_87 = vector.broadcast %mul3A_86 : i32 to vector<16xi32>
      %mul3A_88 = arith.muli %and3A_85, %mul3A_87 : vector<16xi32>
      %add3A_89 = arith.addi %shift_right_logical3A_82, %mul3A_88 : vector<16xi32>
      %swap3A_90 = arith.constant 1 : i32
      %swap3A_91 = arith.index_cast %scan3A_31 : i32 to index
      %swap3A_92 = arith.index_cast %swap3A_90 : i32 to index
      %swap3A_93 = arith.constant 32 : index
      %swap3A_94 = tpu.vector_load %arg6[%swap3A_91, %swap3A_92, %swap3A_93] {strides = array<i32>} : memref<78x2x128xi32, #tpu.memory_space<vmem>>, vector<1x1x16xi32>,
      %swap3A_95 = vector.shape_cast %swap3A_94 : vector<1x1x16xi32> to vector<16xi32>
      %swap3A_96 = vector.shape_cast %add3A_89 : vector<16xi32> to vector<1x1x16xi32>
      tpu.vector_store %arg6[%swap3A_91, %swap3A_92, %swap3A_93], %swap3A_96 {strides = array<i32>} : memref<78x2x128xi32, #tpu.memory_space<vmem>>, vector<1x1x16xi32>,
      %get3A_97 = arith.constant 1 : i32
      %get3A_98 = arith.index_cast %scan3A_31 : i32 to index
      %get3A_99 = arith.index_cast %get3A_97 : i32 to index
      %get3A_100 = arith.constant 48 : index
      %get3A_101 = tpu.vector_load %arg6[%get3A_98, %get3A_99, %get3A_100] {strides = array<i32>} : memref<78x2x128xi32, #tpu.memory_space<vmem>>, vector<1x1x16xi32>,
      %get3A_102 = vector.shape_cast %get3A_101 : vector<1x1x16xi32> to vector<16xi32>
      %shift_right_logical3A_103 = arith.constant 1 : i32
      %shift_right_logical3A_104 = vector.broadcast %shift_right_logical3A_103 : i32 to vector<16xi32>
      %shift_right_logical3A_105 = arith.shrui %get3A_102, %shift_right_logical3A_104 : vector<16xi32>
      %and3A_106 = arith.constant 1 : i32
      %and3A_107 = vector.broadcast %and3A_106 : i32 to vector<16xi32>
      %and3A_108 = arith.andi %get3A_102, %and3A_107 : vector<16xi32>
      %mul3A_109 = arith.constant 5120 : i32
      %mul3A_110 = vector.broadcast %mul3A_109 : i32 to vector<16xi32>
      %mul3A_111 = arith.muli %and3A_108, %mul3A_110 : vector<16xi32>
      %add3A_112 = arith.addi %shift_right_logical3A_105, %mul3A_111 : vector<16xi32>
      %swap3A_113 = arith.constant 1 : i32
      %swap3A_114 = arith.index_cast %scan3A_31 : i32 to index
      %swap3A_115 = arith.index_cast %swap3A_113 : i32 to index
      %swap3A_116 = arith.constant 48 : index
      %swap3A_117 = tpu.vector_load %arg6[%swap3A_114, %swap3A_115, %swap3A_116] {strides = array<i32>} : memref<78x2x128xi32, #tpu.memory_space<vmem>>, vector<1x1x16xi32>,
      %swap3A_118 = vector.shape_cast %swap3A_117 : vector<1x1x16xi32> to vector<16xi32>
      %swap3A_119 = vector.shape_cast %add3A_112 : vector<16xi32> to vector<1x1x16xi32>
      tpu.vector_store %arg6[%swap3A_114, %swap3A_115, %swap3A_116], %swap3A_119 {strides = array<i32>} : memref<78x2x128xi32, #tpu.memory_space<vmem>>, vector<1x1x16xi32>,
      %get3A_120 = arith.constant 1 : i32
      %get3A_121 = arith.index_cast %scan3A_31 : i32 to index
      %get3A_122 = arith.index_cast %get3A_120 : i32 to index
      %get3A_123 = arith.constant 64 : index
      %get3A_124 = tpu.vector_load %arg6[%get3A_121, %get3A_122, %get3A_123] {strides = array<i32>} : memref<78x2x128xi32, #tpu.memory_space<vmem>>, vector<1x1x16xi32>,
      %get3A_125 = vector.shape_cast %get3A_124 : vector<1x1x16xi32> to vector<16xi32>
      %shift_right_logical3A_126 = arith.constant 1 : i32
      %shift_right_logical3A_127 = vector.broadcast %shift_right_logical3A_126 : i32 to vector<16xi32>
      %shift_right_logical3A_128 = arith.shrui %get3A_125, %shift_right_logical3A_127 : vector<16xi32>
      %and3A_129 = arith.constant 1 : i32
      %and3A_130 = vector.broadcast %and3A_129 : i32 to vector<16xi32>
      %and3A_131 = arith.andi %get3A_125, %and3A_130 : vector<16xi32>
      %mul3A_132 = arith.constant 5120 : i32
      %mul3A_133 = vector.broadcast %mul3A_132 : i32 to vector<16xi32>
      %mul3A_134 = arith.muli %and3A_131, %mul3A_133 : vector<16xi32>
      %add3A_135 = arith.addi %shift_right_logical3A_128, %mul3A_134 : vector<16xi32>
      %swap3A_136 = arith.constant 1 : i32
      %swap3A_137 = arith.index_cast %scan3A_31 : i32 to index
      %swap3A_138 = arith.index_cast %swap3A_136 : i32 to index
      %swap3A_139 = arith.constant 64 : index
      %swap3A_140 = tpu.vector_load %arg6[%swap3A_137, %swap3A_138, %swap3A_139] {strides = array<i32>} : memref<78x2x128xi32, #tpu.memory_space<vmem>>, vector<1x1x16xi32>,
      %swap3A_141 = vector.shape_cast %swap3A_140 : vector<1x1x16xi32> to vector<16xi32>
      %swap3A_142 = vector.shape_cast %add3A_135 : vector<16xi32> to vector<1x1x16xi32>
      tpu.vector_store %arg6[%swap3A_137, %swap3A_138, %swap3A_139], %swap3A_142 {strides = array<i32>} : memref<78x2x128xi32, #tpu.memory_space<vmem>>, vector<1x1x16xi32>,
      %get3A_143 = arith.constant 1 : i32
      %get3A_144 = arith.index_cast %scan3A_31 : i32 to index
      %get3A_145 = arith.index_cast %get3A_143 : i32 to index
      %get3A_146 = arith.constant 80 : index
      %get3A_147 = tpu.vector_load %arg6[%get3A_144, %get3A_145, %get3A_146] {strides = array<i32>} : memref<78x2x128xi32, #tpu.memory_space<vmem>>, vector<1x1x16xi32>,
      %get3A_148 = vector.shape_cast %get3A_147 : vector<1x1x16xi32> to vector<16xi32>
      %shift_right_logical3A_149 = arith.constant 1 : i32
      %shift_right_logical3A_150 = vector.broadcast %shift_right_logical3A_149 : i32 to vector<16xi32>
      %shift_right_logical3A_151 = arith.shrui %get3A_148, %shift_right_logical3A_150 : vector<16xi32>
      %and3A_152 = arith.constant 1 : i32
      %and3A_153 = vector.broadcast %and3A_152 : i32 to vector<16xi32>
      %and3A_154 = arith.andi %get3A_148, %and3A_153 : vector<16xi32>
      %mul3A_155 = arith.constant 5120 : i32
      %mul3A_156 = vector.broadcast %mul3A_155 : i32 to vector<16xi32>
      %mul3A_157 = arith.muli %and3A_154, %mul3A_156 : vector<16xi32>
      %add3A_158 = arith.addi %shift_right_logical3A_151, %mul3A_157 : vector<16xi32>
      %swap3A_159 = arith.constant 1 : i32
      %swap3A_160 = arith.index_cast %scan3A_31 : i32 to index
      %swap3A_161 = arith.index_cast %swap3A_159 : i32 to index
      %swap3A_162 = arith.constant 80 : index
      %swap3A_163 = tpu.vector_load %arg6[%swap3A_160, %swap3A_161, %swap3A_162] {strides = array<i32>} : memref<78x2x128xi32, #tpu.memory_space<vmem>>, vector<1x1x16xi32>,
      %swap3A_164 = vector.shape_cast %swap3A_163 : vector<1x1x16xi32> to vector<16xi32>
      %swap3A_165 = vector.shape_cast %add3A_158 : vector<16xi32> to vector<1x1x16xi32>
      tpu.vector_store %arg6[%swap3A_160, %swap3A_161, %swap3A_162], %swap3A_165 {strides = array<i32>} : memref<78x2x128xi32, #tpu.memory_space<vmem>>, vector<1x1x16xi32>,
      %get3A_166 = arith.constant 1 : i32
      %get3A_167 = arith.index_cast %scan3A_31 : i32 to index
      %get3A_168 = arith.index_cast %get3A_166 : i32 to index
      %get3A_169 = arith.constant 96 : index
      %get3A_170 = tpu.vector_load %arg6[%get3A_167, %get3A_168, %get3A_169] {strides = array<i32>} : memref<78x2x128xi32, #tpu.memory_space<vmem>>, vector<1x1x16xi32>,
      %get3A_171 = vector.shape_cast %get3A_170 : vector<1x1x16xi32> to vector<16xi32>
      %shift_right_logical3A_172 = arith.constant 1 : i32
      %shift_right_logical3A_173 = vector.broadcast %shift_right_logical3A_172 : i32 to vector<16xi32>
      %shift_right_logical3A_174 = arith.shrui %get3A_171, %shift_right_logical3A_173 : vector<16xi32>
      %and3A_175 = arith.constant 1 : i32
      %and3A_176 = vector.broadcast %and3A_175 : i32 to vector<16xi32>
      %and3A_177 = arith.andi %get3A_171, %and3A_176 : vector<16xi32>
      %mul3A_178 = arith.constant 5120 : i32
      %mul3A_179 = vector.broadcast %mul3A_178 : i32 to vector<16xi32>
      %mul3A_180 = arith.muli %and3A_177, %mul3A_179 : vector<16xi32>
      %add3A_181 = arith.addi %shift_right_logical3A_174, %mul3A_180 : vector<16xi32>
      %swap3A_182 = arith.constant 1 : i32
      %swap3A_183 = arith.index_cast %scan3A_31 : i32 to index
      %swap3A_184 = arith.index_cast %swap3A_182 : i32 to index
      %swap3A_185 = arith.constant 96 : index
      %swap3A_186 = tpu.vector_load %arg6[%swap3A_183, %swap3A_184, %swap3A_185] {strides = array<i32>} : memref<78x2x128xi32, #tpu.memory_space<vmem>>, vector<1x1x16xi32>,
      %swap3A_187 = vector.shape_cast %swap3A_186 : vector<1x1x16xi32> to vector<16xi32>
      %swap3A_188 = vector.shape_cast %add3A_181 : vector<16xi32> to vector<1x1x16xi32>
      tpu.vector_store %arg6[%swap3A_183, %swap3A_184, %swap3A_185], %swap3A_188 {strides = array<i32>} : memref<78x2x128xi32, #tpu.memory_space<vmem>>, vector<1x1x16xi32>,
      %get3A_189 = arith.constant 1 : i32
      %get3A_190 = arith.index_cast %scan3A_31 : i32 to index
      %get3A_191 = arith.index_cast %get3A_189 : i32 to index
      %get3A_192 = arith.constant 112 : index
      %get3A_193 = tpu.vector_load %arg6[%get3A_190, %get3A_191, %get3A_192] {strides = array<i32>} : memref<78x2x128xi32, #tpu.memory_space<vmem>>, vector<1x1x16xi32>,
      %get3A_194 = vector.shape_cast %get3A_193 : vector<1x1x16xi32> to vector<16xi32>
      %shift_right_logical3A_195 = arith.constant 1 : i32
      %shift_right_logical3A_196 = vector.broadcast %shift_right_logical3A_195 : i32 to vector<16xi32>
      %shift_right_logical3A_197 = arith.shrui %get3A_194, %shift_right_logical3A_196 : vector<16xi32>
      %and3A_198 = arith.constant 1 : i32
      %and3A_199 = vector.broadcast %and3A_198 : i32 to vector<16xi32>
      %and3A_200 = arith.andi %get3A_194, %and3A_199 : vector<16xi32>
      %mul3A_201 = arith.constant 5120 : i32
      %mul3A_202 = vector.broadcast %mul3A_201 : i32 to vector<16xi32>
      %mul3A_203 = arith.muli %and3A_200, %mul3A_202 : vector<16xi32>
      %add3A_204 = arith.addi %shift_right_logical3A_197, %mul3A_203 : vector<16xi32>
      %swap3A_205 = arith.constant 1 : i32
      %swap3A_206 = arith.index_cast %scan3A_31 : i32 to index
      %swap3A_207 = arith.index_cast %swap3A_205 : i32 to index
      %swap3A_208 = arith.constant 112 : index
      %swap3A_209 = tpu.vector_load %arg6[%swap3A_206, %swap3A_207, %swap3A_208] {strides = array<i32>} : memref<78x2x128xi32, #tpu.memory_space<vmem>>, vector<1x1x16xi32>,
      %swap3A_210 = vector.shape_cast %swap3A_209 : vector<1x1x16xi32> to vector<16xi32>
      %swap3A_211 = vector.shape_cast %add3A_204 : vector<16xi32> to vector<1x1x16xi32>
      tpu.vector_store %arg6[%swap3A_206, %swap3A_207, %swap3A_208], %swap3A_211 {strides = array<i32>} : memref<78x2x128xi32, #tpu.memory_space<vmem>>, vector<1x1x16xi32>,
      %dma_start3A = arith.constant 1 : i32
      %dma_start3A_212 = arith.constant 0 : i32
      %dma_start3A_213 = tpu.memref_slice %arg6[%scan3A_31, %dma_start3A, %dma_start3A_212] : memref<78x2x128xi32, #tpu.memory_space<vmem>> -> memref<1x1x128xi32, #tpu.memory_space<vmem>>
      %dma_start3A_214 = tpu.memref_squeeze %dma_start3A_213 : memref<1x1x128xi32, #tpu.memory_space<vmem>> -> memref<128xi32, #tpu.memory_space<vmem>>
      %dma_start3A_215 = arith.constant 0 : i32
      %dma_start3A_216 = tpu.memref_slice %arg10[%dma_start3A_215] : memref<10240xf32, #tpu.memory_space<vmem_shared>> -> memref<10240xf32, #tpu.memory_space<vmem_shared>>
      tpu.enqueue_indirect_dma source(%arg8 : memref<128xf32, #tpu.memory_space<vmem>>) target(%dma_start3A_216 : memref<10240xf32, #tpu.memory_space<vmem_shared>>) offsets(%dma_start3A_214 : memref<128xi32, #tpu.memory_space<vmem>>) semaphore(%arg11 : memref<!tpu.dma_semaphore, #tpu.memory_space<semaphore_mem>>) {add = true}
      %gt3A = arith.constant 0 : i32
      %gt3A_217 = arith.cmpi sgt, %scan3A_31, %gt3A : i32
      %convert_element_type3A_218 = arith.extui %gt3A_217 : i1 to i32
      %cond3A_219 = arith.constant 0 : i32
      %cond3A_220 = arith.cmpi ne, %convert_element_type3A_218, %cond3A_219 : i32
      scf.if %cond3A_220 {
        %dma_wait3A_221 = arith.constant 0 : i32
        %dma_wait3A_222 = arith.constant 1 : i32
        %dma_wait3A_223 = arith.constant 0 : i32
        %dma_wait3A_224 = tpu.memref_slice %arg6[%dma_wait3A_221, %dma_wait3A_222, %dma_wait3A_223] : memref<78x2x128xi32, #tpu.memory_space<vmem>> -> memref<1x1x128xi32, #tpu.memory_space<vmem>>
        %dma_wait3A_225 = tpu.memref_squeeze %dma_wait3A_224 : memref<1x1x128xi32, #tpu.memory_space<vmem>> -> memref<128xi32, #tpu.memory_space<vmem>>
        %dma_wait3A_226 = arith.constant 0 : i32
        %dma_wait3A_227 = tpu.memref_slice %arg10[%dma_wait3A_226] : memref<10240xf32, #tpu.memory_space<vmem_shared>> -> memref<10240xf32, #tpu.memory_space<vmem_shared>>
        tpu.wait_indirect_dma semaphore(%arg11 : memref<!tpu.dma_semaphore, #tpu.memory_space<semaphore_mem>>) src(%arg8 : memref<128xf32, #tpu.memory_space<vmem>>) dst(%dma_wait3A_227 : memref<10240xf32, #tpu.memory_space<vmem_shared>>)
      } else {
      }
    }
    %scan3A_11 = arith.constant 78 : i32
    %dma_wait3A = arith.constant 0 : i32
    %dma_wait3A_12 = arith.constant 1 : i32
    %dma_wait3A_13 = arith.constant 0 : i32
    %dma_wait3A_14 = tpu.memref_slice %arg6[%dma_wait3A, %dma_wait3A_12, %dma_wait3A_13] : memref<78x2x128xi32, #tpu.memory_space<vmem>> -> memref<1x1x128xi32, #tpu.memory_space<vmem>>
    %dma_wait3A_15 = tpu.memref_squeeze %dma_wait3A_14 : memref<1x1x128xi32, #tpu.memory_space<vmem>> -> memref<128xi32, #tpu.memory_space<vmem>>
    %dma_wait3A_16 = arith.constant 0 : i32
    %dma_wait3A_17 = tpu.memref_slice %arg10[%dma_wait3A_16] : memref<10240xf32, #tpu.memory_space<vmem_shared>> -> memref<10240xf32, #tpu.memory_space<vmem_shared>>
    tpu.wait_indirect_dma semaphore(%arg11 : memref<!tpu.dma_semaphore, #tpu.memory_space<semaphore_mem>>) src(%arg8 : memref<128xf32, #tpu.memory_space<vmem>>) dst(%dma_wait3A_17 : memref<10240xf32, #tpu.memory_space<vmem_shared>>)
    %lt3A_18 = arith.constant 4 : i32
    %lt3A_19 = arith.cmpi slt, %add3A, %lt3A_18 : i32
    %convert_element_type3A_20 = arith.extui %lt3A_19 : i1 to i32
    %cond3A_21 = arith.constant 0 : i32
    %cond3A_22 = arith.cmpi ne, %convert_element_type3A_20, %cond3A_21 : i32
    scf.if %cond3A_22 {
      %get3A = arith.constant 1 : i32
      %get3A_31 = arith.index_cast %get3A : i32 to index
      %get3A_32 = arith.constant 0 : index
      %get3A_33 = tpu.vector_load %arg7[%get3A_31, %get3A_32] {strides = array<i32>} : memref<2x128xi32, #tpu.memory_space<vmem>>, vector<1x16xi32>,
      %get3A_34 = vector.shape_cast %get3A_33 : vector<1x16xi32> to vector<16xi32>
      %shift_right_logical3A = arith.constant 1 : i32
      %shift_right_logical3A_35 = vector.broadcast %shift_right_logical3A : i32 to vector<16xi32>
      %shift_right_logical3A_36 = arith.shrui %get3A_34, %shift_right_logical3A_35 : vector<16xi32>
      %and3A = arith.constant 1 : i32
      %and3A_37 = vector.broadcast %and3A : i32 to vector<16xi32>
      %and3A_38 = arith.andi %get3A_34, %and3A_37 : vector<16xi32>
      %mul3A_39 = arith.constant 5120 : i32
      %mul3A_40 = vector.broadcast %mul3A_39 : i32 to vector<16xi32>
      %mul3A_41 = arith.muli %and3A_38, %mul3A_40 : vector<16xi32>
      %add3A_42 = arith.addi %shift_right_logical3A_36, %mul3A_41 : vector<16xi32>
      %swap3A = arith.constant 1 : i32
      %swap3A_43 = arith.index_cast %swap3A : i32 to index
      %swap3A_44 = arith.constant 0 : index
      %swap3A_45 = tpu.vector_load %arg7[%swap3A_43, %swap3A_44] {strides = array<i32>} : memref<2x128xi32, #tpu.memory_space<vmem>>, vector<1x16xi32>,
      %swap3A_46 = vector.shape_cast %swap3A_45 : vector<1x16xi32> to vector<16xi32>
      %swap3A_47 = vector.shape_cast %add3A_42 : vector<16xi32> to vector<1x16xi32>
      tpu.vector_store %arg7[%swap3A_43, %swap3A_44], %swap3A_47 {strides = array<i32>} : memref<2x128xi32, #tpu.memory_space<vmem>>, vector<1x16xi32>,
      %get3A_48 = arith.constant 1 : i32
      %get3A_49 = arith.index_cast %get3A_48 : i32 to index
      %get3A_50 = arith.constant 16 : index
      %get3A_51 = tpu.vector_load %arg7[%get3A_49, %get3A_50] {strides = array<i32>} : memref<2x128xi32, #tpu.memory_space<vmem>>, vector<1x16xi32>,
      %get3A_52 = vector.shape_cast %get3A_51 : vector<1x16xi32> to vector<16xi32>
      %shift_right_logical3A_53 = arith.constant 1 : i32
      %shift_right_logical3A_54 = vector.broadcast %shift_right_logical3A_53 : i32 to vector<16xi32>
      %shift_right_logical3A_55 = arith.shrui %get3A_52, %shift_right_logical3A_54 : vector<16xi32>
      %and3A_56 = arith.constant 1 : i32
      %and3A_57 = vector.broadcast %and3A_56 : i32 to vector<16xi32>
      %and3A_58 = arith.andi %get3A_52, %and3A_57 : vector<16xi32>
      %mul3A_59 = arith.constant 5120 : i32
      %mul3A_60 = vector.broadcast %mul3A_59 : i32 to vector<16xi32>
      %mul3A_61 = arith.muli %and3A_58, %mul3A_60 : vector<16xi32>
      %add3A_62 = arith.addi %shift_right_logical3A_55, %mul3A_61 : vector<16xi32>
      %swap3A_63 = arith.constant 1 : i32
      %swap3A_64 = arith.index_cast %swap3A_63 : i32 to index
      %swap3A_65 = arith.constant 16 : index
      %swap3A_66 = tpu.vector_load %arg7[%swap3A_64, %swap3A_65] {strides = array<i32>} : memref<2x128xi32, #tpu.memory_space<vmem>>, vector<1x16xi32>,
      %swap3A_67 = vector.shape_cast %swap3A_66 : vector<1x16xi32> to vector<16xi32>
      %swap3A_68 = vector.shape_cast %add3A_62 : vector<16xi32> to vector<1x16xi32>
      tpu.vector_store %arg7[%swap3A_64, %swap3A_65], %swap3A_68 {strides = array<i32>} : memref<2x128xi32, #tpu.memory_space<vmem>>, vector<1x16xi32>,
      %get3A_69 = arith.constant 1 : i32
      %get3A_70 = arith.index_cast %get3A_69 : i32 to index
      %get3A_71 = arith.constant 32 : index
      %get3A_72 = tpu.vector_load %arg7[%get3A_70, %get3A_71] {strides = array<i32>} : memref<2x128xi32, #tpu.memory_space<vmem>>, vector<1x16xi32>,
      %get3A_73 = vector.shape_cast %get3A_72 : vector<1x16xi32> to vector<16xi32>
      %shift_right_logical3A_74 = arith.constant 1 : i32
      %shift_right_logical3A_75 = vector.broadcast %shift_right_logical3A_74 : i32 to vector<16xi32>
      %shift_right_logical3A_76 = arith.shrui %get3A_73, %shift_right_logical3A_75 : vector<16xi32>
      %and3A_77 = arith.constant 1 : i32
      %and3A_78 = vector.broadcast %and3A_77 : i32 to vector<16xi32>
      %and3A_79 = arith.andi %get3A_73, %and3A_78 : vector<16xi32>
      %mul3A_80 = arith.constant 5120 : i32
      %mul3A_81 = vector.broadcast %mul3A_80 : i32 to vector<16xi32>
      %mul3A_82 = arith.muli %and3A_79, %mul3A_81 : vector<16xi32>
      %add3A_83 = arith.addi %shift_right_logical3A_76, %mul3A_82 : vector<16xi32>
      %swap3A_84 = arith.constant 1 : i32
      %swap3A_85 = arith.index_cast %swap3A_84 : i32 to index
      %swap3A_86 = arith.constant 32 : index
      %swap3A_87 = tpu.vector_load %arg7[%swap3A_85, %swap3A_86] {strides = array<i32>} : memref<2x128xi32, #tpu.memory_space<vmem>>, vector<1x16xi32>,
      %swap3A_88 = vector.shape_cast %swap3A_87 : vector<1x16xi32> to vector<16xi32>
      %swap3A_89 = vector.shape_cast %add3A_83 : vector<16xi32> to vector<1x16xi32>
      tpu.vector_store %arg7[%swap3A_85, %swap3A_86], %swap3A_89 {strides = array<i32>} : memref<2x128xi32, #tpu.memory_space<vmem>>, vector<1x16xi32>,
      %get3A_90 = arith.constant 1 : i32
      %get3A_91 = arith.index_cast %get3A_90 : i32 to index
      %get3A_92 = arith.constant 48 : index
      %get3A_93 = tpu.vector_load %arg7[%get3A_91, %get3A_92] {strides = array<i32>} : memref<2x128xi32, #tpu.memory_space<vmem>>, vector<1x16xi32>,
      %get3A_94 = vector.shape_cast %get3A_93 : vector<1x16xi32> to vector<16xi32>
      %shift_right_logical3A_95 = arith.constant 1 : i32
      %shift_right_logical3A_96 = vector.broadcast %shift_right_logical3A_95 : i32 to vector<16xi32>
      %shift_right_logical3A_97 = arith.shrui %get3A_94, %shift_right_logical3A_96 : vector<16xi32>
      %and3A_98 = arith.constant 1 : i32
      %and3A_99 = vector.broadcast %and3A_98 : i32 to vector<16xi32>
      %and3A_100 = arith.andi %get3A_94, %and3A_99 : vector<16xi32>
      %mul3A_101 = arith.constant 5120 : i32
      %mul3A_102 = vector.broadcast %mul3A_101 : i32 to vector<16xi32>
      %mul3A_103 = arith.muli %and3A_100, %mul3A_102 : vector<16xi32>
      %add3A_104 = arith.addi %shift_right_logical3A_97, %mul3A_103 : vector<16xi32>
      %swap3A_105 = arith.constant 1 : i32
      %swap3A_106 = arith.index_cast %swap3A_105 : i32 to index
      %swap3A_107 = arith.constant 48 : index
      %swap3A_108 = tpu.vector_load %arg7[%swap3A_106, %swap3A_107] {strides = array<i32>} : memref<2x128xi32, #tpu.memory_space<vmem>>, vector<1x16xi32>,
      %swap3A_109 = vector.shape_cast %swap3A_108 : vector<1x16xi32> to vector<16xi32>
      %swap3A_110 = vector.shape_cast %add3A_104 : vector<16xi32> to vector<1x16xi32>
      tpu.vector_store %arg7[%swap3A_106, %swap3A_107], %swap3A_110 {strides = array<i32>} : memref<2x128xi32, #tpu.memory_space<vmem>>, vector<1x16xi32>,
      %get3A_111 = arith.constant 1 : i32
      %get3A_112 = arith.index_cast %get3A_111 : i32 to index
      %get3A_113 = arith.constant 64 : index
      %get3A_114 = tpu.vector_load %arg7[%get3A_112, %get3A_113] {strides = array<i32>} : memref<2x128xi32, #tpu.memory_space<vmem>>, vector<1x16xi32>,
      %get3A_115 = vector.shape_cast %get3A_114 : vector<1x16xi32> to vector<16xi32>
      %shift_right_logical3A_116 = arith.constant 1 : i32
      %shift_right_logical3A_117 = vector.broadcast %shift_right_logical3A_116 : i32 to vector<16xi32>
      %shift_right_logical3A_118 = arith.shrui %get3A_115, %shift_right_logical3A_117 : vector<16xi32>
      %and3A_119 = arith.constant 1 : i32
      %and3A_120 = vector.broadcast %and3A_119 : i32 to vector<16xi32>
      %and3A_121 = arith.andi %get3A_115, %and3A_120 : vector<16xi32>
      %mul3A_122 = arith.constant 5120 : i32
      %mul3A_123 = vector.broadcast %mul3A_122 : i32 to vector<16xi32>
      %mul3A_124 = arith.muli %and3A_121, %mul3A_123 : vector<16xi32>
      %add3A_125 = arith.addi %shift_right_logical3A_118, %mul3A_124 : vector<16xi32>
      %swap3A_126 = arith.constant 1 : i32
      %swap3A_127 = arith.index_cast %swap3A_126 : i32 to index
      %swap3A_128 = arith.constant 64 : index
      %swap3A_129 = tpu.vector_load %arg7[%swap3A_127, %swap3A_128] {strides = array<i32>} : memref<2x128xi32, #tpu.memory_space<vmem>>, vector<1x16xi32>,
      %swap3A_130 = vector.shape_cast %swap3A_129 : vector<1x16xi32> to vector<16xi32>
      %swap3A_131 = vector.shape_cast %add3A_125 : vector<16xi32> to vector<1x16xi32>
      tpu.vector_store %arg7[%swap3A_127, %swap3A_128], %swap3A_131 {strides = array<i32>} : memref<2x128xi32, #tpu.memory_space<vmem>>, vector<1x16xi32>,
      %get3A_132 = arith.constant 1 : i32
      %get3A_133 = arith.index_cast %get3A_132 : i32 to index
      %get3A_134 = arith.constant 80 : index
      %get3A_135 = tpu.vector_load %arg7[%get3A_133, %get3A_134] {strides = array<i32>} : memref<2x128xi32, #tpu.memory_space<vmem>>, vector<1x16xi32>,
      %get3A_136 = vector.shape_cast %get3A_135 : vector<1x16xi32> to vector<16xi32>
      %shift_right_logical3A_137 = arith.constant 1 : i32
      %shift_right_logical3A_138 = vector.broadcast %shift_right_logical3A_137 : i32 to vector<16xi32>
      %shift_right_logical3A_139 = arith.shrui %get3A_136, %shift_right_logical3A_138 : vector<16xi32>
      %and3A_140 = arith.constant 1 : i32
      %and3A_141 = vector.broadcast %and3A_140 : i32 to vector<16xi32>
      %and3A_142 = arith.andi %get3A_136, %and3A_141 : vector<16xi32>
      %mul3A_143 = arith.constant 5120 : i32
      %mul3A_144 = vector.broadcast %mul3A_143 : i32 to vector<16xi32>
      %mul3A_145 = arith.muli %and3A_142, %mul3A_144 : vector<16xi32>
      %add3A_146 = arith.addi %shift_right_logical3A_139, %mul3A_145 : vector<16xi32>
      %swap3A_147 = arith.constant 1 : i32
      %swap3A_148 = arith.index_cast %swap3A_147 : i32 to index
      %swap3A_149 = arith.constant 80 : index
      %swap3A_150 = tpu.vector_load %arg7[%swap3A_148, %swap3A_149] {strides = array<i32>} : memref<2x128xi32, #tpu.memory_space<vmem>>, vector<1x16xi32>,
      %swap3A_151 = vector.shape_cast %swap3A_150 : vector<1x16xi32> to vector<16xi32>
      %swap3A_152 = vector.shape_cast %add3A_146 : vector<16xi32> to vector<1x16xi32>
      tpu.vector_store %arg7[%swap3A_148, %swap3A_149], %swap3A_152 {strides = array<i32>} : memref<2x128xi32, #tpu.memory_space<vmem>>, vector<1x16xi32>,
      %get3A_153 = arith.constant 1 : i32
      %get3A_154 = arith.index_cast %get3A_153 : i32 to index
      %get3A_155 = arith.constant 96 : index
      %get3A_156 = tpu.vector_load %arg7[%get3A_154, %get3A_155] {strides = array<i32>} : memref<2x128xi32, #tpu.memory_space<vmem>>, vector<1x16xi32>,
      %get3A_157 = vector.shape_cast %get3A_156 : vector<1x16xi32> to vector<16xi32>
      %shift_right_logical3A_158 = arith.constant 1 : i32
      %shift_right_logical3A_159 = vector.broadcast %shift_right_logical3A_158 : i32 to vector<16xi32>
      %shift_right_logical3A_160 = arith.shrui %get3A_157, %shift_right_logical3A_159 : vector<16xi32>
      %and3A_161 = arith.constant 1 : i32
      %and3A_162 = vector.broadcast %and3A_161 : i32 to vector<16xi32>
      %and3A_163 = arith.andi %get3A_157, %and3A_162 : vector<16xi32>
      %mul3A_164 = arith.constant 5120 : i32
      %mul3A_165 = vector.broadcast %mul3A_164 : i32 to vector<16xi32>
      %mul3A_166 = arith.muli %and3A_163, %mul3A_165 : vector<16xi32>
      %add3A_167 = arith.addi %shift_right_logical3A_160, %mul3A_166 : vector<16xi32>
      %swap3A_168 = arith.constant 1 : i32
      %swap3A_169 = arith.index_cast %swap3A_168 : i32 to index
      %swap3A_170 = arith.constant 96 : index
      %swap3A_171 = tpu.vector_load %arg7[%swap3A_169, %swap3A_170] {strides = array<i32>} : memref<2x128xi32, #tpu.memory_space<vmem>>, vector<1x16xi32>,
      %swap3A_172 = vector.shape_cast %swap3A_171 : vector<1x16xi32> to vector<16xi32>
      %swap3A_173 = vector.shape_cast %add3A_167 : vector<16xi32> to vector<1x16xi32>
      tpu.vector_store %arg7[%swap3A_169, %swap3A_170], %swap3A_173 {strides = array<i32>} : memref<2x128xi32, #tpu.memory_space<vmem>>, vector<1x16xi32>,
      %get3A_174 = arith.constant 1 : i32
      %get3A_175 = arith.index_cast %get3A_174 : i32 to index
      %get3A_176 = arith.constant 112 : index
      %get3A_177 = tpu.vector_load %arg7[%get3A_175, %get3A_176] {strides = array<i32>} : memref<2x128xi32, #tpu.memory_space<vmem>>, vector<1x16xi32>,
      %get3A_178 = vector.shape_cast %get3A_177 : vector<1x16xi32> to vector<16xi32>
      %shift_right_logical3A_179 = arith.constant 1 : i32
      %shift_right_logical3A_180 = vector.broadcast %shift_right_logical3A_179 : i32 to vector<16xi32>
      %shift_right_logical3A_181 = arith.shrui %get3A_178, %shift_right_logical3A_180 : vector<16xi32>
      %and3A_182 = arith.constant 1 : i32
      %and3A_183 = vector.broadcast %and3A_182 : i32 to vector<16xi32>
      %and3A_184 = arith.andi %get3A_178, %and3A_183 : vector<16xi32>
      %mul3A_185 = arith.constant 5120 : i32
      %mul3A_186 = vector.broadcast %mul3A_185 : i32 to vector<16xi32>
      %mul3A_187 = arith.muli %and3A_184, %mul3A_186 : vector<16xi32>
      %add3A_188 = arith.addi %shift_right_logical3A_181, %mul3A_187 : vector<16xi32>
      %swap3A_189 = arith.constant 1 : i32
      %swap3A_190 = arith.index_cast %swap3A_189 : i32 to index
      %swap3A_191 = arith.constant 112 : index
      %swap3A_192 = tpu.vector_load %arg7[%swap3A_190, %swap3A_191] {strides = array<i32>} : memref<2x128xi32, #tpu.memory_space<vmem>>, vector<1x16xi32>,
      %swap3A_193 = vector.shape_cast %swap3A_192 : vector<1x16xi32> to vector<16xi32>
      %swap3A_194 = vector.shape_cast %add3A_188 : vector<16xi32> to vector<1x16xi32>
      tpu.vector_store %arg7[%swap3A_190, %swap3A_191], %swap3A_194 {strides = array<i32>} : memref<2x128xi32, #tpu.memory_space<vmem>>, vector<1x16xi32>,
      %run_scoped3A = arith.constant 1 : i32
      "tpu.region"() ({
        %run_scoped3A_195 = tpu.sem_alloc : memref<!tpu.dma_semaphore, #tpu.memory_space<semaphore_mem>>
        %dma_start3A = arith.constant 0 : i32
        %dma_start3A_196 = tpu.memref_slice %arg7[%run_scoped3A, %dma_start3A] : memref<2x128xi32, #tpu.memory_space<vmem>> -> memref<1x128xi32, #tpu.memory_space<vmem>>
        %dma_start3A_197 = tpu.memref_squeeze %dma_start3A_196 : memref<1x128xi32, #tpu.memory_space<vmem>> -> memref<128xi32, #tpu.memory_space<vmem>>
        %dma_start3A_198 = arith.constant 0 : i32
        %dma_start3A_199 = tpu.memref_slice %arg10[%dma_start3A_198] : memref<10240xf32, #tpu.memory_space<vmem_shared>> -> memref<10240xf32, #tpu.memory_space<vmem_shared>>
        tpu.enqueue_indirect_dma source(%arg8 : memref<128xf32, #tpu.memory_space<vmem>>) target(%dma_start3A_199 : memref<10240xf32, #tpu.memory_space<vmem_shared>>) offsets(%dma_start3A_197 : memref<128xi32, #tpu.memory_space<vmem>>) semaphore(%run_scoped3A_195 : memref<!tpu.dma_semaphore, #tpu.memory_space<semaphore_mem>>) {add = true}
        %dma_wait3A_200 = arith.constant 0 : i32
        %dma_wait3A_201 = tpu.memref_slice %arg7[%run_scoped3A, %dma_wait3A_200] : memref<2x128xi32, #tpu.memory_space<vmem>> -> memref<1x128xi32, #tpu.memory_space<vmem>>
        %dma_wait3A_202 = tpu.memref_squeeze %dma_wait3A_201 : memref<1x128xi32, #tpu.memory_space<vmem>> -> memref<128xi32, #tpu.memory_space<vmem>>
        %dma_wait3A_203 = arith.constant 0 : i32
        %dma_wait3A_204 = tpu.memref_slice %arg10[%dma_wait3A_203] : memref<10240xf32, #tpu.memory_space<vmem_shared>> -> memref<10240xf32, #tpu.memory_space<vmem_shared>>
        tpu.wait_indirect_dma semaphore(%run_scoped3A_195 : memref<!tpu.dma_semaphore, #tpu.memory_space<semaphore_mem>>) src(%arg8 : memref<128xf32, #tpu.memory_space<vmem>>) dst(%dma_wait3A_204 : memref<10240xf32, #tpu.memory_space<vmem_shared>>)
        tpu.yield
      }) : () -> ()
    } else {
    }
    %barrier3A_23 = arith.constant 0 : index
    tpu.barrier barrier_id(%barrier3A_23)
    %mul3A_24 = arith.constant 640 : i32
    %mul3A_25 = arith.muli %arg1, %mul3A_24 : i32
    "tpu.region"() ({
      %run_scoped3A = tpu.sem_alloc : memref<!tpu.dma_semaphore, #tpu.memory_space<semaphore_mem>>
      %dma_start3A = tpu.memref_slice %arg10[%mul3A_25] : memref<10240xf32, #tpu.memory_space<vmem_shared>> -> memref<640xf32, #tpu.memory_space<vmem_shared>>
      %dma_start3A_31 = tpu.memref_slice %arg10[%mul3A_25] : memref<10240xf32, #tpu.memory_space<vmem_shared>> -> memref<640xf32, #tpu.memory_space<vmem_shared>>
      tpu.enqueue_dma source(%dma_start3A_31 : memref<640xf32, #tpu.memory_space<vmem_shared>>) target(%arg9 : memref<640xf32, #tpu.memory_space<vmem>>) target_semaphore(%run_scoped3A : memref<!tpu.dma_semaphore, #tpu.memory_space<semaphore_mem>>)
      %dma_wait3A_32 = tpu.memref_slice %arg10[%mul3A_25] : memref<10240xf32, #tpu.memory_space<vmem_shared>> -> memref<640xf32, #tpu.memory_space<vmem_shared>>
      %dma_wait3A_33 = tpu.memref_slice %arg10[%mul3A_25] : memref<10240xf32, #tpu.memory_space<vmem_shared>> -> memref<640xf32, #tpu.memory_space<vmem_shared>>
      tpu.wait_dma2 semaphore(%run_scoped3A : memref<!tpu.dma_semaphore, #tpu.memory_space<semaphore_mem>>) src(%dma_wait3A_33 : memref<640xf32, #tpu.memory_space<vmem_shared>>) dst(%arg9 : memref<640xf32, #tpu.memory_space<vmem>>)
      tpu.yield
    }) : () -> ()
    %mul3A_26 = arith.constant 10240 : i32
    %mul3A_27 = arith.muli %arg0, %mul3A_26 : i32
    %mul3A_28 = arith.constant 640 : i32
    %mul3A_29 = arith.muli %arg1, %mul3A_28 : i32
    %add3A_30 = arith.addi %mul3A_27, %mul3A_29 : i32
    "tpu.region"() ({
      %run_scoped3A = tpu.sem_alloc : memref<!tpu.dma_semaphore, #tpu.memory_space<semaphore_mem>>
      %dma_start3A = tpu.memref_slice %arg5[%add3A_30] : memref<20480xf32, #tpu.memory_space<hbm>> -> memref<640xf32, #tpu.memory_space<hbm>>
      %dma_start3A_31 = tpu.memref_slice %arg5[%add3A_30] : memref<20480xf32, #tpu.memory_space<hbm>> -> memref<640xf32, #tpu.memory_space<hbm>>
      tpu.enqueue_dma source(%arg9 : memref<640xf32, #tpu.memory_space<vmem>>) target(%dma_start3A_31 : memref<640xf32, #tpu.memory_space<hbm>>) target_semaphore(%run_scoped3A : memref<!tpu.dma_semaphore, #tpu.memory_space<semaphore_mem>>)
      %dma_wait3A_32 = tpu.memref_slice %arg5[%add3A_30] : memref<20480xf32, #tpu.memory_space<hbm>> -> memref<640xf32, #tpu.memory_space<hbm>>
      %dma_wait3A_33 = tpu.memref_slice %arg5[%add3A_30] : memref<20480xf32, #tpu.memory_space<hbm>> -> memref<640xf32, #tpu.memory_space<hbm>>
      tpu.wait_dma2 semaphore(%run_scoped3A : memref<!tpu.dma_semaphore, #tpu.memory_space<semaphore_mem>>) src(%arg9 : memref<640xf32, #tpu.memory_space<vmem>>) dst(%dma_wait3A_33 : memref<640xf32, #tpu.memory_space<hbm>>)
      tpu.yield
    }) : () -> ()
    return
  }
}

#map = affine_map<(d0, d1) -> (0, 0)>
#map1 = affine_map<(d0, d1) -> (0, 0, 0)>
module attributes {stable_mosaic.version = 14 : i64} {
  func.func @_agg_kernel(%arg0: i32, %arg1: i32, %arg2: memref<10240x64xf32, #tpu.memory_space<hbm>>, %arg3: memref<2500x2x128xi32, #tpu.memory_space<hbm>>, %arg4: memref<128x64xf32, #tpu.memory_space<hbm>>, %arg5: memref<10240x64xf32, #tpu.memory_space<hbm>>, %arg6: memref<10240x64xf32, #tpu.memory_space<hbm>>, %arg7: memref<78x2x128xi32, #tpu.memory_space<vmem>>, %arg8: memref<2x128xi32, #tpu.memory_space<vmem>>, %arg9: memref<128x64xf32, #tpu.memory_space<vmem>>, %arg10: memref<128x64xf32, #tpu.memory_space<vmem>>, %arg11: memref<128x64xf32, #tpu.memory_space<vmem>>, %arg12: memref<10240x64xf32, #tpu.memory_space<vmem_shared>>, %arg13: memref<!tpu.dma_semaphore, #tpu.memory_space<semaphore_mem>>, %arg14: memref<!tpu.dma_semaphore, #tpu.memory_space<semaphore_mem>>, %arg15: memref<!tpu.dma_semaphore, #tpu.memory_space<semaphore_mem>>) attributes {dimension_semantics = [#tpu.dimension_semantics<core_parallel>, #tpu.dimension_semantics<subcore_parallel>], iteration_bounds = array<i64: 2, 16>, scalar_prefetch = 0 : i64, scratch_operands = 9 : i64, tpu.core_type = #tpu.core_type<sc_vector_subcore>, window_params = [{transform_indices = #map}, {transform_indices = #map1}, {transform_indices = #map}, {transform_indices = #map}, {transform_indices = #map}]} {
    %mul3A = arith.constant 16 : i32
    %mul3A_0 = arith.muli %arg0, %mul3A : i32
    %add3A = arith.addi %mul3A_0, %arg1 : i32
    "tpu.region"() ({
      %run_scoped3A = tpu.sem_alloc : memref<!tpu.dma_semaphore, #tpu.memory_space<semaphore_mem>>
      tpu.enqueue_dma source(%arg4 : memref<128x64xf32, #tpu.memory_space<hbm>>) target(%arg9 : memref<128x64xf32, #tpu.memory_space<vmem>>) target_semaphore(%run_scoped3A : memref<!tpu.dma_semaphore, #tpu.memory_space<semaphore_mem>>)
      tpu.wait_dma2 semaphore(%run_scoped3A : memref<!tpu.dma_semaphore, #tpu.memory_space<semaphore_mem>>) src(%arg4 : memref<128x64xf32, #tpu.memory_space<hbm>>) dst(%arg9 : memref<128x64xf32, #tpu.memory_space<vmem>>)
      tpu.yield
    }) : () -> ()
    %mul3A_1 = arith.constant 640 : i32
    %mul3A_2 = arith.muli %arg1, %mul3A_1 : i32
    %add3A_3 = arith.constant 0 : i32
    %add3A_4 = arith.addi %mul3A_2, %add3A_3 : i32
    "tpu.region"() ({
      %run_scoped3A = tpu.sem_alloc : memref<!tpu.dma_semaphore, #tpu.memory_space<semaphore_mem>>
      %dma_start3A_128 = arith.constant 0 : i32
      %dma_start3A_129 = tpu.memref_slice %arg12[%add3A_4, %dma_start3A_128] : memref<10240x64xf32, #tpu.memory_space<vmem_shared>> -> memref<128x64xf32, #tpu.memory_space<vmem_shared>>
      %dma_start3A_130 = arith.constant 0 : i32
      %dma_start3A_131 = tpu.memref_slice %arg12[%add3A_4, %dma_start3A_130] : memref<10240x64xf32, #tpu.memory_space<vmem_shared>> -> memref<128x64xf32, #tpu.memory_space<vmem_shared>>
      tpu.enqueue_dma source(%arg9 : memref<128x64xf32, #tpu.memory_space<vmem>>) target(%dma_start3A_131 : memref<128x64xf32, #tpu.memory_space<vmem_shared>>) target_semaphore(%run_scoped3A : memref<!tpu.dma_semaphore, #tpu.memory_space<semaphore_mem>>)
      %dma_wait3A = arith.constant 0 : i32
      %dma_wait3A_132 = tpu.memref_slice %arg12[%add3A_4, %dma_wait3A] : memref<10240x64xf32, #tpu.memory_space<vmem_shared>> -> memref<128x64xf32, #tpu.memory_space<vmem_shared>>
      %dma_wait3A_133 = arith.constant 0 : i32
      %dma_wait3A_134 = tpu.memref_slice %arg12[%add3A_4, %dma_wait3A_133] : memref<10240x64xf32, #tpu.memory_space<vmem_shared>> -> memref<128x64xf32, #tpu.memory_space<vmem_shared>>
      tpu.wait_dma2 semaphore(%run_scoped3A : memref<!tpu.dma_semaphore, #tpu.memory_space<semaphore_mem>>) src(%arg9 : memref<128x64xf32, #tpu.memory_space<vmem>>) dst(%dma_wait3A_134 : memref<128x64xf32, #tpu.memory_space<vmem_shared>>)
      tpu.yield
    }) : () -> ()
    %mul3A_5 = arith.constant 640 : i32
    %mul3A_6 = arith.muli %arg1, %mul3A_5 : i32
    %add3A_7 = arith.constant 128 : i32
    %add3A_8 = arith.addi %mul3A_6, %add3A_7 : i32
    "tpu.region"() ({
      %run_scoped3A = tpu.sem_alloc : memref<!tpu.dma_semaphore, #tpu.memory_space<semaphore_mem>>
      %dma_start3A_128 = arith.constant 0 : i32
      %dma_start3A_129 = tpu.memref_slice %arg12[%add3A_8, %dma_start3A_128] : memref<10240x64xf32, #tpu.memory_space<vmem_shared>> -> memref<128x64xf32, #tpu.memory_space<vmem_shared>>
      %dma_start3A_130 = arith.constant 0 : i32
      %dma_start3A_131 = tpu.memref_slice %arg12[%add3A_8, %dma_start3A_130] : memref<10240x64xf32, #tpu.memory_space<vmem_shared>> -> memref<128x64xf32, #tpu.memory_space<vmem_shared>>
      tpu.enqueue_dma source(%arg9 : memref<128x64xf32, #tpu.memory_space<vmem>>) target(%dma_start3A_131 : memref<128x64xf32, #tpu.memory_space<vmem_shared>>) target_semaphore(%run_scoped3A : memref<!tpu.dma_semaphore, #tpu.memory_space<semaphore_mem>>)
      %dma_wait3A = arith.constant 0 : i32
      %dma_wait3A_132 = tpu.memref_slice %arg12[%add3A_8, %dma_wait3A] : memref<10240x64xf32, #tpu.memory_space<vmem_shared>> -> memref<128x64xf32, #tpu.memory_space<vmem_shared>>
      %dma_wait3A_133 = arith.constant 0 : i32
      %dma_wait3A_134 = tpu.memref_slice %arg12[%add3A_8, %dma_wait3A_133] : memref<10240x64xf32, #tpu.memory_space<vmem_shared>> -> memref<128x64xf32, #tpu.memory_space<vmem_shared>>
      tpu.wait_dma2 semaphore(%run_scoped3A : memref<!tpu.dma_semaphore, #tpu.memory_space<semaphore_mem>>) src(%arg9 : memref<128x64xf32, #tpu.memory_space<vmem>>) dst(%dma_wait3A_134 : memref<128x64xf32, #tpu.memory_space<vmem_shared>>)
      tpu.yield
    }) : () -> ()
    %mul3A_9 = arith.constant 640 : i32
    %mul3A_10 = arith.muli %arg1, %mul3A_9 : i32
    %add3A_11 = arith.constant 256 : i32
    %add3A_12 = arith.addi %mul3A_10, %add3A_11 : i32
    "tpu.region"() ({
      %run_scoped3A = tpu.sem_alloc : memref<!tpu.dma_semaphore, #tpu.memory_space<semaphore_mem>>
      %dma_start3A_128 = arith.constant 0 : i32
      %dma_start3A_129 = tpu.memref_slice %arg12[%add3A_12, %dma_start3A_128] : memref<10240x64xf32, #tpu.memory_space<vmem_shared>> -> memref<128x64xf32, #tpu.memory_space<vmem_shared>>
      %dma_start3A_130 = arith.constant 0 : i32
      %dma_start3A_131 = tpu.memref_slice %arg12[%add3A_12, %dma_start3A_130] : memref<10240x64xf32, #tpu.memory_space<vmem_shared>> -> memref<128x64xf32, #tpu.memory_space<vmem_shared>>
      tpu.enqueue_dma source(%arg9 : memref<128x64xf32, #tpu.memory_space<vmem>>) target(%dma_start3A_131 : memref<128x64xf32, #tpu.memory_space<vmem_shared>>) target_semaphore(%run_scoped3A : memref<!tpu.dma_semaphore, #tpu.memory_space<semaphore_mem>>)
      %dma_wait3A = arith.constant 0 : i32
      %dma_wait3A_132 = tpu.memref_slice %arg12[%add3A_12, %dma_wait3A] : memref<10240x64xf32, #tpu.memory_space<vmem_shared>> -> memref<128x64xf32, #tpu.memory_space<vmem_shared>>
      %dma_wait3A_133 = arith.constant 0 : i32
      %dma_wait3A_134 = tpu.memref_slice %arg12[%add3A_12, %dma_wait3A_133] : memref<10240x64xf32, #tpu.memory_space<vmem_shared>> -> memref<128x64xf32, #tpu.memory_space<vmem_shared>>
      tpu.wait_dma2 semaphore(%run_scoped3A : memref<!tpu.dma_semaphore, #tpu.memory_space<semaphore_mem>>) src(%arg9 : memref<128x64xf32, #tpu.memory_space<vmem>>) dst(%dma_wait3A_134 : memref<128x64xf32, #tpu.memory_space<vmem_shared>>)
      tpu.yield
    }) : () -> ()
    %mul3A_13 = arith.constant 640 : i32
    %mul3A_14 = arith.muli %arg1, %mul3A_13 : i32
    %add3A_15 = arith.constant 384 : i32
    %add3A_16 = arith.addi %mul3A_14, %add3A_15 : i32
    "tpu.region"() ({
      %run_scoped3A = tpu.sem_alloc : memref<!tpu.dma_semaphore, #tpu.memory_space<semaphore_mem>>
      %dma_start3A_128 = arith.constant 0 : i32
      %dma_start3A_129 = tpu.memref_slice %arg12[%add3A_16, %dma_start3A_128] : memref<10240x64xf32, #tpu.memory_space<vmem_shared>> -> memref<128x64xf32, #tpu.memory_space<vmem_shared>>
      %dma_start3A_130 = arith.constant 0 : i32
      %dma_start3A_131 = tpu.memref_slice %arg12[%add3A_16, %dma_start3A_130] : memref<10240x64xf32, #tpu.memory_space<vmem_shared>> -> memref<128x64xf32, #tpu.memory_space<vmem_shared>>
      tpu.enqueue_dma source(%arg9 : memref<128x64xf32, #tpu.memory_space<vmem>>) target(%dma_start3A_131 : memref<128x64xf32, #tpu.memory_space<vmem_shared>>) target_semaphore(%run_scoped3A : memref<!tpu.dma_semaphore, #tpu.memory_space<semaphore_mem>>)
      %dma_wait3A = arith.constant 0 : i32
      %dma_wait3A_132 = tpu.memref_slice %arg12[%add3A_16, %dma_wait3A] : memref<10240x64xf32, #tpu.memory_space<vmem_shared>> -> memref<128x64xf32, #tpu.memory_space<vmem_shared>>
      %dma_wait3A_133 = arith.constant 0 : i32
      %dma_wait3A_134 = tpu.memref_slice %arg12[%add3A_16, %dma_wait3A_133] : memref<10240x64xf32, #tpu.memory_space<vmem_shared>> -> memref<128x64xf32, #tpu.memory_space<vmem_shared>>
      tpu.wait_dma2 semaphore(%run_scoped3A : memref<!tpu.dma_semaphore, #tpu.memory_space<semaphore_mem>>) src(%arg9 : memref<128x64xf32, #tpu.memory_space<vmem>>) dst(%dma_wait3A_134 : memref<128x64xf32, #tpu.memory_space<vmem_shared>>)
      tpu.yield
    }) : () -> ()
    %mul3A_17 = arith.constant 640 : i32
    %mul3A_18 = arith.muli %arg1, %mul3A_17 : i32
    %add3A_19 = arith.constant 512 : i32
    %add3A_20 = arith.addi %mul3A_18, %add3A_19 : i32
    "tpu.region"() ({
      %run_scoped3A = tpu.sem_alloc : memref<!tpu.dma_semaphore, #tpu.memory_space<semaphore_mem>>
      %dma_start3A_128 = arith.constant 0 : i32
      %dma_start3A_129 = tpu.memref_slice %arg12[%add3A_20, %dma_start3A_128] : memref<10240x64xf32, #tpu.memory_space<vmem_shared>> -> memref<128x64xf32, #tpu.memory_space<vmem_shared>>
      %dma_start3A_130 = arith.constant 0 : i32
      %dma_start3A_131 = tpu.memref_slice %arg12[%add3A_20, %dma_start3A_130] : memref<10240x64xf32, #tpu.memory_space<vmem_shared>> -> memref<128x64xf32, #tpu.memory_space<vmem_shared>>
      tpu.enqueue_dma source(%arg9 : memref<128x64xf32, #tpu.memory_space<vmem>>) target(%dma_start3A_131 : memref<128x64xf32, #tpu.memory_space<vmem_shared>>) target_semaphore(%run_scoped3A : memref<!tpu.dma_semaphore, #tpu.memory_space<semaphore_mem>>)
      %dma_wait3A = arith.constant 0 : i32
      %dma_wait3A_132 = tpu.memref_slice %arg12[%add3A_20, %dma_wait3A] : memref<10240x64xf32, #tpu.memory_space<vmem_shared>> -> memref<128x64xf32, #tpu.memory_space<vmem_shared>>
      %dma_wait3A_133 = arith.constant 0 : i32
      %dma_wait3A_134 = tpu.memref_slice %arg12[%add3A_20, %dma_wait3A_133] : memref<10240x64xf32, #tpu.memory_space<vmem_shared>> -> memref<128x64xf32, #tpu.memory_space<vmem_shared>>
      tpu.wait_dma2 semaphore(%run_scoped3A : memref<!tpu.dma_semaphore, #tpu.memory_space<semaphore_mem>>) src(%arg9 : memref<128x64xf32, #tpu.memory_space<vmem>>) dst(%dma_wait3A_134 : memref<128x64xf32, #tpu.memory_space<vmem_shared>>)
      tpu.yield
    }) : () -> ()
    %mul3A_21 = arith.constant 78 : i32
    %mul3A_22 = arith.muli %add3A, %mul3A_21 : i32
    "tpu.region"() ({
      %run_scoped3A = tpu.sem_alloc : memref<!tpu.dma_semaphore, #tpu.memory_space<semaphore_mem>>
      %dma_start3A_128 = arith.constant 0 : i32
      %dma_start3A_129 = arith.constant 0 : i32
      %dma_start3A_130 = tpu.memref_slice %arg3[%mul3A_22, %dma_start3A_128, %dma_start3A_129] : memref<2500x2x128xi32, #tpu.memory_space<hbm>> -> memref<78x2x128xi32, #tpu.memory_space<hbm>>
      %dma_start3A_131 = arith.constant 0 : i32
      %dma_start3A_132 = arith.constant 0 : i32
      %dma_start3A_133 = tpu.memref_slice %arg3[%mul3A_22, %dma_start3A_131, %dma_start3A_132] : memref<2500x2x128xi32, #tpu.memory_space<hbm>> -> memref<78x2x128xi32, #tpu.memory_space<hbm>>
      tpu.enqueue_dma source(%dma_start3A_133 : memref<78x2x128xi32, #tpu.memory_space<hbm>>) target(%arg7 : memref<78x2x128xi32, #tpu.memory_space<vmem>>) target_semaphore(%run_scoped3A : memref<!tpu.dma_semaphore, #tpu.memory_space<semaphore_mem>>)
      %dma_wait3A = arith.constant 0 : i32
      %dma_wait3A_134 = arith.constant 0 : i32
      %dma_wait3A_135 = tpu.memref_slice %arg3[%mul3A_22, %dma_wait3A, %dma_wait3A_134] : memref<2500x2x128xi32, #tpu.memory_space<hbm>> -> memref<78x2x128xi32, #tpu.memory_space<hbm>>
      %dma_wait3A_136 = arith.constant 0 : i32
      %dma_wait3A_137 = arith.constant 0 : i32
      %dma_wait3A_138 = tpu.memref_slice %arg3[%mul3A_22, %dma_wait3A_136, %dma_wait3A_137] : memref<2500x2x128xi32, #tpu.memory_space<hbm>> -> memref<78x2x128xi32, #tpu.memory_space<hbm>>
      tpu.wait_dma2 semaphore(%run_scoped3A : memref<!tpu.dma_semaphore, #tpu.memory_space<semaphore_mem>>) src(%dma_wait3A_138 : memref<78x2x128xi32, #tpu.memory_space<hbm>>) dst(%arg7 : memref<78x2x128xi32, #tpu.memory_space<vmem>>)
      tpu.yield
    }) : () -> ()
    %lt3A = arith.constant 4 : i32
    %lt3A_23 = arith.cmpi slt, %add3A, %lt3A : i32
    %convert_element_type3A = arith.extui %lt3A_23 : i1 to i32
    %cond3A = arith.constant 0 : i32
    %cond3A_24 = arith.cmpi ne, %convert_element_type3A, %cond3A : i32
    scf.if %cond3A_24 {
      %add3A_128 = arith.constant 2496 : i32
      %add3A_129 = arith.addi %add3A_128, %add3A : i32
      "tpu.region"() ({
        %run_scoped3A = tpu.sem_alloc : memref<!tpu.dma_semaphore, #tpu.memory_space<semaphore_mem>>
        %dma_start3A_130 = arith.constant 0 : i32
        %dma_start3A_131 = arith.constant 0 : i32
        %dma_start3A_132 = tpu.memref_slice %arg3[%add3A_129, %dma_start3A_130, %dma_start3A_131] : memref<2500x2x128xi32, #tpu.memory_space<hbm>> -> memref<1x2x128xi32, #tpu.memory_space<hbm>>
        %dma_start3A_133 = tpu.memref_squeeze %dma_start3A_132 : memref<1x2x128xi32, #tpu.memory_space<hbm>> -> memref<2x128xi32, #tpu.memory_space<hbm>>
        %dma_start3A_134 = arith.constant 0 : i32
        %dma_start3A_135 = arith.constant 0 : i32
        %dma_start3A_136 = tpu.memref_slice %arg3[%add3A_129, %dma_start3A_134, %dma_start3A_135] : memref<2500x2x128xi32, #tpu.memory_space<hbm>> -> memref<1x2x128xi32, #tpu.memory_space<hbm>>
        %dma_start3A_137 = tpu.memref_squeeze %dma_start3A_136 : memref<1x2x128xi32, #tpu.memory_space<hbm>> -> memref<2x128xi32, #tpu.memory_space<hbm>>
        tpu.enqueue_dma source(%dma_start3A_137 : memref<2x128xi32, #tpu.memory_space<hbm>>) target(%arg8 : memref<2x128xi32, #tpu.memory_space<vmem>>) target_semaphore(%run_scoped3A : memref<!tpu.dma_semaphore, #tpu.memory_space<semaphore_mem>>)
        %dma_wait3A = arith.constant 0 : i32
        %dma_wait3A_138 = arith.constant 0 : i32
        %dma_wait3A_139 = tpu.memref_slice %arg3[%add3A_129, %dma_wait3A, %dma_wait3A_138] : memref<2500x2x128xi32, #tpu.memory_space<hbm>> -> memref<1x2x128xi32, #tpu.memory_space<hbm>>
        %dma_wait3A_140 = tpu.memref_squeeze %dma_wait3A_139 : memref<1x2x128xi32, #tpu.memory_space<hbm>> -> memref<2x128xi32, #tpu.memory_space<hbm>>
        %dma_wait3A_141 = arith.constant 0 : i32
        %dma_wait3A_142 = arith.constant 0 : i32
        %dma_wait3A_143 = tpu.memref_slice %arg3[%add3A_129, %dma_wait3A_141, %dma_wait3A_142] : memref<2500x2x128xi32, #tpu.memory_space<hbm>> -> memref<1x2x128xi32, #tpu.memory_space<hbm>>
        %dma_wait3A_144 = tpu.memref_squeeze %dma_wait3A_143 : memref<1x2x128xi32, #tpu.memory_space<hbm>> -> memref<2x128xi32, #tpu.memory_space<hbm>>
        tpu.wait_dma2 semaphore(%run_scoped3A : memref<!tpu.dma_semaphore, #tpu.memory_space<semaphore_mem>>) src(%dma_wait3A_144 : memref<2x128xi32, #tpu.memory_space<hbm>>) dst(%arg8 : memref<2x128xi32, #tpu.memory_space<vmem>>)
        tpu.yield
      }) : () -> ()
    } else {
    }
    %barrier3A = arith.constant 0 : index
    tpu.barrier barrier_id(%barrier3A)
    %dma_start3A = arith.constant 0 : i32
    %dma_start3A_25 = arith.constant 0 : i32
    %dma_start3A_26 = arith.constant 0 : i32
    %dma_start3A_27 = tpu.memref_slice %arg7[%dma_start3A, %dma_start3A_25, %dma_start3A_26] : memref<78x2x128xi32, #tpu.memory_space<vmem>> -> memref<1x1x128xi32, #tpu.memory_space<vmem>>
    %dma_start3A_28 = tpu.memref_squeeze %dma_start3A_27 : memref<1x1x128xi32, #tpu.memory_space<vmem>> -> memref<128xi32, #tpu.memory_space<vmem>>
    %dma_start3A_29 = arith.constant 0 : i32
    %dma_start3A_30 = arith.constant 0 : i32
    %dma_start3A_31 = tpu.memref_slice %arg2[%dma_start3A_29, %dma_start3A_30] : memref<10240x64xf32, #tpu.memory_space<hbm>> -> memref<10240x64xf32, #tpu.memory_space<hbm>>
    tpu.enqueue_indirect_dma source(%dma_start3A_31 : memref<10240x64xf32, #tpu.memory_space<hbm>>) target(%arg9 : memref<128x64xf32, #tpu.memory_space<vmem>>) offsets(%dma_start3A_28 : memref<128xi32, #tpu.memory_space<vmem>>) semaphore(%arg13 : memref<!tpu.dma_semaphore, #tpu.memory_space<semaphore_mem>>)
    %dma_start3A_32 = arith.constant 1 : i32
    %dma_start3A_33 = arith.constant 0 : i32
    %dma_start3A_34 = arith.constant 0 : i32
    %dma_start3A_35 = tpu.memref_slice %arg7[%dma_start3A_32, %dma_start3A_33, %dma_start3A_34] : memref<78x2x128xi32, #tpu.memory_space<vmem>> -> memref<1x1x128xi32, #tpu.memory_space<vmem>>
    %dma_start3A_36 = tpu.memref_squeeze %dma_start3A_35 : memref<1x1x128xi32, #tpu.memory_space<vmem>> -> memref<128xi32, #tpu.memory_space<vmem>>
    %dma_start3A_37 = arith.constant 0 : i32
    %dma_start3A_38 = arith.constant 0 : i32
    %dma_start3A_39 = tpu.memref_slice %arg2[%dma_start3A_37, %dma_start3A_38] : memref<10240x64xf32, #tpu.memory_space<hbm>> -> memref<10240x64xf32, #tpu.memory_space<hbm>>
    tpu.enqueue_indirect_dma source(%dma_start3A_39 : memref<10240x64xf32, #tpu.memory_space<hbm>>) target(%arg10 : memref<128x64xf32, #tpu.memory_space<vmem>>) offsets(%dma_start3A_36 : memref<128xi32, #tpu.memory_space<vmem>>) semaphore(%arg14 : memref<!tpu.dma_semaphore, #tpu.memory_space<semaphore_mem>>)
    %dma_start3A_40 = arith.constant 2 : i32
    %dma_start3A_41 = arith.constant 0 : i32
    %dma_start3A_42 = arith.constant 0 : i32
    %dma_start3A_43 = tpu.memref_slice %arg7[%dma_start3A_40, %dma_start3A_41, %dma_start3A_42] : memref<78x2x128xi32, #tpu.memory_space<vmem>> -> memref<1x1x128xi32, #tpu.memory_space<vmem>>
    %dma_start3A_44 = tpu.memref_squeeze %dma_start3A_43 : memref<1x1x128xi32, #tpu.memory_space<vmem>> -> memref<128xi32, #tpu.memory_space<vmem>>
    %dma_start3A_45 = arith.constant 0 : i32
    %dma_start3A_46 = arith.constant 0 : i32
    %dma_start3A_47 = tpu.memref_slice %arg2[%dma_start3A_45, %dma_start3A_46] : memref<10240x64xf32, #tpu.memory_space<hbm>> -> memref<10240x64xf32, #tpu.memory_space<hbm>>
    tpu.enqueue_indirect_dma source(%dma_start3A_47 : memref<10240x64xf32, #tpu.memory_space<hbm>>) target(%arg11 : memref<128x64xf32, #tpu.memory_space<vmem>>) offsets(%dma_start3A_44 : memref<128xi32, #tpu.memory_space<vmem>>) semaphore(%arg15 : memref<!tpu.dma_semaphore, #tpu.memory_space<semaphore_mem>>)
    %scan3A = arith.constant 0 : i32
    %scan3A_48 = arith.constant 0 : i32
    %scan3A_49 = arith.constant 26 : i32
    %scan3A_50 = arith.addi %scan3A_48, %scan3A_49 : i32
    %scan3A_51 = arith.constant 1 : i32
    scf.for %scan3A_128 = %scan3A_48 to %scan3A_50 step %scan3A_51  : i32 {
      %mul3A_129 = arith.constant 3 : i32
      %mul3A_130 = arith.muli %mul3A_129, %scan3A_128 : i32
      %add3A_131 = arith.constant 0 : i32
      %add3A_132 = arith.addi %mul3A_130, %add3A_131 : i32
      %dma_wait3A = arith.constant 0 : i32
      %dma_wait3A_133 = arith.constant 0 : i32
      %dma_wait3A_134 = tpu.memref_slice %arg7[%add3A_132, %dma_wait3A, %dma_wait3A_133] : memref<78x2x128xi32, #tpu.memory_space<vmem>> -> memref<1x1x128xi32, #tpu.memory_space<vmem>>
      %dma_wait3A_135 = tpu.memref_squeeze %dma_wait3A_134 : memref<1x1x128xi32, #tpu.memory_space<vmem>> -> memref<128xi32, #tpu.memory_space<vmem>>
      %dma_wait3A_136 = arith.constant 0 : i32
      %dma_wait3A_137 = arith.constant 0 : i32
      %dma_wait3A_138 = tpu.memref_slice %arg2[%dma_wait3A_136, %dma_wait3A_137] : memref<10240x64xf32, #tpu.memory_space<hbm>> -> memref<10240x64xf32, #tpu.memory_space<hbm>>
      tpu.wait_indirect_dma semaphore(%arg13 : memref<!tpu.dma_semaphore, #tpu.memory_space<semaphore_mem>>) src(%dma_wait3A_138 : memref<10240x64xf32, #tpu.memory_space<hbm>>) dst(%arg9 : memref<128x64xf32, #tpu.memory_space<vmem>>)
      %run_scoped3A = arith.constant 1 : i32
      "tpu.region"() ({
        %run_scoped3A_180 = tpu.sem_alloc : memref<!tpu.dma_semaphore, #tpu.memory_space<semaphore_mem>>
        %dma_start3A_181 = arith.constant 0 : i32
        %dma_start3A_182 = tpu.memref_slice %arg7[%add3A_132, %run_scoped3A, %dma_start3A_181] : memref<78x2x128xi32, #tpu.memory_space<vmem>> -> memref<1x1x128xi32, #tpu.memory_space<vmem>>
        %dma_start3A_183 = tpu.memref_squeeze %dma_start3A_182 : memref<1x1x128xi32, #tpu.memory_space<vmem>> -> memref<128xi32, #tpu.memory_space<vmem>>
        %dma_start3A_184 = arith.constant 0 : i32
        %dma_start3A_185 = arith.constant 0 : i32
        %dma_start3A_186 = tpu.memref_slice %arg12[%dma_start3A_184, %dma_start3A_185] : memref<10240x64xf32, #tpu.memory_space<vmem_shared>> -> memref<10240x64xf32, #tpu.memory_space<vmem_shared>>
        tpu.enqueue_indirect_dma source(%arg9 : memref<128x64xf32, #tpu.memory_space<vmem>>) target(%dma_start3A_186 : memref<10240x64xf32, #tpu.memory_space<vmem_shared>>) offsets(%dma_start3A_183 : memref<128xi32, #tpu.memory_space<vmem>>) semaphore(%run_scoped3A_180 : memref<!tpu.dma_semaphore, #tpu.memory_space<semaphore_mem>>) {add = true}
        %dma_wait3A_187 = arith.constant 0 : i32
        %dma_wait3A_188 = tpu.memref_slice %arg7[%add3A_132, %run_scoped3A, %dma_wait3A_187] : memref<78x2x128xi32, #tpu.memory_space<vmem>> -> memref<1x1x128xi32, #tpu.memory_space<vmem>>
        %dma_wait3A_189 = tpu.memref_squeeze %dma_wait3A_188 : memref<1x1x128xi32, #tpu.memory_space<vmem>> -> memref<128xi32, #tpu.memory_space<vmem>>
        %dma_wait3A_190 = arith.constant 0 : i32
        %dma_wait3A_191 = arith.constant 0 : i32
        %dma_wait3A_192 = tpu.memref_slice %arg12[%dma_wait3A_190, %dma_wait3A_191] : memref<10240x64xf32, #tpu.memory_space<vmem_shared>> -> memref<10240x64xf32, #tpu.memory_space<vmem_shared>>
        tpu.wait_indirect_dma semaphore(%run_scoped3A_180 : memref<!tpu.dma_semaphore, #tpu.memory_space<semaphore_mem>>) src(%arg9 : memref<128x64xf32, #tpu.memory_space<vmem>>) dst(%dma_wait3A_192 : memref<10240x64xf32, #tpu.memory_space<vmem_shared>>)
        tpu.yield
      }) : () -> ()
      %add3A_139 = arith.constant 3 : i32
      %add3A_140 = arith.addi %add3A_132, %add3A_139 : i32
      %lt3A_141 = arith.constant 78 : i32
      %lt3A_142 = arith.cmpi slt, %add3A_140, %lt3A_141 : i32
      %convert_element_type3A_143 = arith.extui %lt3A_142 : i1 to i32
      %cond3A_144 = arith.constant 0 : i32
      %cond3A_145 = arith.cmpi ne, %convert_element_type3A_143, %cond3A_144 : i32
      scf.if %cond3A_145 {
        %add3A_180 = arith.constant 3 : i32
        %add3A_181 = arith.addi %add3A_132, %add3A_180 : i32
        %dma_start3A_182 = arith.constant 0 : i32
        %dma_start3A_183 = arith.constant 0 : i32
        %dma_start3A_184 = tpu.memref_slice %arg7[%add3A_181, %dma_start3A_182, %dma_start3A_183] : memref<78x2x128xi32, #tpu.memory_space<vmem>> -> memref<1x1x128xi32, #tpu.memory_space<vmem>>
        %dma_start3A_185 = tpu.memref_squeeze %dma_start3A_184 : memref<1x1x128xi32, #tpu.memory_space<vmem>> -> memref<128xi32, #tpu.memory_space<vmem>>
        %dma_start3A_186 = arith.constant 0 : i32
        %dma_start3A_187 = arith.constant 0 : i32
        %dma_start3A_188 = tpu.memref_slice %arg2[%dma_start3A_186, %dma_start3A_187] : memref<10240x64xf32, #tpu.memory_space<hbm>> -> memref<10240x64xf32, #tpu.memory_space<hbm>>
        tpu.enqueue_indirect_dma source(%dma_start3A_188 : memref<10240x64xf32, #tpu.memory_space<hbm>>) target(%arg9 : memref<128x64xf32, #tpu.memory_space<vmem>>) offsets(%dma_start3A_185 : memref<128xi32, #tpu.memory_space<vmem>>) semaphore(%arg13 : memref<!tpu.dma_semaphore, #tpu.memory_space<semaphore_mem>>)
      } else {
      }
      %add3A_146 = arith.constant 1 : i32
      %add3A_147 = arith.addi %mul3A_130, %add3A_146 : i32
      %dma_wait3A_148 = arith.constant 0 : i32
      %dma_wait3A_149 = arith.constant 0 : i32
      %dma_wait3A_150 = tpu.memref_slice %arg7[%add3A_147, %dma_wait3A_148, %dma_wait3A_149] : memref<78x2x128xi32, #tpu.memory_space<vmem>> -> memref<1x1x128xi32, #tpu.memory_space<vmem>>
      %dma_wait3A_151 = tpu.memref_squeeze %dma_wait3A_150 : memref<1x1x128xi32, #tpu.memory_space<vmem>> -> memref<128xi32, #tpu.memory_space<vmem>>
      %dma_wait3A_152 = arith.constant 0 : i32
      %dma_wait3A_153 = arith.constant 0 : i32
      %dma_wait3A_154 = tpu.memref_slice %arg2[%dma_wait3A_152, %dma_wait3A_153] : memref<10240x64xf32, #tpu.memory_space<hbm>> -> memref<10240x64xf32, #tpu.memory_space<hbm>>
      tpu.wait_indirect_dma semaphore(%arg14 : memref<!tpu.dma_semaphore, #tpu.memory_space<semaphore_mem>>) src(%dma_wait3A_154 : memref<10240x64xf32, #tpu.memory_space<hbm>>) dst(%arg10 : memref<128x64xf32, #tpu.memory_space<vmem>>)
      %run_scoped3A_155 = arith.constant 1 : i32
      "tpu.region"() ({
        %run_scoped3A_180 = tpu.sem_alloc : memref<!tpu.dma_semaphore, #tpu.memory_space<semaphore_mem>>
        %dma_start3A_181 = arith.constant 0 : i32
        %dma_start3A_182 = tpu.memref_slice %arg7[%add3A_147, %run_scoped3A_155, %dma_start3A_181] : memref<78x2x128xi32, #tpu.memory_space<vmem>> -> memref<1x1x128xi32, #tpu.memory_space<vmem>>
        %dma_start3A_183 = tpu.memref_squeeze %dma_start3A_182 : memref<1x1x128xi32, #tpu.memory_space<vmem>> -> memref<128xi32, #tpu.memory_space<vmem>>
        %dma_start3A_184 = arith.constant 0 : i32
        %dma_start3A_185 = arith.constant 0 : i32
        %dma_start3A_186 = tpu.memref_slice %arg12[%dma_start3A_184, %dma_start3A_185] : memref<10240x64xf32, #tpu.memory_space<vmem_shared>> -> memref<10240x64xf32, #tpu.memory_space<vmem_shared>>
        tpu.enqueue_indirect_dma source(%arg10 : memref<128x64xf32, #tpu.memory_space<vmem>>) target(%dma_start3A_186 : memref<10240x64xf32, #tpu.memory_space<vmem_shared>>) offsets(%dma_start3A_183 : memref<128xi32, #tpu.memory_space<vmem>>) semaphore(%run_scoped3A_180 : memref<!tpu.dma_semaphore, #tpu.memory_space<semaphore_mem>>) {add = true}
        %dma_wait3A_187 = arith.constant 0 : i32
        %dma_wait3A_188 = tpu.memref_slice %arg7[%add3A_147, %run_scoped3A_155, %dma_wait3A_187] : memref<78x2x128xi32, #tpu.memory_space<vmem>> -> memref<1x1x128xi32, #tpu.memory_space<vmem>>
        %dma_wait3A_189 = tpu.memref_squeeze %dma_wait3A_188 : memref<1x1x128xi32, #tpu.memory_space<vmem>> -> memref<128xi32, #tpu.memory_space<vmem>>
        %dma_wait3A_190 = arith.constant 0 : i32
        %dma_wait3A_191 = arith.constant 0 : i32
        %dma_wait3A_192 = tpu.memref_slice %arg12[%dma_wait3A_190, %dma_wait3A_191] : memref<10240x64xf32, #tpu.memory_space<vmem_shared>> -> memref<10240x64xf32, #tpu.memory_space<vmem_shared>>
        tpu.wait_indirect_dma semaphore(%run_scoped3A_180 : memref<!tpu.dma_semaphore, #tpu.memory_space<semaphore_mem>>) src(%arg10 : memref<128x64xf32, #tpu.memory_space<vmem>>) dst(%dma_wait3A_192 : memref<10240x64xf32, #tpu.memory_space<vmem_shared>>)
        tpu.yield
      }) : () -> ()
      %add3A_156 = arith.constant 3 : i32
      %add3A_157 = arith.addi %add3A_147, %add3A_156 : i32
      %lt3A_158 = arith.constant 78 : i32
      %lt3A_159 = arith.cmpi slt, %add3A_157, %lt3A_158 : i32
      %convert_element_type3A_160 = arith.extui %lt3A_159 : i1 to i32
      %cond3A_161 = arith.constant 0 : i32
      %cond3A_162 = arith.cmpi ne, %convert_element_type3A_160, %cond3A_161 : i32
      scf.if %cond3A_162 {
        %add3A_180 = arith.constant 3 : i32
        %add3A_181 = arith.addi %add3A_147, %add3A_180 : i32
        %dma_start3A_182 = arith.constant 0 : i32
        %dma_start3A_183 = arith.constant 0 : i32
        %dma_start3A_184 = tpu.memref_slice %arg7[%add3A_181, %dma_start3A_182, %dma_start3A_183] : memref<78x2x128xi32, #tpu.memory_space<vmem>> -> memref<1x1x128xi32, #tpu.memory_space<vmem>>
        %dma_start3A_185 = tpu.memref_squeeze %dma_start3A_184 : memref<1x1x128xi32, #tpu.memory_space<vmem>> -> memref<128xi32, #tpu.memory_space<vmem>>
        %dma_start3A_186 = arith.constant 0 : i32
        %dma_start3A_187 = arith.constant 0 : i32
        %dma_start3A_188 = tpu.memref_slice %arg2[%dma_start3A_186, %dma_start3A_187] : memref<10240x64xf32, #tpu.memory_space<hbm>> -> memref<10240x64xf32, #tpu.memory_space<hbm>>
        tpu.enqueue_indirect_dma source(%dma_start3A_188 : memref<10240x64xf32, #tpu.memory_space<hbm>>) target(%arg10 : memref<128x64xf32, #tpu.memory_space<vmem>>) offsets(%dma_start3A_185 : memref<128xi32, #tpu.memory_space<vmem>>) semaphore(%arg14 : memref<!tpu.dma_semaphore, #tpu.memory_space<semaphore_mem>>)
      } else {
      }
      %add3A_163 = arith.constant 2 : i32
      %add3A_164 = arith.addi %mul3A_130, %add3A_163 : i32
      %dma_wait3A_165 = arith.constant 0 : i32
      %dma_wait3A_166 = arith.constant 0 : i32
      %dma_wait3A_167 = tpu.memref_slice %arg7[%add3A_164, %dma_wait3A_165, %dma_wait3A_166] : memref<78x2x128xi32, #tpu.memory_space<vmem>> -> memref<1x1x128xi32, #tpu.memory_space<vmem>>
      %dma_wait3A_168 = tpu.memref_squeeze %dma_wait3A_167 : memref<1x1x128xi32, #tpu.memory_space<vmem>> -> memref<128xi32, #tpu.memory_space<vmem>>
      %dma_wait3A_169 = arith.constant 0 : i32
      %dma_wait3A_170 = arith.constant 0 : i32
      %dma_wait3A_171 = tpu.memref_slice %arg2[%dma_wait3A_169, %dma_wait3A_170] : memref<10240x64xf32, #tpu.memory_space<hbm>> -> memref<10240x64xf32, #tpu.memory_space<hbm>>
      tpu.wait_indirect_dma semaphore(%arg15 : memref<!tpu.dma_semaphore, #tpu.memory_space<semaphore_mem>>) src(%dma_wait3A_171 : memref<10240x64xf32, #tpu.memory_space<hbm>>) dst(%arg11 : memref<128x64xf32, #tpu.memory_space<vmem>>)
      %run_scoped3A_172 = arith.constant 1 : i32
      "tpu.region"() ({
        %run_scoped3A_180 = tpu.sem_alloc : memref<!tpu.dma_semaphore, #tpu.memory_space<semaphore_mem>>
        %dma_start3A_181 = arith.constant 0 : i32
        %dma_start3A_182 = tpu.memref_slice %arg7[%add3A_164, %run_scoped3A_172, %dma_start3A_181] : memref<78x2x128xi32, #tpu.memory_space<vmem>> -> memref<1x1x128xi32, #tpu.memory_space<vmem>>
        %dma_start3A_183 = tpu.memref_squeeze %dma_start3A_182 : memref<1x1x128xi32, #tpu.memory_space<vmem>> -> memref<128xi32, #tpu.memory_space<vmem>>
        %dma_start3A_184 = arith.constant 0 : i32
        %dma_start3A_185 = arith.constant 0 : i32
        %dma_start3A_186 = tpu.memref_slice %arg12[%dma_start3A_184, %dma_start3A_185] : memref<10240x64xf32, #tpu.memory_space<vmem_shared>> -> memref<10240x64xf32, #tpu.memory_space<vmem_shared>>
        tpu.enqueue_indirect_dma source(%arg11 : memref<128x64xf32, #tpu.memory_space<vmem>>) target(%dma_start3A_186 : memref<10240x64xf32, #tpu.memory_space<vmem_shared>>) offsets(%dma_start3A_183 : memref<128xi32, #tpu.memory_space<vmem>>) semaphore(%run_scoped3A_180 : memref<!tpu.dma_semaphore, #tpu.memory_space<semaphore_mem>>) {add = true}
        %dma_wait3A_187 = arith.constant 0 : i32
        %dma_wait3A_188 = tpu.memref_slice %arg7[%add3A_164, %run_scoped3A_172, %dma_wait3A_187] : memref<78x2x128xi32, #tpu.memory_space<vmem>> -> memref<1x1x128xi32, #tpu.memory_space<vmem>>
        %dma_wait3A_189 = tpu.memref_squeeze %dma_wait3A_188 : memref<1x1x128xi32, #tpu.memory_space<vmem>> -> memref<128xi32, #tpu.memory_space<vmem>>
        %dma_wait3A_190 = arith.constant 0 : i32
        %dma_wait3A_191 = arith.constant 0 : i32
        %dma_wait3A_192 = tpu.memref_slice %arg12[%dma_wait3A_190, %dma_wait3A_191] : memref<10240x64xf32, #tpu.memory_space<vmem_shared>> -> memref<10240x64xf32, #tpu.memory_space<vmem_shared>>
        tpu.wait_indirect_dma semaphore(%run_scoped3A_180 : memref<!tpu.dma_semaphore, #tpu.memory_space<semaphore_mem>>) src(%arg11 : memref<128x64xf32, #tpu.memory_space<vmem>>) dst(%dma_wait3A_192 : memref<10240x64xf32, #tpu.memory_space<vmem_shared>>)
        tpu.yield
      }) : () -> ()
      %add3A_173 = arith.constant 3 : i32
      %add3A_174 = arith.addi %add3A_164, %add3A_173 : i32
      %lt3A_175 = arith.constant 78 : i32
      %lt3A_176 = arith.cmpi slt, %add3A_174, %lt3A_175 : i32
      %convert_element_type3A_177 = arith.extui %lt3A_176 : i1 to i32
      %cond3A_178 = arith.constant 0 : i32
      %cond3A_179 = arith.cmpi ne, %convert_element_type3A_177, %cond3A_178 : i32
      scf.if %cond3A_179 {
        %add3A_180 = arith.constant 3 : i32
        %add3A_181 = arith.addi %add3A_164, %add3A_180 : i32
        %dma_start3A_182 = arith.constant 0 : i32
        %dma_start3A_183 = arith.constant 0 : i32
        %dma_start3A_184 = tpu.memref_slice %arg7[%add3A_181, %dma_start3A_182, %dma_start3A_183] : memref<78x2x128xi32, #tpu.memory_space<vmem>> -> memref<1x1x128xi32, #tpu.memory_space<vmem>>
        %dma_start3A_185 = tpu.memref_squeeze %dma_start3A_184 : memref<1x1x128xi32, #tpu.memory_space<vmem>> -> memref<128xi32, #tpu.memory_space<vmem>>
        %dma_start3A_186 = arith.constant 0 : i32
        %dma_start3A_187 = arith.constant 0 : i32
        %dma_start3A_188 = tpu.memref_slice %arg2[%dma_start3A_186, %dma_start3A_187] : memref<10240x64xf32, #tpu.memory_space<hbm>> -> memref<10240x64xf32, #tpu.memory_space<hbm>>
        tpu.enqueue_indirect_dma source(%dma_start3A_188 : memref<10240x64xf32, #tpu.memory_space<hbm>>) target(%arg11 : memref<128x64xf32, #tpu.memory_space<vmem>>) offsets(%dma_start3A_185 : memref<128xi32, #tpu.memory_space<vmem>>) semaphore(%arg15 : memref<!tpu.dma_semaphore, #tpu.memory_space<semaphore_mem>>)
      } else {
      }
    }
    %scan3A_52 = arith.constant 26 : i32
    %lt3A_53 = arith.constant 4 : i32
    %lt3A_54 = arith.cmpi slt, %add3A, %lt3A_53 : i32
    %convert_element_type3A_55 = arith.extui %lt3A_54 : i1 to i32
    %cond3A_56 = arith.constant 0 : i32
    %cond3A_57 = arith.cmpi ne, %convert_element_type3A_55, %cond3A_56 : i32
    scf.if %cond3A_57 {
      %run_scoped3A = arith.constant 0 : i32
      "tpu.region"() ({
        %run_scoped3A_129 = tpu.sem_alloc : memref<!tpu.dma_semaphore, #tpu.memory_space<semaphore_mem>>
        %dma_start3A_130 = arith.constant 0 : i32
        %dma_start3A_131 = tpu.memref_slice %arg8[%run_scoped3A, %dma_start3A_130] : memref<2x128xi32, #tpu.memory_space<vmem>> -> memref<1x128xi32, #tpu.memory_space<vmem>>
        %dma_start3A_132 = tpu.memref_squeeze %dma_start3A_131 : memref<1x128xi32, #tpu.memory_space<vmem>> -> memref<128xi32, #tpu.memory_space<vmem>>
        %dma_start3A_133 = arith.constant 0 : i32
        %dma_start3A_134 = arith.constant 0 : i32
        %dma_start3A_135 = tpu.memref_slice %arg2[%dma_start3A_133, %dma_start3A_134] : memref<10240x64xf32, #tpu.memory_space<hbm>> -> memref<10240x64xf32, #tpu.memory_space<hbm>>
        tpu.enqueue_indirect_dma source(%dma_start3A_135 : memref<10240x64xf32, #tpu.memory_space<hbm>>) target(%arg9 : memref<128x64xf32, #tpu.memory_space<vmem>>) offsets(%dma_start3A_132 : memref<128xi32, #tpu.memory_space<vmem>>) semaphore(%run_scoped3A_129 : memref<!tpu.dma_semaphore, #tpu.memory_space<semaphore_mem>>)
        %dma_wait3A = arith.constant 0 : i32
        %dma_wait3A_136 = tpu.memref_slice %arg8[%run_scoped3A, %dma_wait3A] : memref<2x128xi32, #tpu.memory_space<vmem>> -> memref<1x128xi32, #tpu.memory_space<vmem>>
        %dma_wait3A_137 = tpu.memref_squeeze %dma_wait3A_136 : memref<1x128xi32, #tpu.memory_space<vmem>> -> memref<128xi32, #tpu.memory_space<vmem>>
        %dma_wait3A_138 = arith.constant 0 : i32
        %dma_wait3A_139 = arith.constant 0 : i32
        %dma_wait3A_140 = tpu.memref_slice %arg2[%dma_wait3A_138, %dma_wait3A_139] : memref<10240x64xf32, #tpu.memory_space<hbm>> -> memref<10240x64xf32, #tpu.memory_space<hbm>>
        tpu.wait_indirect_dma semaphore(%run_scoped3A_129 : memref<!tpu.dma_semaphore, #tpu.memory_space<semaphore_mem>>) src(%dma_wait3A_140 : memref<10240x64xf32, #tpu.memory_space<hbm>>) dst(%arg9 : memref<128x64xf32, #tpu.memory_space<vmem>>)
        tpu.yield
      }) : () -> ()
      %run_scoped3A_128 = arith.constant 1 : i32
      "tpu.region"() ({
        %run_scoped3A_129 = tpu.sem_alloc : memref<!tpu.dma_semaphore, #tpu.memory_space<semaphore_mem>>
        %dma_start3A_130 = arith.constant 0 : i32
        %dma_start3A_131 = tpu.memref_slice %arg8[%run_scoped3A_128, %dma_start3A_130] : memref<2x128xi32, #tpu.memory_space<vmem>> -> memref<1x128xi32, #tpu.memory_space<vmem>>
        %dma_start3A_132 = tpu.memref_squeeze %dma_start3A_131 : memref<1x128xi32, #tpu.memory_space<vmem>> -> memref<128xi32, #tpu.memory_space<vmem>>
        %dma_start3A_133 = arith.constant 0 : i32
        %dma_start3A_134 = arith.constant 0 : i32
        %dma_start3A_135 = tpu.memref_slice %arg12[%dma_start3A_133, %dma_start3A_134] : memref<10240x64xf32, #tpu.memory_space<vmem_shared>> -> memref<10240x64xf32, #tpu.memory_space<vmem_shared>>
        tpu.enqueue_indirect_dma source(%arg9 : memref<128x64xf32, #tpu.memory_space<vmem>>) target(%dma_start3A_135 : memref<10240x64xf32, #tpu.memory_space<vmem_shared>>) offsets(%dma_start3A_132 : memref<128xi32, #tpu.memory_space<vmem>>) semaphore(%run_scoped3A_129 : memref<!tpu.dma_semaphore, #tpu.memory_space<semaphore_mem>>) {add = true}
        %dma_wait3A = arith.constant 0 : i32
        %dma_wait3A_136 = tpu.memref_slice %arg8[%run_scoped3A_128, %dma_wait3A] : memref<2x128xi32, #tpu.memory_space<vmem>> -> memref<1x128xi32, #tpu.memory_space<vmem>>
        %dma_wait3A_137 = tpu.memref_squeeze %dma_wait3A_136 : memref<1x128xi32, #tpu.memory_space<vmem>> -> memref<128xi32, #tpu.memory_space<vmem>>
        %dma_wait3A_138 = arith.constant 0 : i32
        %dma_wait3A_139 = arith.constant 0 : i32
        %dma_wait3A_140 = tpu.memref_slice %arg12[%dma_wait3A_138, %dma_wait3A_139] : memref<10240x64xf32, #tpu.memory_space<vmem_shared>> -> memref<10240x64xf32, #tpu.memory_space<vmem_shared>>
        tpu.wait_indirect_dma semaphore(%run_scoped3A_129 : memref<!tpu.dma_semaphore, #tpu.memory_space<semaphore_mem>>) src(%arg9 : memref<128x64xf32, #tpu.memory_space<vmem>>) dst(%dma_wait3A_140 : memref<10240x64xf32, #tpu.memory_space<vmem_shared>>)
        tpu.yield
      }) : () -> ()
    } else {
    }
    %barrier3A_58 = arith.constant 0 : index
    tpu.barrier barrier_id(%barrier3A_58)
    %mul3A_59 = arith.constant 640 : i32
    %mul3A_60 = arith.muli %arg1, %mul3A_59 : i32
    %add3A_61 = arith.constant 0 : i32
    %add3A_62 = arith.addi %mul3A_60, %add3A_61 : i32
    "tpu.region"() ({
      %run_scoped3A = tpu.sem_alloc : memref<!tpu.dma_semaphore, #tpu.memory_space<semaphore_mem>>
      %dma_start3A_128 = arith.constant 0 : i32
      %dma_start3A_129 = tpu.memref_slice %arg12[%add3A_62, %dma_start3A_128] : memref<10240x64xf32, #tpu.memory_space<vmem_shared>> -> memref<128x64xf32, #tpu.memory_space<vmem_shared>>
      %dma_start3A_130 = arith.constant 0 : i32
      %dma_start3A_131 = tpu.memref_slice %arg12[%add3A_62, %dma_start3A_130] : memref<10240x64xf32, #tpu.memory_space<vmem_shared>> -> memref<128x64xf32, #tpu.memory_space<vmem_shared>>
      tpu.enqueue_dma source(%dma_start3A_131 : memref<128x64xf32, #tpu.memory_space<vmem_shared>>) target(%arg9 : memref<128x64xf32, #tpu.memory_space<vmem>>) target_semaphore(%run_scoped3A : memref<!tpu.dma_semaphore, #tpu.memory_space<semaphore_mem>>)
      %dma_wait3A = arith.constant 0 : i32
      %dma_wait3A_132 = tpu.memref_slice %arg12[%add3A_62, %dma_wait3A] : memref<10240x64xf32, #tpu.memory_space<vmem_shared>> -> memref<128x64xf32, #tpu.memory_space<vmem_shared>>
      %dma_wait3A_133 = arith.constant 0 : i32
      %dma_wait3A_134 = tpu.memref_slice %arg12[%add3A_62, %dma_wait3A_133] : memref<10240x64xf32, #tpu.memory_space<vmem_shared>> -> memref<128x64xf32, #tpu.memory_space<vmem_shared>>
      tpu.wait_dma2 semaphore(%run_scoped3A : memref<!tpu.dma_semaphore, #tpu.memory_space<semaphore_mem>>) src(%dma_wait3A_134 : memref<128x64xf32, #tpu.memory_space<vmem_shared>>) dst(%arg9 : memref<128x64xf32, #tpu.memory_space<vmem>>)
      tpu.yield
    }) : () -> ()
    %eq3A = arith.constant 0 : i32
    %eq3A_63 = arith.cmpi eq, %arg0, %eq3A : i32
    %convert_element_type3A_64 = arith.extui %eq3A_63 : i1 to i32
    %cond3A_65 = arith.constant 0 : i32
    %cond3A_66 = arith.cmpi ne, %convert_element_type3A_64, %cond3A_65 : i32
    scf.if %cond3A_66 {
      %mul3A_128 = arith.constant 640 : i32
      %mul3A_129 = arith.muli %arg1, %mul3A_128 : i32
      %add3A_130 = arith.constant 0 : i32
      %add3A_131 = arith.addi %mul3A_129, %add3A_130 : i32
      "tpu.region"() ({
        %run_scoped3A = tpu.sem_alloc : memref<!tpu.dma_semaphore, #tpu.memory_space<semaphore_mem>>
        %dma_start3A_132 = arith.constant 0 : i32
        %dma_start3A_133 = tpu.memref_slice %arg5[%add3A_131, %dma_start3A_132] : memref<10240x64xf32, #tpu.memory_space<hbm>> -> memref<128x64xf32, #tpu.memory_space<hbm>>
        %dma_start3A_134 = arith.constant 0 : i32
        %dma_start3A_135 = tpu.memref_slice %arg5[%add3A_131, %dma_start3A_134] : memref<10240x64xf32, #tpu.memory_space<hbm>> -> memref<128x64xf32, #tpu.memory_space<hbm>>
        tpu.enqueue_dma source(%arg9 : memref<128x64xf32, #tpu.memory_space<vmem>>) target(%dma_start3A_135 : memref<128x64xf32, #tpu.memory_space<hbm>>) target_semaphore(%run_scoped3A : memref<!tpu.dma_semaphore, #tpu.memory_space<semaphore_mem>>)
        %dma_wait3A = arith.constant 0 : i32
        %dma_wait3A_136 = tpu.memref_slice %arg5[%add3A_131, %dma_wait3A] : memref<10240x64xf32, #tpu.memory_space<hbm>> -> memref<128x64xf32, #tpu.memory_space<hbm>>
        %dma_wait3A_137 = arith.constant 0 : i32
        %dma_wait3A_138 = tpu.memref_slice %arg5[%add3A_131, %dma_wait3A_137] : memref<10240x64xf32, #tpu.memory_space<hbm>> -> memref<128x64xf32, #tpu.memory_space<hbm>>
        tpu.wait_dma2 semaphore(%run_scoped3A : memref<!tpu.dma_semaphore, #tpu.memory_space<semaphore_mem>>) src(%arg9 : memref<128x64xf32, #tpu.memory_space<vmem>>) dst(%dma_wait3A_138 : memref<128x64xf32, #tpu.memory_space<hbm>>)
        tpu.yield
      }) : () -> ()
    } else {
    }
    %eq3A_67 = arith.constant 1 : i32
    %eq3A_68 = arith.cmpi eq, %arg0, %eq3A_67 : i32
    %convert_element_type3A_69 = arith.extui %eq3A_68 : i1 to i32
    %cond3A_70 = arith.constant 0 : i32
    %cond3A_71 = arith.cmpi ne, %convert_element_type3A_69, %cond3A_70 : i32
    scf.if %cond3A_71 {
      %mul3A_128 = arith.constant 640 : i32
      %mul3A_129 = arith.muli %arg1, %mul3A_128 : i32
      %add3A_130 = arith.constant 0 : i32
      %add3A_131 = arith.addi %mul3A_129, %add3A_130 : i32
      "tpu.region"() ({
        %run_scoped3A = tpu.sem_alloc : memref<!tpu.dma_semaphore, #tpu.memory_space<semaphore_mem>>
        %dma_start3A_132 = arith.constant 0 : i32
        %dma_start3A_133 = tpu.memref_slice %arg6[%add3A_131, %dma_start3A_132] : memref<10240x64xf32, #tpu.memory_space<hbm>> -> memref<128x64xf32, #tpu.memory_space<hbm>>
        %dma_start3A_134 = arith.constant 0 : i32
        %dma_start3A_135 = tpu.memref_slice %arg6[%add3A_131, %dma_start3A_134] : memref<10240x64xf32, #tpu.memory_space<hbm>> -> memref<128x64xf32, #tpu.memory_space<hbm>>
        tpu.enqueue_dma source(%arg9 : memref<128x64xf32, #tpu.memory_space<vmem>>) target(%dma_start3A_135 : memref<128x64xf32, #tpu.memory_space<hbm>>) target_semaphore(%run_scoped3A : memref<!tpu.dma_semaphore, #tpu.memory_space<semaphore_mem>>)
        %dma_wait3A = arith.constant 0 : i32
        %dma_wait3A_136 = tpu.memref_slice %arg6[%add3A_131, %dma_wait3A] : memref<10240x64xf32, #tpu.memory_space<hbm>> -> memref<128x64xf32, #tpu.memory_space<hbm>>
        %dma_wait3A_137 = arith.constant 0 : i32
        %dma_wait3A_138 = tpu.memref_slice %arg6[%add3A_131, %dma_wait3A_137] : memref<10240x64xf32, #tpu.memory_space<hbm>> -> memref<128x64xf32, #tpu.memory_space<hbm>>
        tpu.wait_dma2 semaphore(%run_scoped3A : memref<!tpu.dma_semaphore, #tpu.memory_space<semaphore_mem>>) src(%arg9 : memref<128x64xf32, #tpu.memory_space<vmem>>) dst(%dma_wait3A_138 : memref<128x64xf32, #tpu.memory_space<hbm>>)
        tpu.yield
      }) : () -> ()
    } else {
    }
    %mul3A_72 = arith.constant 640 : i32
    %mul3A_73 = arith.muli %arg1, %mul3A_72 : i32
    %add3A_74 = arith.constant 128 : i32
    %add3A_75 = arith.addi %mul3A_73, %add3A_74 : i32
    "tpu.region"() ({
      %run_scoped3A = tpu.sem_alloc : memref<!tpu.dma_semaphore, #tpu.memory_space<semaphore_mem>>
      %dma_start3A_128 = arith.constant 0 : i32
      %dma_start3A_129 = tpu.memref_slice %arg12[%add3A_75, %dma_start3A_128] : memref<10240x64xf32, #tpu.memory_space<vmem_shared>> -> memref<128x64xf32, #tpu.memory_space<vmem_shared>>
      %dma_start3A_130 = arith.constant 0 : i32
      %dma_start3A_131 = tpu.memref_slice %arg12[%add3A_75, %dma_start3A_130] : memref<10240x64xf32, #tpu.memory_space<vmem_shared>> -> memref<128x64xf32, #tpu.memory_space<vmem_shared>>
      tpu.enqueue_dma source(%dma_start3A_131 : memref<128x64xf32, #tpu.memory_space<vmem_shared>>) target(%arg10 : memref<128x64xf32, #tpu.memory_space<vmem>>) target_semaphore(%run_scoped3A : memref<!tpu.dma_semaphore, #tpu.memory_space<semaphore_mem>>)
      %dma_wait3A = arith.constant 0 : i32
      %dma_wait3A_132 = tpu.memref_slice %arg12[%add3A_75, %dma_wait3A] : memref<10240x64xf32, #tpu.memory_space<vmem_shared>> -> memref<128x64xf32, #tpu.memory_space<vmem_shared>>
      %dma_wait3A_133 = arith.constant 0 : i32
      %dma_wait3A_134 = tpu.memref_slice %arg12[%add3A_75, %dma_wait3A_133] : memref<10240x64xf32, #tpu.memory_space<vmem_shared>> -> memref<128x64xf32, #tpu.memory_space<vmem_shared>>
      tpu.wait_dma2 semaphore(%run_scoped3A : memref<!tpu.dma_semaphore, #tpu.memory_space<semaphore_mem>>) src(%dma_wait3A_134 : memref<128x64xf32, #tpu.memory_space<vmem_shared>>) dst(%arg10 : memref<128x64xf32, #tpu.memory_space<vmem>>)
      tpu.yield
    }) : () -> ()
    %eq3A_76 = arith.constant 0 : i32
    %eq3A_77 = arith.cmpi eq, %arg0, %eq3A_76 : i32
    %convert_element_type3A_78 = arith.extui %eq3A_77 : i1 to i32
    %cond3A_79 = arith.constant 0 : i32
    %cond3A_80 = arith.cmpi ne, %convert_element_type3A_78, %cond3A_79 : i32
    scf.if %cond3A_80 {
      %mul3A_128 = arith.constant 640 : i32
      %mul3A_129 = arith.muli %arg1, %mul3A_128 : i32
      %add3A_130 = arith.constant 128 : i32
      %add3A_131 = arith.addi %mul3A_129, %add3A_130 : i32
      "tpu.region"() ({
        %run_scoped3A = tpu.sem_alloc : memref<!tpu.dma_semaphore, #tpu.memory_space<semaphore_mem>>
        %dma_start3A_132 = arith.constant 0 : i32
        %dma_start3A_133 = tpu.memref_slice %arg5[%add3A_131, %dma_start3A_132] : memref<10240x64xf32, #tpu.memory_space<hbm>> -> memref<128x64xf32, #tpu.memory_space<hbm>>
        %dma_start3A_134 = arith.constant 0 : i32
        %dma_start3A_135 = tpu.memref_slice %arg5[%add3A_131, %dma_start3A_134] : memref<10240x64xf32, #tpu.memory_space<hbm>> -> memref<128x64xf32, #tpu.memory_space<hbm>>
        tpu.enqueue_dma source(%arg10 : memref<128x64xf32, #tpu.memory_space<vmem>>) target(%dma_start3A_135 : memref<128x64xf32, #tpu.memory_space<hbm>>) target_semaphore(%run_scoped3A : memref<!tpu.dma_semaphore, #tpu.memory_space<semaphore_mem>>)
        %dma_wait3A = arith.constant 0 : i32
        %dma_wait3A_136 = tpu.memref_slice %arg5[%add3A_131, %dma_wait3A] : memref<10240x64xf32, #tpu.memory_space<hbm>> -> memref<128x64xf32, #tpu.memory_space<hbm>>
        %dma_wait3A_137 = arith.constant 0 : i32
        %dma_wait3A_138 = tpu.memref_slice %arg5[%add3A_131, %dma_wait3A_137] : memref<10240x64xf32, #tpu.memory_space<hbm>> -> memref<128x64xf32, #tpu.memory_space<hbm>>
        tpu.wait_dma2 semaphore(%run_scoped3A : memref<!tpu.dma_semaphore, #tpu.memory_space<semaphore_mem>>) src(%arg10 : memref<128x64xf32, #tpu.memory_space<vmem>>) dst(%dma_wait3A_138 : memref<128x64xf32, #tpu.memory_space<hbm>>)
        tpu.yield
      }) : () -> ()
    } else {
    }
    %eq3A_81 = arith.constant 1 : i32
    %eq3A_82 = arith.cmpi eq, %arg0, %eq3A_81 : i32
    %convert_element_type3A_83 = arith.extui %eq3A_82 : i1 to i32
    %cond3A_84 = arith.constant 0 : i32
    %cond3A_85 = arith.cmpi ne, %convert_element_type3A_83, %cond3A_84 : i32
    scf.if %cond3A_85 {
      %mul3A_128 = arith.constant 640 : i32
      %mul3A_129 = arith.muli %arg1, %mul3A_128 : i32
      %add3A_130 = arith.constant 128 : i32
      %add3A_131 = arith.addi %mul3A_129, %add3A_130 : i32
      "tpu.region"() ({
        %run_scoped3A = tpu.sem_alloc : memref<!tpu.dma_semaphore, #tpu.memory_space<semaphore_mem>>
        %dma_start3A_132 = arith.constant 0 : i32
        %dma_start3A_133 = tpu.memref_slice %arg6[%add3A_131, %dma_start3A_132] : memref<10240x64xf32, #tpu.memory_space<hbm>> -> memref<128x64xf32, #tpu.memory_space<hbm>>
        %dma_start3A_134 = arith.constant 0 : i32
        %dma_start3A_135 = tpu.memref_slice %arg6[%add3A_131, %dma_start3A_134] : memref<10240x64xf32, #tpu.memory_space<hbm>> -> memref<128x64xf32, #tpu.memory_space<hbm>>
        tpu.enqueue_dma source(%arg10 : memref<128x64xf32, #tpu.memory_space<vmem>>) target(%dma_start3A_135 : memref<128x64xf32, #tpu.memory_space<hbm>>) target_semaphore(%run_scoped3A : memref<!tpu.dma_semaphore, #tpu.memory_space<semaphore_mem>>)
        %dma_wait3A = arith.constant 0 : i32
        %dma_wait3A_136 = tpu.memref_slice %arg6[%add3A_131, %dma_wait3A] : memref<10240x64xf32, #tpu.memory_space<hbm>> -> memref<128x64xf32, #tpu.memory_space<hbm>>
        %dma_wait3A_137 = arith.constant 0 : i32
        %dma_wait3A_138 = tpu.memref_slice %arg6[%add3A_131, %dma_wait3A_137] : memref<10240x64xf32, #tpu.memory_space<hbm>> -> memref<128x64xf32, #tpu.memory_space<hbm>>
        tpu.wait_dma2 semaphore(%run_scoped3A : memref<!tpu.dma_semaphore, #tpu.memory_space<semaphore_mem>>) src(%arg10 : memref<128x64xf32, #tpu.memory_space<vmem>>) dst(%dma_wait3A_138 : memref<128x64xf32, #tpu.memory_space<hbm>>)
        tpu.yield
      }) : () -> ()
    } else {
    }
    %mul3A_86 = arith.constant 640 : i32
    %mul3A_87 = arith.muli %arg1, %mul3A_86 : i32
    %add3A_88 = arith.constant 256 : i32
    %add3A_89 = arith.addi %mul3A_87, %add3A_88 : i32
    "tpu.region"() ({
      %run_scoped3A = tpu.sem_alloc : memref<!tpu.dma_semaphore, #tpu.memory_space<semaphore_mem>>
      %dma_start3A_128 = arith.constant 0 : i32
      %dma_start3A_129 = tpu.memref_slice %arg12[%add3A_89, %dma_start3A_128] : memref<10240x64xf32, #tpu.memory_space<vmem_shared>> -> memref<128x64xf32, #tpu.memory_space<vmem_shared>>
      %dma_start3A_130 = arith.constant 0 : i32
      %dma_start3A_131 = tpu.memref_slice %arg12[%add3A_89, %dma_start3A_130] : memref<10240x64xf32, #tpu.memory_space<vmem_shared>> -> memref<128x64xf32, #tpu.memory_space<vmem_shared>>
      tpu.enqueue_dma source(%dma_start3A_131 : memref<128x64xf32, #tpu.memory_space<vmem_shared>>) target(%arg11 : memref<128x64xf32, #tpu.memory_space<vmem>>) target_semaphore(%run_scoped3A : memref<!tpu.dma_semaphore, #tpu.memory_space<semaphore_mem>>)
      %dma_wait3A = arith.constant 0 : i32
      %dma_wait3A_132 = tpu.memref_slice %arg12[%add3A_89, %dma_wait3A] : memref<10240x64xf32, #tpu.memory_space<vmem_shared>> -> memref<128x64xf32, #tpu.memory_space<vmem_shared>>
      %dma_wait3A_133 = arith.constant 0 : i32
      %dma_wait3A_134 = tpu.memref_slice %arg12[%add3A_89, %dma_wait3A_133] : memref<10240x64xf32, #tpu.memory_space<vmem_shared>> -> memref<128x64xf32, #tpu.memory_space<vmem_shared>>
      tpu.wait_dma2 semaphore(%run_scoped3A : memref<!tpu.dma_semaphore, #tpu.memory_space<semaphore_mem>>) src(%dma_wait3A_134 : memref<128x64xf32, #tpu.memory_space<vmem_shared>>) dst(%arg11 : memref<128x64xf32, #tpu.memory_space<vmem>>)
      tpu.yield
    }) : () -> ()
    %eq3A_90 = arith.constant 0 : i32
    %eq3A_91 = arith.cmpi eq, %arg0, %eq3A_90 : i32
    %convert_element_type3A_92 = arith.extui %eq3A_91 : i1 to i32
    %cond3A_93 = arith.constant 0 : i32
    %cond3A_94 = arith.cmpi ne, %convert_element_type3A_92, %cond3A_93 : i32
    scf.if %cond3A_94 {
      %mul3A_128 = arith.constant 640 : i32
      %mul3A_129 = arith.muli %arg1, %mul3A_128 : i32
      %add3A_130 = arith.constant 256 : i32
      %add3A_131 = arith.addi %mul3A_129, %add3A_130 : i32
      "tpu.region"() ({
        %run_scoped3A = tpu.sem_alloc : memref<!tpu.dma_semaphore, #tpu.memory_space<semaphore_mem>>
        %dma_start3A_132 = arith.constant 0 : i32
        %dma_start3A_133 = tpu.memref_slice %arg5[%add3A_131, %dma_start3A_132] : memref<10240x64xf32, #tpu.memory_space<hbm>> -> memref<128x64xf32, #tpu.memory_space<hbm>>
        %dma_start3A_134 = arith.constant 0 : i32
        %dma_start3A_135 = tpu.memref_slice %arg5[%add3A_131, %dma_start3A_134] : memref<10240x64xf32, #tpu.memory_space<hbm>> -> memref<128x64xf32, #tpu.memory_space<hbm>>
        tpu.enqueue_dma source(%arg11 : memref<128x64xf32, #tpu.memory_space<vmem>>) target(%dma_start3A_135 : memref<128x64xf32, #tpu.memory_space<hbm>>) target_semaphore(%run_scoped3A : memref<!tpu.dma_semaphore, #tpu.memory_space<semaphore_mem>>)
        %dma_wait3A = arith.constant 0 : i32
        %dma_wait3A_136 = tpu.memref_slice %arg5[%add3A_131, %dma_wait3A] : memref<10240x64xf32, #tpu.memory_space<hbm>> -> memref<128x64xf32, #tpu.memory_space<hbm>>
        %dma_wait3A_137 = arith.constant 0 : i32
        %dma_wait3A_138 = tpu.memref_slice %arg5[%add3A_131, %dma_wait3A_137] : memref<10240x64xf32, #tpu.memory_space<hbm>> -> memref<128x64xf32, #tpu.memory_space<hbm>>
        tpu.wait_dma2 semaphore(%run_scoped3A : memref<!tpu.dma_semaphore, #tpu.memory_space<semaphore_mem>>) src(%arg11 : memref<128x64xf32, #tpu.memory_space<vmem>>) dst(%dma_wait3A_138 : memref<128x64xf32, #tpu.memory_space<hbm>>)
        tpu.yield
      }) : () -> ()
    } else {
    }
    %eq3A_95 = arith.constant 1 : i32
    %eq3A_96 = arith.cmpi eq, %arg0, %eq3A_95 : i32
    %convert_element_type3A_97 = arith.extui %eq3A_96 : i1 to i32
    %cond3A_98 = arith.constant 0 : i32
    %cond3A_99 = arith.cmpi ne, %convert_element_type3A_97, %cond3A_98 : i32
    scf.if %cond3A_99 {
      %mul3A_128 = arith.constant 640 : i32
      %mul3A_129 = arith.muli %arg1, %mul3A_128 : i32
      %add3A_130 = arith.constant 256 : i32
      %add3A_131 = arith.addi %mul3A_129, %add3A_130 : i32
      "tpu.region"() ({
        %run_scoped3A = tpu.sem_alloc : memref<!tpu.dma_semaphore, #tpu.memory_space<semaphore_mem>>
        %dma_start3A_132 = arith.constant 0 : i32
        %dma_start3A_133 = tpu.memref_slice %arg6[%add3A_131, %dma_start3A_132] : memref<10240x64xf32, #tpu.memory_space<hbm>> -> memref<128x64xf32, #tpu.memory_space<hbm>>
        %dma_start3A_134 = arith.constant 0 : i32
        %dma_start3A_135 = tpu.memref_slice %arg6[%add3A_131, %dma_start3A_134] : memref<10240x64xf32, #tpu.memory_space<hbm>> -> memref<128x64xf32, #tpu.memory_space<hbm>>
        tpu.enqueue_dma source(%arg11 : memref<128x64xf32, #tpu.memory_space<vmem>>) target(%dma_start3A_135 : memref<128x64xf32, #tpu.memory_space<hbm>>) target_semaphore(%run_scoped3A : memref<!tpu.dma_semaphore, #tpu.memory_space<semaphore_mem>>)
        %dma_wait3A = arith.constant 0 : i32
        %dma_wait3A_136 = tpu.memref_slice %arg6[%add3A_131, %dma_wait3A] : memref<10240x64xf32, #tpu.memory_space<hbm>> -> memref<128x64xf32, #tpu.memory_space<hbm>>
        %dma_wait3A_137 = arith.constant 0 : i32
        %dma_wait3A_138 = tpu.memref_slice %arg6[%add3A_131, %dma_wait3A_137] : memref<10240x64xf32, #tpu.memory_space<hbm>> -> memref<128x64xf32, #tpu.memory_space<hbm>>
        tpu.wait_dma2 semaphore(%run_scoped3A : memref<!tpu.dma_semaphore, #tpu.memory_space<semaphore_mem>>) src(%arg11 : memref<128x64xf32, #tpu.memory_space<vmem>>) dst(%dma_wait3A_138 : memref<128x64xf32, #tpu.memory_space<hbm>>)
        tpu.yield
      }) : () -> ()
    } else {
    }
    %mul3A_100 = arith.constant 640 : i32
    %mul3A_101 = arith.muli %arg1, %mul3A_100 : i32
    %add3A_102 = arith.constant 384 : i32
    %add3A_103 = arith.addi %mul3A_101, %add3A_102 : i32
    "tpu.region"() ({
      %run_scoped3A = tpu.sem_alloc : memref<!tpu.dma_semaphore, #tpu.memory_space<semaphore_mem>>
      %dma_start3A_128 = arith.constant 0 : i32
      %dma_start3A_129 = tpu.memref_slice %arg12[%add3A_103, %dma_start3A_128] : memref<10240x64xf32, #tpu.memory_space<vmem_shared>> -> memref<128x64xf32, #tpu.memory_space<vmem_shared>>
      %dma_start3A_130 = arith.constant 0 : i32
      %dma_start3A_131 = tpu.memref_slice %arg12[%add3A_103, %dma_start3A_130] : memref<10240x64xf32, #tpu.memory_space<vmem_shared>> -> memref<128x64xf32, #tpu.memory_space<vmem_shared>>
      tpu.enqueue_dma source(%dma_start3A_131 : memref<128x64xf32, #tpu.memory_space<vmem_shared>>) target(%arg9 : memref<128x64xf32, #tpu.memory_space<vmem>>) target_semaphore(%run_scoped3A : memref<!tpu.dma_semaphore, #tpu.memory_space<semaphore_mem>>)
      %dma_wait3A = arith.constant 0 : i32
      %dma_wait3A_132 = tpu.memref_slice %arg12[%add3A_103, %dma_wait3A] : memref<10240x64xf32, #tpu.memory_space<vmem_shared>> -> memref<128x64xf32, #tpu.memory_space<vmem_shared>>
      %dma_wait3A_133 = arith.constant 0 : i32
      %dma_wait3A_134 = tpu.memref_slice %arg12[%add3A_103, %dma_wait3A_133] : memref<10240x64xf32, #tpu.memory_space<vmem_shared>> -> memref<128x64xf32, #tpu.memory_space<vmem_shared>>
      tpu.wait_dma2 semaphore(%run_scoped3A : memref<!tpu.dma_semaphore, #tpu.memory_space<semaphore_mem>>) src(%dma_wait3A_134 : memref<128x64xf32, #tpu.memory_space<vmem_shared>>) dst(%arg9 : memref<128x64xf32, #tpu.memory_space<vmem>>)
      tpu.yield
    }) : () -> ()
    %eq3A_104 = arith.constant 0 : i32
    %eq3A_105 = arith.cmpi eq, %arg0, %eq3A_104 : i32
    %convert_element_type3A_106 = arith.extui %eq3A_105 : i1 to i32
    %cond3A_107 = arith.constant 0 : i32
    %cond3A_108 = arith.cmpi ne, %convert_element_type3A_106, %cond3A_107 : i32
    scf.if %cond3A_108 {
      %mul3A_128 = arith.constant 640 : i32
      %mul3A_129 = arith.muli %arg1, %mul3A_128 : i32
      %add3A_130 = arith.constant 384 : i32
      %add3A_131 = arith.addi %mul3A_129, %add3A_130 : i32
      "tpu.region"() ({
        %run_scoped3A = tpu.sem_alloc : memref<!tpu.dma_semaphore, #tpu.memory_space<semaphore_mem>>
        %dma_start3A_132 = arith.constant 0 : i32
        %dma_start3A_133 = tpu.memref_slice %arg5[%add3A_131, %dma_start3A_132] : memref<10240x64xf32, #tpu.memory_space<hbm>> -> memref<128x64xf32, #tpu.memory_space<hbm>>
        %dma_start3A_134 = arith.constant 0 : i32
        %dma_start3A_135 = tpu.memref_slice %arg5[%add3A_131, %dma_start3A_134] : memref<10240x64xf32, #tpu.memory_space<hbm>> -> memref<128x64xf32, #tpu.memory_space<hbm>>
        tpu.enqueue_dma source(%arg9 : memref<128x64xf32, #tpu.memory_space<vmem>>) target(%dma_start3A_135 : memref<128x64xf32, #tpu.memory_space<hbm>>) target_semaphore(%run_scoped3A : memref<!tpu.dma_semaphore, #tpu.memory_space<semaphore_mem>>)
        %dma_wait3A = arith.constant 0 : i32
        %dma_wait3A_136 = tpu.memref_slice %arg5[%add3A_131, %dma_wait3A] : memref<10240x64xf32, #tpu.memory_space<hbm>> -> memref<128x64xf32, #tpu.memory_space<hbm>>
        %dma_wait3A_137 = arith.constant 0 : i32
        %dma_wait3A_138 = tpu.memref_slice %arg5[%add3A_131, %dma_wait3A_137] : memref<10240x64xf32, #tpu.memory_space<hbm>> -> memref<128x64xf32, #tpu.memory_space<hbm>>
        tpu.wait_dma2 semaphore(%run_scoped3A : memref<!tpu.dma_semaphore, #tpu.memory_space<semaphore_mem>>) src(%arg9 : memref<128x64xf32, #tpu.memory_space<vmem>>) dst(%dma_wait3A_138 : memref<128x64xf32, #tpu.memory_space<hbm>>)
        tpu.yield
      }) : () -> ()
    } else {
    }
    %eq3A_109 = arith.constant 1 : i32
    %eq3A_110 = arith.cmpi eq, %arg0, %eq3A_109 : i32
    %convert_element_type3A_111 = arith.extui %eq3A_110 : i1 to i32
    %cond3A_112 = arith.constant 0 : i32
    %cond3A_113 = arith.cmpi ne, %convert_element_type3A_111, %cond3A_112 : i32
    scf.if %cond3A_113 {
      %mul3A_128 = arith.constant 640 : i32
      %mul3A_129 = arith.muli %arg1, %mul3A_128 : i32
      %add3A_130 = arith.constant 384 : i32
      %add3A_131 = arith.addi %mul3A_129, %add3A_130 : i32
      "tpu.region"() ({
        %run_scoped3A = tpu.sem_alloc : memref<!tpu.dma_semaphore, #tpu.memory_space<semaphore_mem>>
        %dma_start3A_132 = arith.constant 0 : i32
        %dma_start3A_133 = tpu.memref_slice %arg6[%add3A_131, %dma_start3A_132] : memref<10240x64xf32, #tpu.memory_space<hbm>> -> memref<128x64xf32, #tpu.memory_space<hbm>>
        %dma_start3A_134 = arith.constant 0 : i32
        %dma_start3A_135 = tpu.memref_slice %arg6[%add3A_131, %dma_start3A_134] : memref<10240x64xf32, #tpu.memory_space<hbm>> -> memref<128x64xf32, #tpu.memory_space<hbm>>
        tpu.enqueue_dma source(%arg9 : memref<128x64xf32, #tpu.memory_space<vmem>>) target(%dma_start3A_135 : memref<128x64xf32, #tpu.memory_space<hbm>>) target_semaphore(%run_scoped3A : memref<!tpu.dma_semaphore, #tpu.memory_space<semaphore_mem>>)
        %dma_wait3A = arith.constant 0 : i32
        %dma_wait3A_136 = tpu.memref_slice %arg6[%add3A_131, %dma_wait3A] : memref<10240x64xf32, #tpu.memory_space<hbm>> -> memref<128x64xf32, #tpu.memory_space<hbm>>
        %dma_wait3A_137 = arith.constant 0 : i32
        %dma_wait3A_138 = tpu.memref_slice %arg6[%add3A_131, %dma_wait3A_137] : memref<10240x64xf32, #tpu.memory_space<hbm>> -> memref<128x64xf32, #tpu.memory_space<hbm>>
        tpu.wait_dma2 semaphore(%run_scoped3A : memref<!tpu.dma_semaphore, #tpu.memory_space<semaphore_mem>>) src(%arg9 : memref<128x64xf32, #tpu.memory_space<vmem>>) dst(%dma_wait3A_138 : memref<128x64xf32, #tpu.memory_space<hbm>>)
        tpu.yield
      }) : () -> ()
    } else {
    }
    %mul3A_114 = arith.constant 640 : i32
    %mul3A_115 = arith.muli %arg1, %mul3A_114 : i32
    %add3A_116 = arith.constant 512 : i32
    %add3A_117 = arith.addi %mul3A_115, %add3A_116 : i32
    "tpu.region"() ({
      %run_scoped3A = tpu.sem_alloc : memref<!tpu.dma_semaphore, #tpu.memory_space<semaphore_mem>>
      %dma_start3A_128 = arith.constant 0 : i32
      %dma_start3A_129 = tpu.memref_slice %arg12[%add3A_117, %dma_start3A_128] : memref<10240x64xf32, #tpu.memory_space<vmem_shared>> -> memref<128x64xf32, #tpu.memory_space<vmem_shared>>
      %dma_start3A_130 = arith.constant 0 : i32
      %dma_start3A_131 = tpu.memref_slice %arg12[%add3A_117, %dma_start3A_130] : memref<10240x64xf32, #tpu.memory_space<vmem_shared>> -> memref<128x64xf32, #tpu.memory_space<vmem_shared>>
      tpu.enqueue_dma source(%dma_start3A_131 : memref<128x64xf32, #tpu.memory_space<vmem_shared>>) target(%arg10 : memref<128x64xf32, #tpu.memory_space<vmem>>) target_semaphore(%run_scoped3A : memref<!tpu.dma_semaphore, #tpu.memory_space<semaphore_mem>>)
      %dma_wait3A = arith.constant 0 : i32
      %dma_wait3A_132 = tpu.memref_slice %arg12[%add3A_117, %dma_wait3A] : memref<10240x64xf32, #tpu.memory_space<vmem_shared>> -> memref<128x64xf32, #tpu.memory_space<vmem_shared>>
      %dma_wait3A_133 = arith.constant 0 : i32
      %dma_wait3A_134 = tpu.memref_slice %arg12[%add3A_117, %dma_wait3A_133] : memref<10240x64xf32, #tpu.memory_space<vmem_shared>> -> memref<128x64xf32, #tpu.memory_space<vmem_shared>>
      tpu.wait_dma2 semaphore(%run_scoped3A : memref<!tpu.dma_semaphore, #tpu.memory_space<semaphore_mem>>) src(%dma_wait3A_134 : memref<128x64xf32, #tpu.memory_space<vmem_shared>>) dst(%arg10 : memref<128x64xf32, #tpu.memory_space<vmem>>)
      tpu.yield
    }) : () -> ()
    %eq3A_118 = arith.constant 0 : i32
    %eq3A_119 = arith.cmpi eq, %arg0, %eq3A_118 : i32
    %convert_element_type3A_120 = arith.extui %eq3A_119 : i1 to i32
    %cond3A_121 = arith.constant 0 : i32
    %cond3A_122 = arith.cmpi ne, %convert_element_type3A_120, %cond3A_121 : i32
    scf.if %cond3A_122 {
      %mul3A_128 = arith.constant 640 : i32
      %mul3A_129 = arith.muli %arg1, %mul3A_128 : i32
      %add3A_130 = arith.constant 512 : i32
      %add3A_131 = arith.addi %mul3A_129, %add3A_130 : i32
      "tpu.region"() ({
        %run_scoped3A = tpu.sem_alloc : memref<!tpu.dma_semaphore, #tpu.memory_space<semaphore_mem>>
        %dma_start3A_132 = arith.constant 0 : i32
        %dma_start3A_133 = tpu.memref_slice %arg5[%add3A_131, %dma_start3A_132] : memref<10240x64xf32, #tpu.memory_space<hbm>> -> memref<128x64xf32, #tpu.memory_space<hbm>>
        %dma_start3A_134 = arith.constant 0 : i32
        %dma_start3A_135 = tpu.memref_slice %arg5[%add3A_131, %dma_start3A_134] : memref<10240x64xf32, #tpu.memory_space<hbm>> -> memref<128x64xf32, #tpu.memory_space<hbm>>
        tpu.enqueue_dma source(%arg10 : memref<128x64xf32, #tpu.memory_space<vmem>>) target(%dma_start3A_135 : memref<128x64xf32, #tpu.memory_space<hbm>>) target_semaphore(%run_scoped3A : memref<!tpu.dma_semaphore, #tpu.memory_space<semaphore_mem>>)
        %dma_wait3A = arith.constant 0 : i32
        %dma_wait3A_136 = tpu.memref_slice %arg5[%add3A_131, %dma_wait3A] : memref<10240x64xf32, #tpu.memory_space<hbm>> -> memref<128x64xf32, #tpu.memory_space<hbm>>
        %dma_wait3A_137 = arith.constant 0 : i32
        %dma_wait3A_138 = tpu.memref_slice %arg5[%add3A_131, %dma_wait3A_137] : memref<10240x64xf32, #tpu.memory_space<hbm>> -> memref<128x64xf32, #tpu.memory_space<hbm>>
        tpu.wait_dma2 semaphore(%run_scoped3A : memref<!tpu.dma_semaphore, #tpu.memory_space<semaphore_mem>>) src(%arg10 : memref<128x64xf32, #tpu.memory_space<vmem>>) dst(%dma_wait3A_138 : memref<128x64xf32, #tpu.memory_space<hbm>>)
        tpu.yield
      }) : () -> ()
    } else {
    }
    %eq3A_123 = arith.constant 1 : i32
    %eq3A_124 = arith.cmpi eq, %arg0, %eq3A_123 : i32
    %convert_element_type3A_125 = arith.extui %eq3A_124 : i1 to i32
    %cond3A_126 = arith.constant 0 : i32
    %cond3A_127 = arith.cmpi ne, %convert_element_type3A_125, %cond3A_126 : i32
    scf.if %cond3A_127 {
      %mul3A_128 = arith.constant 640 : i32
      %mul3A_129 = arith.muli %arg1, %mul3A_128 : i32
      %add3A_130 = arith.constant 512 : i32
      %add3A_131 = arith.addi %mul3A_129, %add3A_130 : i32
      "tpu.region"() ({
        %run_scoped3A = tpu.sem_alloc : memref<!tpu.dma_semaphore, #tpu.memory_space<semaphore_mem>>
        %dma_start3A_132 = arith.constant 0 : i32
        %dma_start3A_133 = tpu.memref_slice %arg6[%add3A_131, %dma_start3A_132] : memref<10240x64xf32, #tpu.memory_space<hbm>> -> memref<128x64xf32, #tpu.memory_space<hbm>>
        %dma_start3A_134 = arith.constant 0 : i32
        %dma_start3A_135 = tpu.memref_slice %arg6[%add3A_131, %dma_start3A_134] : memref<10240x64xf32, #tpu.memory_space<hbm>> -> memref<128x64xf32, #tpu.memory_space<hbm>>
        tpu.enqueue_dma source(%arg10 : memref<128x64xf32, #tpu.memory_space<vmem>>) target(%dma_start3A_135 : memref<128x64xf32, #tpu.memory_space<hbm>>) target_semaphore(%run_scoped3A : memref<!tpu.dma_semaphore, #tpu.memory_space<semaphore_mem>>)
        %dma_wait3A = arith.constant 0 : i32
        %dma_wait3A_136 = tpu.memref_slice %arg6[%add3A_131, %dma_wait3A] : memref<10240x64xf32, #tpu.memory_space<hbm>> -> memref<128x64xf32, #tpu.memory_space<hbm>>
        %dma_wait3A_137 = arith.constant 0 : i32
        %dma_wait3A_138 = tpu.memref_slice %arg6[%add3A_131, %dma_wait3A_137] : memref<10240x64xf32, #tpu.memory_space<hbm>> -> memref<128x64xf32, #tpu.memory_space<hbm>>
        tpu.wait_dma2 semaphore(%run_scoped3A : memref<!tpu.dma_semaphore, #tpu.memory_space<semaphore_mem>>) src(%arg10 : memref<128x64xf32, #tpu.memory_space<vmem>>) dst(%dma_wait3A_138 : memref<128x64xf32, #tpu.memory_space<hbm>>)
        tpu.yield
      }) : () -> ()
    } else {
    }
    return
  }
}

module attributes {stable_mosaic.version = 14 : i64} {
  func.func @_tc_first(%arg0: memref<20480xf32, #tpu.memory_space<vmem>>, %arg1: memref<5000x256xf32, #tpu.memory_space<vmem>>, %arg2: memref<256x128xf32, #tpu.memory_space<vmem>>, %arg3: memref<5120x128xf32, #tpu.memory_space<vmem>>) attributes {dimension_semantics = [], scalar_prefetch = 0 : i64, scratch_operands = 0 : i64, tpu.core_type = #tpu.core_type<tc>} {
    %get3A = arith.constant 0 : index
    %get3A_0 = vector.load %arg0[%get3A] : memref<20480xf32, #tpu.memory_space<vmem>>, vector<5120xf32>
    %get3A_1 = arith.constant 10240 : index
    %get3A_2 = vector.load %arg0[%get3A_1] : memref<20480xf32, #tpu.memory_space<vmem>>, vector<5120xf32>
    %add3A = arith.addf %get3A_0, %get3A_2 : vector<5120xf32>
    %add3A_3 = arith.constant 1.000000e+00 : f32
    %add3A_4 = vector.broadcast %add3A_3 : f32 to vector<5120xf32>
    %add3A_5 = arith.addf %add3A, %add3A_4 : vector<5120xf32>
    %rsqrt3A = math.rsqrt %add3A_5 : vector<5120xf32>
    %get3A_6 = arith.constant 5120 : index
    %get3A_7 = vector.load %arg0[%get3A_6] : memref<20480xf32, #tpu.memory_space<vmem>>, vector<5120xf32>
    %get3A_8 = arith.constant 15360 : index
    %get3A_9 = vector.load %arg0[%get3A_8] : memref<20480xf32, #tpu.memory_space<vmem>>, vector<5120xf32>
    %add3A_10 = arith.addf %get3A_7, %get3A_9 : vector<5120xf32>
    %add3A_11 = arith.constant 1.000000e+00 : f32
    %add3A_12 = vector.broadcast %add3A_11 : f32 to vector<5120xf32>
    %add3A_13 = arith.addf %add3A_10, %add3A_12 : vector<5120xf32>
    %rsqrt3A_14 = math.rsqrt %add3A_13 : vector<5120xf32>
    %reshape3A = vector.shape_cast %rsqrt3A : vector<5120xf32> to vector<5120x1xf32>
    %broadcast_in_dim3A = vector.shape_cast %reshape3A : vector<5120x1xf32> to vector<5120x1xf32>
    %broadcast_in_dim3A_15 = vector.broadcast %broadcast_in_dim3A : vector<5120x1xf32> to vector<5120x64xf32>
    %reshape3A_16 = vector.shape_cast %rsqrt3A_14 : vector<5120xf32> to vector<5120x1xf32>
    %broadcast_in_dim3A_17 = vector.shape_cast %reshape3A_16 : vector<5120x1xf32> to vector<5120x1xf32>
    %broadcast_in_dim3A_18 = vector.broadcast %broadcast_in_dim3A_17 : vector<5120x1xf32> to vector<5120x64xf32>
    %concatenate3A = tpu.concatenate %broadcast_in_dim3A_15, %broadcast_in_dim3A_18 in 1 : vector<5120x64xf32>, vector<5120x64xf32> -> vector<5120x128xf32>
    %get3A_19 = arith.constant 0 : index
    %get3A_20 = arith.constant 0 : index
    %get3A_21 = vector.load %arg1[%get3A_19, %get3A_20] : memref<5000x256xf32, #tpu.memory_space<vmem>>, vector<5000x256xf32>
    %get3A_22 = arith.constant 0 : index
    %get3A_23 = arith.constant 0 : index
    %get3A_24 = vector.load %arg2[%get3A_22, %get3A_23] : memref<256x128xf32, #tpu.memory_space<vmem>>, vector<256x128xf32>
    %dot_general3A = arith.constant dense<0.000000e+00> : vector<5000x128xf32>
    %dot_general3A_25 = tpu.matmul %get3A_21, %get3A_24, %dot_general3A {dimension_numbers = #tpu.dot_dimension_numbers<[1], [0], [0], [1], [0, 0, 1, 1], [], []>, transpose_lhs_hint = false} : vector<5000x256xf32>, vector<256x128xf32>, vector<5000x128xf32> -> vector<5000x128xf32>
    %slice3A = vector.extract_strided_slice %concatenate3A {offsets = [0, 0], sizes = [5000, 128], strides = [1, 1]} : vector<5120x128xf32> to vector<5000x128xf32>
    %mul3A = arith.mulf %dot_general3A_25, %slice3A : vector<5000x128xf32>
    %swap3A = arith.constant 0 : index
    %swap3A_26 = arith.constant 0 : index
    %swap3A_27 = vector.load %arg3[%swap3A, %swap3A_26] : memref<5120x128xf32, #tpu.memory_space<vmem>>, vector<5000x128xf32>
    tpu.vector_store %arg3[%swap3A, %swap3A_26], %mul3A {strides = array<i32>} : memref<5120x128xf32, #tpu.memory_space<vmem>>, vector<5000x128xf32>,
    %broadcast_in_dim3A_28 = arith.constant 0.000000e+00 : f32
    %broadcast_in_dim3A_29 = vector.broadcast %broadcast_in_dim3A_28 : f32 to vector<120x128xf32>
    %swap3A_30 = arith.constant 5000 : index
    %swap3A_31 = arith.constant 0 : index
    %swap3A_32 = vector.load %arg3[%swap3A_30, %swap3A_31] : memref<5120x128xf32, #tpu.memory_space<vmem>>, vector<120x128xf32>
    tpu.vector_store %arg3[%swap3A_30, %swap3A_31], %broadcast_in_dim3A_29 {strides = array<i32>} : memref<5120x128xf32, #tpu.memory_space<vmem>>, vector<120x128xf32>,
    return
  }
}

module attributes {stable_mosaic.version = 14 : i64} {
  func.func @_tc_mid(%arg0: memref<20480xf32, #tpu.memory_space<vmem>>, %arg1: memref<5120x128xf32, #tpu.memory_space<vmem>>, %arg2: memref<5120x128xf32, #tpu.memory_space<vmem>>, %arg3: memref<5120x128xf32, #tpu.memory_space<vmem>>, %arg4: memref<1x128xf32, #tpu.memory_space<vmem>>, %arg5: memref<128x128xf32, #tpu.memory_space<vmem>>, %arg6: memref<5120x128xf32, #tpu.memory_space<vmem>>) attributes {dimension_semantics = [], scalar_prefetch = 0 : i64, scratch_operands = 0 : i64, tpu.core_type = #tpu.core_type<tc>} {
    %get3A = arith.constant 0 : index
    %get3A_0 = vector.load %arg0[%get3A] : memref<20480xf32, #tpu.memory_space<vmem>>, vector<5120xf32>
    %get3A_1 = arith.constant 10240 : index
    %get3A_2 = vector.load %arg0[%get3A_1] : memref<20480xf32, #tpu.memory_space<vmem>>, vector<5120xf32>
    %add3A = arith.addf %get3A_0, %get3A_2 : vector<5120xf32>
    %add3A_3 = arith.constant 1.000000e+00 : f32
    %add3A_4 = vector.broadcast %add3A_3 : f32 to vector<5120xf32>
    %add3A_5 = arith.addf %add3A, %add3A_4 : vector<5120xf32>
    %rsqrt3A = math.rsqrt %add3A_5 : vector<5120xf32>
    %get3A_6 = arith.constant 5120 : index
    %get3A_7 = vector.load %arg0[%get3A_6] : memref<20480xf32, #tpu.memory_space<vmem>>, vector<5120xf32>
    %get3A_8 = arith.constant 15360 : index
    %get3A_9 = vector.load %arg0[%get3A_8] : memref<20480xf32, #tpu.memory_space<vmem>>, vector<5120xf32>
    %add3A_10 = arith.addf %get3A_7, %get3A_9 : vector<5120xf32>
    %add3A_11 = arith.constant 1.000000e+00 : f32
    %add3A_12 = vector.broadcast %add3A_11 : f32 to vector<5120xf32>
    %add3A_13 = arith.addf %add3A_10, %add3A_12 : vector<5120xf32>
    %rsqrt3A_14 = math.rsqrt %add3A_13 : vector<5120xf32>
    %reshape3A = vector.shape_cast %rsqrt3A : vector<5120xf32> to vector<5120x1xf32>
    %broadcast_in_dim3A = vector.shape_cast %reshape3A : vector<5120x1xf32> to vector<5120x1xf32>
    %broadcast_in_dim3A_15 = vector.broadcast %broadcast_in_dim3A : vector<5120x1xf32> to vector<5120x64xf32>
    %reshape3A_16 = vector.shape_cast %rsqrt3A_14 : vector<5120xf32> to vector<5120x1xf32>
    %broadcast_in_dim3A_17 = vector.shape_cast %reshape3A_16 : vector<5120x1xf32> to vector<5120x1xf32>
    %broadcast_in_dim3A_18 = vector.broadcast %broadcast_in_dim3A_17 : vector<5120x1xf32> to vector<5120x64xf32>
    %concatenate3A = tpu.concatenate %broadcast_in_dim3A_15, %broadcast_in_dim3A_18 in 1 : vector<5120x64xf32>, vector<5120x64xf32> -> vector<5120x128xf32>
    %get3A_19 = arith.constant 0 : index
    %get3A_20 = arith.constant 0 : index
    %get3A_21 = vector.load %arg1[%get3A_19, %get3A_20] : memref<5120x128xf32, #tpu.memory_space<vmem>>, vector<5120x128xf32>
    %get3A_22 = arith.constant 0 : index
    %get3A_23 = arith.constant 0 : index
    %get3A_24 = vector.load %arg2[%get3A_22, %get3A_23] : memref<5120x128xf32, #tpu.memory_space<vmem>>, vector<5120x128xf32>
    %add3A_25 = arith.addf %get3A_21, %get3A_24 : vector<5120x128xf32>
    %get3A_26 = arith.constant 0 : index
    %get3A_27 = arith.constant 0 : index
    %get3A_28 = vector.load %arg3[%get3A_26, %get3A_27] : memref<5120x128xf32, #tpu.memory_space<vmem>>, vector<5120x128xf32>
    %add3A_29 = arith.addf %add3A_25, %get3A_28 : vector<5120x128xf32>
    %mul3A = arith.mulf %concatenate3A, %add3A_29 : vector<5120x128xf32>
    %get3A_30 = arith.constant 0 : index
    %get3A_31 = arith.constant 0 : index
    %get3A_32 = vector.load %arg4[%get3A_30, %get3A_31] : memref<1x128xf32, #tpu.memory_space<vmem>>, vector<1x128xf32>
    %add3A_33 = vector.broadcast %get3A_32 : vector<1x128xf32> to vector<5120x128xf32>
    %add3A_34 = arith.addf %mul3A, %add3A_33 : vector<5120x128xf32>
    %max3A = arith.constant 0.000000e+00 : f32
    %max3A_35 = vector.broadcast %max3A : f32 to vector<5120x128xf32>
    %max3A_36 = arith.maximumf %add3A_34, %max3A_35 : vector<5120x128xf32>
    %get3A_37 = arith.constant 0 : index
    %get3A_38 = arith.constant 0 : index
    %get3A_39 = vector.load %arg5[%get3A_37, %get3A_38] : memref<128x128xf32, #tpu.memory_space<vmem>>, vector<128x128xf32>
    %dot_general3A = arith.constant dense<0.000000e+00> : vector<5120x128xf32>
    %dot_general3A_40 = tpu.matmul %max3A_36, %get3A_39, %dot_general3A {dimension_numbers = #tpu.dot_dimension_numbers<[1], [0], [0], [1], [0, 0, 1, 1], [], []>, transpose_lhs_hint = false} : vector<5120x128xf32>, vector<128x128xf32>, vector<5120x128xf32> -> vector<5120x128xf32>
    %mul3A_41 = arith.mulf %dot_general3A_40, %concatenate3A : vector<5120x128xf32>
    %swap3A = arith.constant 0 : index
    %swap3A_42 = arith.constant 0 : index
    %swap3A_43 = vector.load %arg6[%swap3A, %swap3A_42] : memref<5120x128xf32, #tpu.memory_space<vmem>>, vector<5120x128xf32>
    tpu.vector_store %arg6[%swap3A, %swap3A_42], %mul3A_41 {strides = array<i32>} : memref<5120x128xf32, #tpu.memory_space<vmem>>, vector<5120x128xf32>,
    return
  }
}

module attributes {stable_mosaic.version = 14 : i64} {
  func.func @_tc_last(%arg0: memref<20480xf32, #tpu.memory_space<vmem>>, %arg1: memref<5120x128xf32, #tpu.memory_space<vmem>>, %arg2: memref<5120x128xf32, #tpu.memory_space<vmem>>, %arg3: memref<5120x128xf32, #tpu.memory_space<vmem>>, %arg4: memref<1x128xf32, #tpu.memory_space<vmem>>, %arg5: memref<5120x128xf32, #tpu.memory_space<vmem>>) attributes {dimension_semantics = [], scalar_prefetch = 0 : i64, scratch_operands = 0 : i64, tpu.core_type = #tpu.core_type<tc>} {
    %get3A = arith.constant 0 : index
    %get3A_0 = vector.load %arg0[%get3A] : memref<20480xf32, #tpu.memory_space<vmem>>, vector<5120xf32>
    %get3A_1 = arith.constant 10240 : index
    %get3A_2 = vector.load %arg0[%get3A_1] : memref<20480xf32, #tpu.memory_space<vmem>>, vector<5120xf32>
    %add3A = arith.addf %get3A_0, %get3A_2 : vector<5120xf32>
    %add3A_3 = arith.constant 1.000000e+00 : f32
    %add3A_4 = vector.broadcast %add3A_3 : f32 to vector<5120xf32>
    %add3A_5 = arith.addf %add3A, %add3A_4 : vector<5120xf32>
    %rsqrt3A = math.rsqrt %add3A_5 : vector<5120xf32>
    %get3A_6 = arith.constant 5120 : index
    %get3A_7 = vector.load %arg0[%get3A_6] : memref<20480xf32, #tpu.memory_space<vmem>>, vector<5120xf32>
    %get3A_8 = arith.constant 15360 : index
    %get3A_9 = vector.load %arg0[%get3A_8] : memref<20480xf32, #tpu.memory_space<vmem>>, vector<5120xf32>
    %add3A_10 = arith.addf %get3A_7, %get3A_9 : vector<5120xf32>
    %add3A_11 = arith.constant 1.000000e+00 : f32
    %add3A_12 = vector.broadcast %add3A_11 : f32 to vector<5120xf32>
    %add3A_13 = arith.addf %add3A_10, %add3A_12 : vector<5120xf32>
    %rsqrt3A_14 = math.rsqrt %add3A_13 : vector<5120xf32>
    %reshape3A = vector.shape_cast %rsqrt3A : vector<5120xf32> to vector<5120x1xf32>
    %broadcast_in_dim3A = vector.shape_cast %reshape3A : vector<5120x1xf32> to vector<5120x1xf32>
    %broadcast_in_dim3A_15 = vector.broadcast %broadcast_in_dim3A : vector<5120x1xf32> to vector<5120x64xf32>
    %reshape3A_16 = vector.shape_cast %rsqrt3A_14 : vector<5120xf32> to vector<5120x1xf32>
    %broadcast_in_dim3A_17 = vector.shape_cast %reshape3A_16 : vector<5120x1xf32> to vector<5120x1xf32>
    %broadcast_in_dim3A_18 = vector.broadcast %broadcast_in_dim3A_17 : vector<5120x1xf32> to vector<5120x64xf32>
    %concatenate3A = tpu.concatenate %broadcast_in_dim3A_15, %broadcast_in_dim3A_18 in 1 : vector<5120x64xf32>, vector<5120x64xf32> -> vector<5120x128xf32>
    %get3A_19 = arith.constant 0 : index
    %get3A_20 = arith.constant 0 : index
    %get3A_21 = vector.load %arg1[%get3A_19, %get3A_20] : memref<5120x128xf32, #tpu.memory_space<vmem>>, vector<5120x128xf32>
    %get3A_22 = arith.constant 0 : index
    %get3A_23 = arith.constant 0 : index
    %get3A_24 = vector.load %arg2[%get3A_22, %get3A_23] : memref<5120x128xf32, #tpu.memory_space<vmem>>, vector<5120x128xf32>
    %add3A_25 = arith.addf %get3A_21, %get3A_24 : vector<5120x128xf32>
    %get3A_26 = arith.constant 0 : index
    %get3A_27 = arith.constant 0 : index
    %get3A_28 = vector.load %arg3[%get3A_26, %get3A_27] : memref<5120x128xf32, #tpu.memory_space<vmem>>, vector<5120x128xf32>
    %add3A_29 = arith.addf %add3A_25, %get3A_28 : vector<5120x128xf32>
    %mul3A = arith.mulf %concatenate3A, %add3A_29 : vector<5120x128xf32>
    %get3A_30 = arith.constant 0 : index
    %get3A_31 = arith.constant 0 : index
    %get3A_32 = vector.load %arg4[%get3A_30, %get3A_31] : memref<1x128xf32, #tpu.memory_space<vmem>>, vector<1x128xf32>
    %add3A_33 = vector.broadcast %get3A_32 : vector<1x128xf32> to vector<5120x128xf32>
    %add3A_34 = arith.addf %mul3A, %add3A_33 : vector<5120x128xf32>
    %max3A = arith.constant 0.000000e+00 : f32
    %max3A_35 = vector.broadcast %max3A : f32 to vector<5120x128xf32>
    %max3A_36 = arith.maximumf %add3A_34, %max3A_35 : vector<5120x128xf32>
    %swap3A = arith.constant 0 : index
    %swap3A_37 = arith.constant 0 : index
    %swap3A_38 = vector.load %arg5[%swap3A, %swap3A_37] : memref<5120x128xf32, #tpu.memory_space<vmem>>, vector<5120x128xf32>
    tpu.vector_store %arg5[%swap3A, %swap3A_37], %max3A_36 {strides = array<i32>} : memref<5120x128xf32, #tpu.memory_space<vmem>>, vector<5120x128xf32>,
    return
  }
}

</mosaic_0001>

<sc_bundles>
// kernel: kernel.11.cloned.1.call-start
scs
__scs_entry_jumppad:
0x0: {  	(pc) =	sbr.rel $0x88, $3  }
0x1: {  	(tag) =	ssettag $0x0;
	lr =	simm.s32 $0x1  }
0x2: {  	[smem:$0x3F9B] =	sst lr;
	_ =	strace $0xD0000000  }
0x3: {  	_ = 	snop  }
0x4: {  	_ = 	snop  }
0x5: {  	_ = 	snop  }
0x6: {  	_ = 	snop  }
0x7: {  	_ = 	snop  }
__scs_overlays_trampoline_lowered:
0x8: {  	[smem:$0x3FAA] =	sst s0  }
0x9: {  	[smem:$0x3FAB] =	sst s1  }
0xa: {  	[smem:$0x3FAC] =	sst s2  }
0xb: {  	[smem:$0x3FAD] =	sst s3  }
0xc: {  	[smem:$0x3FAE] =	sst s4  }
0xd: {  	[smem:$0x3FAF] =	sst s5  }
0xe: {  	[smem:$0x3FB0] =	sst s6  }
0xf: {  	[smem:$0x3FB1] =	sst s7  }
0x10: {  	[smem:$0x3FB2] =	sst s8  }
0x11: {  	[smem:$0x3FB3] =	sst s9;
	s0 =	simm.s32 @!p0 $0x0  }
0x12: {  	s1 =	sld [smem:$0x3F99];
	s0 =	simm.s32 @p0 $0x1  }
0x13: {  	[smem:$0x3FB4] =	sst s0;
	s0 =	simm.s32 @!p1 $0x0  }
0x14: {  	s2 =	sld [smem:$0x3F98];
	s0 =	simm.s32 @p1 $0x1  }
0x15: {  	[smem:$0x3FB5] =	sst s0;
	s0 =	simm.s32 @!p2 $0x0  }
0x16: {  	s3 =	sld [smem:$0x3FDB];
	s0 =	simm.s32 @p2 $0x1  }
0x17: {  	s4 =	simm.s32 $0x1BF5;
	[smem:$0x3FB7] =	sst s0  }
0x18: {  	s0 =	sld [smem:$0x3F9A];
	_ =	swait.ge [sflag:s4], $0x0  }
0x19: {  	s7 =	sld [smem:$0x3F9B]  }
0x1a: {  	s8 =	sadd.s32 $0xFFFFE003, lr  }
0x1b: {  	s9 =	sadd.s32 $0xFFFFFEF7, lr;
	s5 =	simm.s32 $0xFFFFFFFF;
	p2 =	slt.u32 s8, $0xFFFFF086  }
0x1c: {  	p1 =	slt.u32 s9, $0xF7A;
	s5 =	simm.s32 @!p2 $0x0  }
0x1d: {  	s5 =	simm.s32 @p1 $0x1;
	p0 =	seq.s32 s7, s2  }
0x1e: {  	s7 =	smul.u32 @!p0 $0xF7A, s2;
	p2 =	seq.s32 @!p0 s5, $0x0  }
0x1f: {  	s9 =	smul.u32 $0xF7A, s1;
	s8 =	simm.s32 @!p0 $0x1BF5;
	p2 =	por !p2, p0  }
0x20: {  	[sflag:s8] =	ssyncset.s32 @!p0 $0xFFFFF086;
	s6 =	sadd.s32 @!p0 s3, s7;
	s7 =	simm.s32 @!p0 $0x108  }
0x21: {  	s3 =	sadd.s32 s3, s9;
	s6 =	sadd.s32 @!p0 $0x88, s6;
	s7 =	simm.s32 @p2 $0x1082  }
0x22: {  	[simem:s7], [sflag:s8] =	dma.local @!p0 [hbm:s6], $0xF7A  }
0x23: {  	s9 =	sor.u32 $0xD0000000, s2;
	s6 =	simm.s32 $0x108;
	_ =	swait.ge @!p0 [sflag:s8], $0x0  }
0x24: {  	s3 =	sadd.s32 $0x88, s3;
	s6 =	simm.s32 @!p1 $0x1082;
	[sflag:s4] =	ssyncset.s32 $0xFFFFF086  }
0x25: {  	[simem:s6], [sflag:s4] =	dma.local [hbm:s3], $0xF7A  }
0x26: {  	[smem:$0x3F9B] =	sst s1;
	(tag) =	ssettag s2;
	_ =	strace s9  }
0x27: {  	s1 =	sld [smem:$0x3FAB]  }
0x28: {  	s2 =	sld [smem:$0x3FAC]  }
0x29: {  	s4 =	sld [smem:$0x3FAE]  }
0x2a: {  	p0 =	seq.s32 s5, $0x0;
	s5 =	sld [smem:$0x3FAF]  }
0x2b: {  	s6 =	sld [smem:$0x3FB0]  }
0x2c: {  	s7 =	sld [smem:$0x3FB1]  }
0x2d: {  	s3 =	simm.s32 $0x108;
	s8 =	sld [smem:$0x3FB2]  }
0x2e: {  	s3 =	simm.s32 @!p0 $0x1082;
	s9 =	sld [smem:$0x3FB3]  }
0x2f: {  	lr =	sadd.s32 s0, s3;
	s0 =	sld [smem:$0x3FAA]  }
0x30: {  	s3 =	sld [smem:$0x3FAD]  }
0x31: {  	[smem:$0x3FB6] =	sst s10  }
0x32: {  	s10 =	sld [smem:$0x3FB4];
	_ =	sdelay $0x3  }
0x33: {  	p0 =	seq.s32 s10, $0x1;
	s10 =	sld [smem:$0x3FB6];
	_ =	sdelay $0x3  }
0x34: {  	[smem:$0x3FB6] =	sst s10  }
0x35: {  	s10 =	sld [smem:$0x3FB5];
	_ =	sdelay $0x3  }
0x36: {  	p1 =	seq.s32 s10, $0x1;
	s10 =	sld [smem:$0x3FB6];
	_ =	sdelay $0x3  }
0x37: {  	[smem:$0x3FB6] =	sst s10  }
0x38: {  	s10 =	sld [smem:$0x3FB7]  }
0x39: {  	_ = 	snop;
	(pc) =	sbr.ind lr, $3  }
0x3a: {  	_ = 	snop  }
0x3b: {  	_ = 	snop  }
0x3c: {  	p2 =	seq.s32 s10, $0x1;
	s10 =	sld [smem:$0x3FB6]  }
0x3d: {  	_ =	shalt  }
0x3e: {  	_ =	shalt  }
0x3f: {  	_ =	shalt  }
0x40: {  	_ =	shalt  }
0x41: {  	_ =	shalt  }
0x42: {  	_ =	shalt  }
0x43: {  	_ =	shalt  }
0x44: {  	_ =	shalt  }
0x45: {  	_ =	shalt  }
0x46: {  	_ =	shalt  }
0x47: {  	_ =	shalt  }
0x48: {  	_ =	shalt  }
0x49: {  	_ =	shalt  }
0x4a: {  	_ =	shalt  }
0x4b: {  	_ =	shalt  }
0x4c: {  	_ =	shalt  }
0x4d: {  	_ =	shalt  }
0x4e: {  	_ =	shalt  }
0x4f: {  	_ =	shalt  }
0x50: {  	_ =	shalt  }
0x51: {  	_ =	shalt  }
0x52: {  	_ =	shalt  }
0x53: {  	_ =	shalt  }
0x54: {  	_ =	shalt  }
0x55: {  	_ =	shalt  }
0x56: {  	_ =	shalt  }
0x57: {  	_ =	shalt  }
0x58: {  	_ =	shalt  }
0x59: {  	_ =	shalt  }
0x5a: {  	_ =	shalt  }
0x5b: {  	_ =	shalt  }
0x5c: {  	_ =	shalt  }
0x5d: {  	_ =	shalt  }
0x5e: {  	_ =	shalt  }
0x5f: {  	_ =	shalt  }
0x60: {  	_ =	shalt  }
0x61: {  	_ =	shalt  }
0x62: {  	_ =	shalt  }
0x63: {  	_ =	shalt  }
0x64: {  	_ =	shalt  }
0x65: {  	_ =	shalt  }
0x66: {  	_ =	shalt  }
0x67: {  	_ =	shalt  }
0x68: {  	_ =	shalt  }
0x69: {  	_ =	shalt  }
0x6a: {  	_ =	shalt  }
0x6b: {  	_ =	shalt  }
0x6c: {  	_ =	shalt  }
0x6d: {  	_ =	shalt  }
0x6e: {  	_ =	shalt  }
0x6f: {  	_ =	shalt  }
0x70: {  	_ =	shalt  }
0x71: {  	_ =	shalt  }
0x72: {  	_ =	shalt  }
0x73: {  	_ =	shalt  }
0x74: {  	_ =	shalt  }
0x75: {  	_ =	shalt  }
0x76: {  	_ =	shalt  }
0x77: {  	_ =	shalt  }
0x78: {  	_ =	shalt  }
0x79: {  	_ =	shalt  }
0x7a: {  	_ =	shalt  }
0x7b: {  	_ =	shalt  }
0x7c: {  	_ =	shalt  }
0x7d: {  	_ =	shalt  }
0x7e: {  	_ =	shalt  }
0x7f: {  	_ =	shalt  }
0x80: {  	_ =	shalt  }
0x81: {  	_ =	shalt  }
0x82: {  	_ =	shalt  }
0x83: {  	_ =	shalt  }
0x84: {  	_ =	shalt  }
0x85: {  	_ =	shalt  }
0x86: {  	_ =	shalt  }
0x87: {  	_ =	shalt  }
.Lfunc_end0:
.L_simem_size_0:
called_computation.1_lowered:
.L_overlay_start_0:
0x88: {  	s2 =	sld [smem:$0x3FD9]  }
0x89: {  	s3 =	sld [smem:$0x3FFE];
	_ =	sdelay $0x1  }
0x8a: {  	s1 =	srdreg.scid  }
0x8b: {  	s0 =	sand.u32 $0x1, s1  }
0x8c: {  	s17 =	sshll.u32 s0, $0xA;
	s2 =	sadd.s32 s3, s2  }
0x8d: {  	s2 =	sadd.s32 s2, s17  }
0x8e: {  	[smem:$0x3FC2] =	sst s2  }
0x8f: {  	_ = 	snop  }
0x90: {  	s2 =	sld [smem:$0x3FC8]  }
0x91: {  	s18 =	sld [smem:$0x3FD0];
	(tm) =	ssettm $0x1  }
0x92: {  	s4 =	sld [smem:$0x3FFB];
	_ =	sdelay $0x3  }
0x93: {  	_ =	strace s4  }
0x94: {  	s4 =	sld [smem:$0x3FFC];
	_ =	sdelay $0x3  }
0x95: {  	_ =	strace s4  }
0x96: {  	s4 =	sld [smem:$0x3FFD];
	_ =	sdelay $0x3  }
0x97: {  	_ =	strace s4  }
0x98: {  	_ =	strace $0x8FFFFFFF  }
0x99: {  	s19 =	sld [smem:$0x3FDB];
	_ =	sdelay $0x1  }
0x9a: {  	s5 =	simm.s32 $_scs_section_size  }
0x9b: {  	s6 =	simm.s32 $_size__tile_overlayer_lowered;
	s7 =	simm.s32 $_tile_overlayer_lowered  }
0x9c: {  	s22 =	simm.s32 $0x1BFF;
	s21 =	sshll.u32 s7, $0x1;
	s4 =	sadd.s32 s5, s19  }
0x9d: {  	s8 =	simm.s32 $0x0;
	s20 =	sshll.u32 s6, $0x1;
	s6 =	sadd.s32 s21, s4  }
0x9e: {  	[timem:s8], [sflag:s22] =	dma.local [hbm:s6], s20  }
0x9f: {  	_ =	swait.ge [sflag:s22], s20  }
0xa0: {  	s5 =	ssub.s32 $0x0, s20;
	[sflag:s22] =	ssyncset.done $0x0  }
0xa1: {  	[sflag:s22] =	ssyncadd.s32 s5;
	_ =	sdelay $0x1  }
0xa2: {  	s23 =	simm.s32 $0x1B8B  }
0xa3: {  	_ =	swait.ge [sflag:s23], $0x1  }
0xa4: {  	[sflag:s23] =	ssyncset.done $0x0  }
0xa5: {  	s25 =	simm.s32 $0x1B8E;
	s24 =	sld [smem:$0x3FFE];
	[sflag:s23] =	ssyncadd.s32 $0xFFFFFFFF  }
0xa6: {  	s26 =	simm.s32 $execute0_lowered;
	[smem:$0x3FD2] =	sst s25  }
0xa7: {  	s6 =	sshll.u32 s26, $0x1;
	_ =	strace $0x80000049;
	[dreg:$0x1] =	wrdreg $0xFFFFFFFF  }
0xa8: {  	s28 =	simm.s32 $_size_execute0_lowered;
	s4 =	sadd.s32 s4, s6;
	[dreg:$0x0] =	wrdreg $0x0  }
0xa9: {  	s6 =	sshll.u32 s28, $0x1;
	[dreg:$0x2] =	wrdreg s4  }
0xaa: {  	[dreg:$0x3] =	wrdreg s6  }
0xab: {  	[dreg:$0x4] =	wrdreg $0xC0  }
0xac: {  	_ =	task [dreg:s8], $0x5FFFF  }
0xad: {  	[dreg:$0x1] =	wrdreg $0xFFFFFFFF  }
0xae: {  	[dreg:$0x0] =	wrdreg $0x60  }
0xaf: {  	[dreg:$0x2] =	wrdreg s24  }
0xb0: {  	[dreg:$0x3] =	wrdreg s2  }
0xb1: {  	[dreg:$0x4] =	wrdreg s18  }
0xb2: {  	[dreg:$0x5] =	wrdreg $0xAF000  }
0xb3: {  	[dreg:$0x6] =	wrdreg $0x9  }
0xb4: {  	_ =	task.clear_ibuf [dreg:s8], $0x7FFFF;
	_ =	strace $0x90000049  }
0xb5: {  	s29 =	simm.s32 $0x9;
	_ =	strace $0x8000004B  }
0xb6: {  	_ =	swait.ge [sflag:s29], $0x1  }
0xb7: {  	[sflag:s29] =	ssyncadd.s32 $0xFFFFFFFF  }
0xb8: {  	_ =	strace $0x9000004B  }
0xb9: {  	_ =	sfence  }
0xba: {  	s30 =	sld [smem:$0x0];
	_ =	sdelay $0x2  }
0xbb: {  	s31 =	sshll.u32 s1, $0xD;
	s1 =	sshrl.u32 s1, $0x2  }
0xbc: {  	s3 =	sand.u32 $0x4000, s31;
	s1 =	sadd.s32 s1, s30  }
0xbd: {  	s0 =	sor.u32 s3, s0;
	s1 =	sshll.u32 s1, $0x11  }
0xbe: {  	s0 =	sor.u32 s1, s0  }
0xbf: {  	s0 =	sadd.s32 $0x8F2B, s0  }
0xc0: {  	[sflag:s0] =	ssyncadd.remote.s32 $0x1  }
0xc1: {  	_ =	sfence.sel $0xFFFF  }
0xc2: {  	[dreg:$0x0] =	wrdreg $0xFFFFFFFF;
	(pc) =	sbr.abs _section_cstart, $3  }
0xc3: {  	[dreg:$0x1] =	wrdreg $0xFFFFFFFF  }
0xc4: {  	_ =	task.clear_ibuf [dreg:s8], $0x2FFFF;
	_ =	strace $0x9FFFFFFF  }
0xc5: {  	(tm) =	ssettm $0x7FFFFFFF  }
tec
execute0_lowered:
.L_overlay_start_1:
0x0: {  	(tag) =	ssettag $0x1  }
0x1: {  	s0 =	rddreg [dreg:$0x0]  }
0x2: {  	s1 =	rddreg [dreg:$0x1]  }
0x3: {  	s2 =	rddreg [dreg:$0x3]  }
0x4: {  	s3 =	srdreg.scid;
	s4 =	simm.s32 $0x0;
	s9 =	stileid.u32  }
0x5: {  	s20 =	simm.s32 $0x4;
	s21 =	simm.s32 $0x80;
	s23 =	simm.s32 $0x6F00  }
0x6: {  	s25 =	simm.s32 $0x8F00;
	s28 =	simm.s32 $0x2;
	s29 =	simm.s32 $0x3  }
0x7: {  	s31 =	simm.s32 $0x4C80;
	s3 =	sand.u32 $0x1, s3;
	[smem:$0x7FF] =	sst s4  }
0x8: {  	s13 =	smul.u32 $0xA000, s9;
	s5 =	sadd.s32 $0x3000, s0;
	s10 =	sshll.u32 s9, $0x5  }
0x9: {  	s6 =	ssub.s32 $0x2, s3;
	_ =	strace $0x8000004A;
	s26 =	sshll.u32 s3, $0x4  }
0xa: {  	s12 =	sadd.s32 s10, s1;
	p0 =	seq.s32 s3, $0x0;
	s3 =	simm.s32 $0x17000  }
0xb: {  	s7 =	sshrl.u32 s6, $0x1;
	s19 =	sor.u32 s9, s26;
	s15 =	sadd.s32 $0x2000, s13  }
0xc: {  	s16 =	sadd.s32 $0x4000, s13;
	s17 =	sadd.s32 $0x6000, s13;
	s18 =	sadd.s32 $0x8000, s13  }
0xd: {  	s12 =	sadd.s32 $0x13800, s12;
	s30 =	sshrl.u32 s13, $0x3;
	s3 =	simm.s32 @!p0 $0x2B000  }
0xe: {  	s26 =	simm.s32 $0x1;
	s14 =	ssub.s32 s6, s7;
	s6 =	sadd.s32 s13, s2  }
0xf: {  	s7 =	sadd.s32 s15, s2;
	s8 =	sadd.s32 s16, s2;
	s11 =	smul.u32 $0x9C0, s19  }
0x10: {  	s9 =	sadd.s32 s17, s2;
	s10 =	sadd.s32 s18, s2;
	s15 =	sshrl.u32 s15, $0x3  }
0x11: {  	s16 =	sshrl.u32 s16, $0x3;
	s17 =	sshrl.u32 s17, $0x3;
	s18 =	sshrl.u32 s18, $0x3  }
0x12: {  	s0 =	sadd.s32 s3, s0;
	p0 =	sgt.u32 s19, $0x3;
	s19 =	simm.s32 $0x4F00  }
0x13: {  	s3 =	simm.s32 $0x0;
	s13 =	smax.u32 s14, $0x1;
	s14 =	sadd.s32 s0, s30  }
0x14: {  	s15 =	sadd.s32 s0, s15;
	s16 =	sadd.s32 s0, s16;
	s17 =	sadd.s32 s0, s17  }
0x15: {  	s18 =	sadd.s32 s0, s18;
	s0 =	simm.s32 $0x4D80;
	s11 =	sadd.s32 s1, s11  }
.LBB2_1:
0x16: {  	s1 =	rddreg [dreg:$0x2]  }
0x17: {  	[tilespmem:s19], [sflag:$0x4] =	stream.linear.gather [hbm4b:s1+s4], $0x2000, $0x38;
	[tilespmem:$0x14F00] =	vst v63  }
0x18: {  	_ =	swait.ge [sflag:s20], $0x2000  }
0x19: {  	[sflag:s20] =	ssyncset.done $0x0  }
0x1a: {  	[sflag:s20] =	ssyncadd.s32 $0xFFFFE000  }
0x1b: {  	[spmem:s6] =	stream.linear.scatter [tilespmem:s19], [sflag:$0x4], $0x2000, $0x38;
	[tilespmem:$0x14F00] =	vst v63  }
0x1c: {  	_ =	swait.ge [sflag:s20], $0x2000  }
0x1d: {  	[sflag:s20] =	ssyncset.done $0x0  }
0x1e: {  	[sflag:s20] =	ssyncadd.s32 $0xFFFFE000  }
0x1f: {  	[spmem:s7] =	stream.linear.scatter [tilespmem:s19], [sflag:$0x4], $0x2000, $0x38;
	[tilespmem:$0x14F00] =	vst v63  }
0x20: {  	_ =	swait.ge [sflag:s20], $0x2000  }
0x21: {  	[sflag:s20] =	ssyncset.done $0x0  }
0x22: {  	[sflag:s20] =	ssyncadd.s32 $0xFFFFE000  }
0x23: {  	[spmem:s8] =	stream.linear.scatter [tilespmem:s19], [sflag:$0x4], $0x2000, $0x38;
	[tilespmem:$0x14F00] =	vst v63  }
0x24: {  	_ =	swait.ge [sflag:s20], $0x2000  }
0x25: {  	[sflag:s20] =	ssyncset.done $0x0  }
0x26: {  	[sflag:s20] =	ssyncadd.s32 $0xFFFFE000  }
0x27: {  	[spmem:s9] =	stream.linear.scatter [tilespmem:s19], [sflag:$0x4], $0x2000, $0x38;
	[tilespmem:$0x14F00] =	vst v63  }
0x28: {  	_ =	swait.ge [sflag:s20], $0x2000  }
0x29: {  	[sflag:s20] =	ssyncset.done $0x0  }
0x2a: {  	[sflag:s20] =	ssyncadd.s32 $0xFFFFE000  }
0x2b: {  	[spmem:s10] =	stream.linear.scatter [tilespmem:s19], [sflag:$0x4], $0x2000, $0x38;
	[tilespmem:$0x14F00] =	vst v63  }
0x2c: {  	_ =	swait.ge [sflag:s20], $0x2000  }
0x2d: {  	[sflag:s20] =	ssyncset.done $0x0  }
0x2e: {  	[sflag:s20] =	ssyncadd.s32 $0xFFFFE000  }
0x2f: {  	[tilespmem:s4], [sflag:$0x4] =	stream.linear.gather [hbm4b:s11+s4], $0x4E00, $0x38;
	[tilespmem:$0x14F00] =	vst v63  }
0x30: {  	_ =	swait.ge [sflag:s20], $0x4E00  }
0x31: {  	[sflag:s20] =	ssyncset.done $0x0  }
0x32: {  	s22 =	simm.s32 @!p0 $0x4E00;
	s1 =	simm.s32 @!p0 $0x0;
	[sflag:s20] =	ssyncadd.s32 $0xFFFFB200  }
0x33: {  	[tilespmem:s22], [sflag:$0x4] =	stream.linear.gather @!p0 [hbm4b:s12+s1], $0x100, $0x38;
	[tilespmem:$0x14F00] =	vst v63  }
0x34: {  	s1 =	simm.s32 @!p0 $0x4  }
0x35: {  	_ =	swait.ge @!p0 [sflag:s1], $0x100  }
0x36: {  	[sflag:s1] =	ssyncset.done @!p0 $0x0  }
0x37: {  	[sflag:s1] =	ssyncadd.s32 @!p0 $0xFFFFFF00  }
0x38: {  	[bflag:$0x0] =	sbarrier.arrive $0xFFFF  }
0x39: {  	[tilespmem:s19], [sflag:$0x1] =	stream.indirect.gather [hbm4b:s5+s21], $0x40, s4, s21, $0xb8;
	[tilespmem:$0x14F00] =	vst v63  }
0x3a: {  	s30 =	simm.s32 $0x100  }
0x3b: {  	[tilespmem:s23], [sflag:$0x2] =	stream.indirect.gather [hbm4b:s5+s21], $0x40, s30, s21, $0xb8;
	[tilespmem:$0x14F00] =	vst v63  }
0x3c: {  	s22 =	simm.s32 $0x200  }
0x3d: {  	[tilespmem:s25], [sflag:$0x3] =	stream.indirect.gather [hbm4b:s5+s21], $0x40, s22, s21, $0xb8;
	[tilespmem:$0x14F00] =	vst v63  }
0x3e: {  	_ =	swait.ge [sflag:s26], $0x2000  }
0x3f: {  	[sflag:s26] =	ssyncset.done $0x0  }
0x40: {  	s24 =	simm.s32 $0x80;
	[sflag:s26] =	ssyncadd.s32 $0xFFFFE000  }
0x41: {  	[spmem:s2] =	stream.indirect.scatter.add.f32 [tilespmem:s19], [sflag:$0x4], $0x40, s24, s21, $0xb8;
	[tilespmem:$0x14F00] =	vst v63  }
0x42: {  	_ =	swait.ge [sflag:s20], $0x2000  }
0x43: {  	[sflag:s20] =	ssyncset.done $0x0  }
0x44: {  	s30 =	simm.s32 $0x300;
	[sflag:s20] =	ssyncadd.s32 $0xFFFFE000  }
0x45: {  	[tilespmem:s19], [sflag:$0x1] =	stream.indirect.gather [hbm4b:s5+s21], $0x40, s30, s21, $0xb8;
	[tilespmem:$0x14F00] =	vst v63  }
0x46: {  	_ =	swait.ge [sflag:s28], $0x2000  }
0x47: {  	[sflag:s28] =	ssyncset.done $0x0  }
0x48: {  	s22 =	simm.s32 $0x180;
	[sflag:s28] =	ssyncadd.s32 $0xFFFFE000  }
0x49: {  	[spmem:s2] =	stream.indirect.scatter.add.f32 [tilespmem:s23], [sflag:$0x4], $0x40, s22, s21, $0xb8;
	[tilespmem:$0x14F00] =	vst v63  }
0x4a: {  	_ =	swait.ge [sflag:s20], $0x2000  }
0x4b: {  	[sflag:s20] =	ssyncset.done $0x0  }
0x4c: {  	s24 =	simm.s32 $0x400;
	[sflag:s20] =	ssyncadd.s32 $0xFFFFE000  }
0x4d: {  	[tilespmem:s23], [sflag:$0x2] =	stream.indirect.gather [hbm4b:s5+s21], $0x40, s24, s21, $0xb8;
	[tilespmem:$0x14F00] =	vst v63  }
0x4e: {  	_ =	swait.ge [sflag:s29], $0x2000  }
0x4f: {  	[sflag:s29] =	ssyncset.done $0x0  }
0x50: {  	s30 =	simm.s32 $0x280;
	[sflag:s29] =	ssyncadd.s32 $0xFFFFE000  }
0x51: {  	[spmem:s2] =	stream.indirect.scatter.add.f32 [tilespmem:s25], [sflag:$0x4], $0x40, s30, s21, $0xb8;
	[tilespmem:$0x14F00] =	vst v63  }
0x52: {  	_ =	swait.ge [sflag:s20], $0x2000  }
0x53: {  	[sflag:s20] =	ssyncset.done $0x0  }
0x54: {  	s1 =	simm.s32 $0xC00;
	s22 =	simm.s32 $0x500;
	[sflag:s20] =	ssyncadd.s32 $0xFFFFE000  }
.LBB2_2:
0x55: {  	[tilespmem:s25], [sflag:$0x3] =	stream.indirect.gather [hbm4b:s5+s21], $0x40, s22, s21, $0xb8;
	[tilespmem:$0x14F00] =	vst v63  }
0x56: {  	s22 =	smov.u32 s1  }
0x57: {  	p1 =	sne.s32 s1, $0x12000;
	s1 =	sadd.s32 $0xC00, s1;
	_ =	swait.ge [sflag:s26], $0x2000  }
0x58: {  	s22 =	sshra.s32 s22, $0x2;
	[sflag:s26] =	ssyncset.done $0x0  }
0x59: {  	s24 =	sadd.s32 $0x80, s22;
	[sflag:s26] =	ssyncadd.s32 $0xFFFFE000  }
0x5a: {  	[spmem:s2] =	stream.indirect.scatter.add.f32 [tilespmem:s19], [sflag:$0x4], $0x40, s24, s21, $0xb8;
	[tilespmem:$0x14F00] =	vst v63  }
0x5b: {  	_ =	swait.ge [sflag:s20], $0x2000  }
0x5c: {  	[sflag:s20] =	ssyncset.done $0x0  }
0x5d: {  	s24 =	sadd.s32 $0x300, s22;
	[sflag:s20] =	ssyncadd.s32 $0xFFFFE000  }
0x5e: {  	[tilespmem:s19], [sflag:$0x1] =	stream.indirect.gather [hbm4b:s5+s21], $0x40, s24, s21, $0xb8;
	[tilespmem:$0x14F00] =	vst v63  }
0x5f: {  	_ =	swait.ge [sflag:s28], $0x2000  }
0x60: {  	[sflag:s28] =	ssyncset.done $0x0  }
0x61: {  	s24 =	sadd.s32 $0x180, s22;
	[sflag:s28] =	ssyncadd.s32 $0xFFFFE000  }
0x62: {  	[spmem:s2] =	stream.indirect.scatter.add.f32 [tilespmem:s23], [sflag:$0x4], $0x40, s24, s21, $0xb8;
	[tilespmem:$0x14F00] =	vst v63  }
0x63: {  	_ =	swait.ge [sflag:s20], $0x2000  }
0x64: {  	[sflag:s20] =	ssyncset.done $0x0  }
0x65: {  	s24 =	sadd.s32 $0x400, s22;
	[sflag:s20] =	ssyncadd.s32 $0xFFFFE000  }
0x66: {  	[tilespmem:s23], [sflag:$0x2] =	stream.indirect.gather [hbm4b:s5+s21], $0x40, s24, s21, $0xb8;
	[tilespmem:$0x14F00] =	vst v63  }
0x67: {  	_ =	swait.ge [sflag:s29], $0x2000  }
0x68: {  	[sflag:s29] =	ssyncset.done $0x0  }
.Ltmp0:
0x69: {  	s24 =	sadd.s32 $0x280, s22;
	[sflag:s29] =	ssyncadd.s32 $0xFFFFE000;
	(pc) =	sbr.rel @p1 .LBB2_2-.Ltmp0, $4  }
0x6a: {  	[spmem:s2] =	stream.indirect.scatter.add.f32 [tilespmem:s25], [sflag:$0x4], $0x40, s24, s21, $0xb8;
	[tilespmem:$0x14F00] =	vst v63  }
0x6b: {  	_ =	swait.ge [sflag:s20], $0x2000  }
0x6c: {  	[sflag:s20] =	ssyncset.done $0x0  }
0x6d: {  	s22 =	sadd.s32 $0x500, s22;
	[sflag:s20] =	ssyncadd.s32 $0xFFFFE000  }
0x6e: {  	[tilespmem:s25], [sflag:$0x3] =	stream.indirect.gather [hbm4b:s5+s21], $0x40, s22, s21, $0xb8;
	[tilespmem:$0x14F00] =	vst v63  }
0x6f: {  	_ =	swait.ge [sflag:s26], $0x2000  }
0x70: {  	[sflag:s26] =	ssyncset.done $0x0  }
0x71: {  	s1 =	simm.s32 $0x4B80;
	[sflag:s26] =	ssyncadd.s32 $0xFFFFE000  }
0x72: {  	[spmem:s2] =	stream.indirect.scatter.add.f32 [tilespmem:s19], [sflag:$0x4], $0x40, s1, s21, $0xb8;
	[tilespmem:$0x14F00] =	vst v63  }
0x73: {  	_ =	swait.ge [sflag:s20], $0x2000  }
0x74: {  	[sflag:s20] =	ssyncset.done $0x0  }
0x75: {  	[sflag:s20] =	ssyncadd.s32 $0xFFFFE000  }
0x76: {  	_ =	swait.ge [sflag:s28], $0x2000  }
0x77: {  	[sflag:s28] =	ssyncset.done $0x0  }
0x78: {  	[sflag:s28] =	ssyncadd.s32 $0xFFFFE000  }
0x79: {  	[spmem:s2] =	stream.indirect.scatter.add.f32 [tilespmem:s23], [sflag:$0x4], $0x40, s31, s21, $0xb8;
	[tilespmem:$0x14F00] =	vst v63  }
0x7a: {  	_ =	swait.ge [sflag:s20], $0x2000  }
0x7b: {  	[sflag:s20] =	ssyncset.done $0x0  }
0x7c: {  	[sflag:s20] =	ssyncadd.s32 $0xFFFFE000  }
0x7d: {  	_ =	swait.ge [sflag:s29], $0x2000  }
0x7e: {  	[sflag:s29] =	ssyncset.done $0x0  }
0x7f: {  	[sflag:s29] =	ssyncadd.s32 $0xFFFFE000  }
0x80: {  	[spmem:s2] =	stream.indirect.scatter.add.f32 [tilespmem:s25], [sflag:$0x4], $0x40, s0, s21, $0xb8;
	[tilespmem:$0x14F00] =	vst v63  }
0x81: {  	_ =	swait.ge [sflag:s20], $0x2000  }
0x82: {  	s22 =	simm.s32 @!p0 $0x4E00;
	[sflag:s20] =	ssyncset.done $0x0  }
0x83: {  	s24 =	simm.s32 @!p0 $0x4F00;
	s1 =	simm.s32 @!p0 $0x80;
	[sflag:s20] =	ssyncadd.s32 $0xFFFFE000  }
0x84: {  	[tilespmem:s24], [sflag:$0x4] =	stream.indirect.gather @!p0 [hbm4b:s5+s1], $0x40, s22, s1, $0xb8;
	[tilespmem:$0x14F00] =	vst v63  }
0x85: {  	s22 =	simm.s32 @!p0 $0x4  }
0x86: {  	_ =	swait.ge @!p0 [sflag:s22], $0x2000  }
0x87: {  	[sflag:s22] =	ssyncset.done @!p0 $0x0  }
0x88: {  	s30 =	simm.s32 @!p0 $0x4E80;
	[sflag:s22] =	ssyncadd.s32 @!p0 $0xFFFFE000  }
0x89: {  	[spmem:s2] =	stream.indirect.scatter.add.f32 @!p0 [tilespmem:s24], [sflag:$0x4], $0x40, s30, s1, $0xb8;
	[tilespmem:$0x14F00] =	vst v63  }
0x8a: {  	_ =	swait.ge @!p0 [sflag:s22], $0x2000  }
0x8b: {  	[sflag:s22] =	ssyncset.done @!p0 $0x0  }
0x8c: {  	[sflag:s22] =	ssyncadd.s32 @!p0 $0xFFFFE000  }
0x8d: {  	[bflag:$0x0] =	sbarrier.arrive $0xFFFF  }
0x8e: {  	[tilespmem:s19], [sflag:$0x4] =	stream.linear.gather [spmem:s6], $0x2000, $0x38;
	[tilespmem:$0x14F00] =	vst v63  }
0x8f: {  	_ =	swait.ge [sflag:s20], $0x2000  }
0x90: {  	[sflag:s20] =	ssyncset.done $0x0  }
0x91: {  	[sflag:s20] =	ssyncadd.s32 $0xFFFFE000  }
0x92: {  	[hbm4b:s14+s4] =	stream.linear.scatter [tilespmem:s19], [sflag:$0x4], $0x2000, $0x38;
	[tilespmem:$0x14F00] =	vst v63  }
0x93: {  	_ =	swait.ge [sflag:s20], $0x2000  }
0x94: {  	[sflag:s20] =	ssyncset.done $0x0  }
0x95: {  	[sflag:s20] =	ssyncadd.s32 $0xFFFFE000  }
0x96: {  	[tilespmem:s23], [sflag:$0x4] =	stream.linear.gather [spmem:s7], $0x2000, $0x38;
	[tilespmem:$0x14F00] =	vst v63  }
0x97: {  	_ =	swait.ge [sflag:s20], $0x2000  }
0x98: {  	[sflag:s20] =	ssyncset.done $0x0  }
0x99: {  	[sflag:s20] =	ssyncadd.s32 $0xFFFFE000  }
0x9a: {  	[hbm4b:s15+s4] =	stream.linear.scatter [tilespmem:s23], [sflag:$0x4], $0x2000, $0x38;
	[tilespmem:$0x14F00] =	vst v63  }
0x9b: {  	_ =	swait.ge [sflag:s20], $0x2000  }
0x9c: {  	[sflag:s20] =	ssyncset.done $0x0  }
0x9d: {  	[sflag:s20] =	ssyncadd.s32 $0xFFFFE000  }
0x9e: {  	[tilespmem:s25], [sflag:$0x4] =	stream.linear.gather [spmem:s8], $0x2000, $0x38;
	[tilespmem:$0x14F00] =	vst v63  }
0x9f: {  	_ =	swait.ge [sflag:s20], $0x2000  }
0xa0: {  	[sflag:s20] =	ssyncset.done $0x0  }
0xa1: {  	[sflag:s20] =	ssyncadd.s32 $0xFFFFE000  }
0xa2: {  	[hbm4b:s16+s4] =	stream.linear.scatter [tilespmem:s25], [sflag:$0x4], $0x2000, $0x38;
	[tilespmem:$0x14F00] =	vst v63  }
0xa3: {  	_ =	swait.ge [sflag:s20], $0x2000  }
0xa4: {  	[sflag:s20] =	ssyncset.done $0x0  }
0xa5: {  	[sflag:s20] =	ssyncadd.s32 $0xFFFFE000  }
0xa6: {  	[tilespmem:s19], [sflag:$0x4] =	stream.linear.gather [spmem:s9], $0x2000, $0x38;
	[tilespmem:$0x14F00] =	vst v63  }
0xa7: {  	_ =	swait.ge [sflag:s20], $0x2000  }
0xa8: {  	[sflag:s20] =	ssyncset.done $0x0  }
0xa9: {  	[sflag:s20] =	ssyncadd.s32 $0xFFFFE000  }
0xaa: {  	[hbm4b:s17+s4] =	stream.linear.scatter [tilespmem:s19], [sflag:$0x4], $0x2000, $0x38;
	[tilespmem:$0x14F00] =	vst v63  }
0xab: {  	_ =	swait.ge [sflag:s20], $0x2000  }
0xac: {  	[sflag:s20] =	ssyncset.done $0x0  }
0xad: {  	[sflag:s20] =	ssyncadd.s32 $0xFFFFE000  }
0xae: {  	[tilespmem:s23], [sflag:$0x4] =	stream.linear.gather [spmem:s10], $0x2000, $0x38;
	[tilespmem:$0x14F00] =	vst v63  }
0xaf: {  	s3 =	sadd.s32 $0x1, s3;
	_ =	swait.ge [sflag:s20], $0x2000  }
0xb0: {  	p1 =	sne.s32 s3, s13;
	[sflag:s20] =	ssyncset.done $0x0  }
.Ltmp1:
0xb1: {  	[sflag:s20] =	ssyncadd.s32 $0xFFFFE000;
	(pc) =	sbr.rel @p1 .LBB2_1-.Ltmp1, $4  }
0xb2: {  	[hbm4b:s18+s4] =	stream.linear.scatter [tilespmem:s23], [sflag:$0x4], $0x2000, $0x38;
	[tilespmem:$0x14F00] =	vst v63  }
0xb3: {  	_ =	swait.ge [sflag:s20], $0x2000  }
0xb4: {  	[sflag:s20] =	ssyncset.done $0x0  }
0xb5: {  	[sflag:s20] =	ssyncadd.s32 $0xFFFFE000  }
0xb6: {  	_ =	sfence.sel $0x180000  }
0xb7: {  	[bflag:$0x0] =	sbarrier.arrive $0xFFFF  }
0xb8: {  	_ =	strace $0x9000004A  }
0xb9: {  	s0 =	stileid.u32;
	[bflag:$0x2] =	sbarrier.arrive $0xFFFF  }
0xba: {  	p0 =	sne.s32 s0, $0x0;
	s0 =	rddreg [dreg:$0x4]  }
0xbb: {  	s0 =	sadd.s32 @!p0 $0x100000, s0  }
0xbc: {  	[sflag:s0] =	ssyncadd.tile.s32 @!p0 $0x1;
	_ =	shalt  }
.Lfunc_end2:
_tile_overlayer_lowered:
.L_overlay_start_2:
0xbd: {  	(tag) =	ssettag $0x2  }
0xbe: {  	s0 =	rddreg [dreg:$0x0];
	s2 =	stileid.u32  }
0xbf: {  	s1 =	rddreg [dreg:$0x1];
	p0 =	sne.s32 s2, $0x0  }
0xc0: {  	s3 =	rddreg [dreg:$0x2];
	[bflag:$0x3] =	sbarrier.arrive $0xFFFF;
	s2 =	simm.s32 @!p0 $0x1C04  }
0xc1: {  	[timem:s3], [sflag:s2] =	dma.local @!p0 [hbm:s0], s1  }
0xc2: {  	s0 =	simm.s32 @!p0 $0x4  }
0xc3: {  	_ =	swait.ge @!p0 [sflag:s0], s1  }
0xc4: {  	s1 =	ssub.s32 @!p0 $0x0, s1;
	[sflag:s0] =	ssyncset.done @!p0 $0x0  }
0xc5: {  	[sflag:s0] =	ssyncadd.s32 @!p0 s1  }
0xc6: {  	[bflag:$0x3] =	sbarrier.arrive $0xFFFF  }
0xc7: {  	_ =	shalt  }

// kernel: kernel.14.cloned.1.call-start
scs
__scs_entry_jumppad:
0x0: {  	(pc) =	sbr.rel $0x88, $3  }
0x1: {  	(tag) =	ssettag $0x0;
	lr =	simm.s32 $0x1  }
0x2: {  	[smem:$0x3F9B] =	sst lr;
	_ =	strace $0xD0000000  }
0x3: {  	_ = 	snop  }
0x4: {  	_ = 	snop  }
0x5: {  	_ = 	snop  }
0x6: {  	_ = 	snop  }
0x7: {  	_ = 	snop  }
__scs_overlays_trampoline_lowered:
0x8: {  	[smem:$0x3FAA] =	sst s0  }
0x9: {  	[smem:$0x3FAB] =	sst s1  }
0xa: {  	[smem:$0x3FAC] =	sst s2  }
0xb: {  	[smem:$0x3FAD] =	sst s3  }
0xc: {  	[smem:$0x3FAE] =	sst s4  }
0xd: {  	[smem:$0x3FAF] =	sst s5  }
0xe: {  	[smem:$0x3FB0] =	sst s6  }
0xf: {  	[smem:$0x3FB1] =	sst s7  }
0x10: {  	[smem:$0x3FB2] =	sst s8  }
0x11: {  	[smem:$0x3FB3] =	sst s9;
	s0 =	simm.s32 @!p0 $0x0  }
0x12: {  	s1 =	sld [smem:$0x3F99];
	s0 =	simm.s32 @p0 $0x1  }
0x13: {  	[smem:$0x3FB4] =	sst s0;
	s0 =	simm.s32 @!p1 $0x0  }
0x14: {  	s2 =	sld [smem:$0x3F98];
	s0 =	simm.s32 @p1 $0x1  }
0x15: {  	[smem:$0x3FB5] =	sst s0;
	s0 =	simm.s32 @!p2 $0x0  }
0x16: {  	s3 =	sld [smem:$0x3FDB];
	s0 =	simm.s32 @p2 $0x1  }
0x17: {  	s4 =	simm.s32 $0x1BF5;
	[smem:$0x3FB7] =	sst s0  }
0x18: {  	s0 =	sld [smem:$0x3F9A];
	_ =	swait.ge [sflag:s4], $0x0  }
0x19: {  	s7 =	sld [smem:$0x3F9B]  }
0x1a: {  	s8 =	sadd.s32 $0xFFFFE003, lr  }
0x1b: {  	s9 =	sadd.s32 $0xFFFFFEF7, lr;
	s5 =	simm.s32 $0xFFFFFFFF;
	p2 =	slt.u32 s8, $0xFFFFF086  }
0x1c: {  	p1 =	slt.u32 s9, $0xF7A;
	s5 =	simm.s32 @!p2 $0x0  }
0x1d: {  	s5 =	simm.s32 @p1 $0x1;
	p0 =	seq.s32 s7, s2  }
0x1e: {  	s7 =	smul.u32 @!p0 $0xF7A, s2;
	p2 =	seq.s32 @!p0 s5, $0x0  }
0x1f: {  	s9 =	smul.u32 $0xF7A, s1;
	s8 =	simm.s32 @!p0 $0x1BF5;
	p2 =	por !p2, p0  }
0x20: {  	[sflag:s8] =	ssyncset.s32 @!p0 $0xFFFFF086;
	s6 =	sadd.s32 @!p0 s3, s7;
	s7 =	simm.s32 @!p0 $0x108  }
0x21: {  	s3 =	sadd.s32 s3, s9;
	s6 =	sadd.s32 @!p0 $0x88, s6;
	s7 =	simm.s32 @p2 $0x1082  }
0x22: {  	[simem:s7], [sflag:s8] =	dma.local @!p0 [hbm:s6], $0xF7A  }
0x23: {  	s9 =	sor.u32 $0xD0000000, s2;
	s6 =	simm.s32 $0x108;
	_ =	swait.ge @!p0 [sflag:s8], $0x0  }
0x24: {  	s3 =	sadd.s32 $0x88, s3;
	s6 =	simm.s32 @!p1 $0x1082;
	[sflag:s4] =	ssyncset.s32 $0xFFFFF086  }
0x25: {  	[simem:s6], [sflag:s4] =	dma.local [hbm:s3], $0xF7A  }
0x26: {  	[smem:$0x3F9B] =	sst s1;
	(tag) =	ssettag s2;
	_ =	strace s9  }
0x27: {  	s1 =	sld [smem:$0x3FAB]  }
0x28: {  	s2 =	sld [smem:$0x3FAC]  }
0x29: {  	s4 =	sld [smem:$0x3FAE]  }
0x2a: {  	p0 =	seq.s32 s5, $0x0;
	s5 =	sld [smem:$0x3FAF]  }
0x2b: {  	s6 =	sld [smem:$0x3FB0]  }
0x2c: {  	s7 =	sld [smem:$0x3FB1]  }
0x2d: {  	s3 =	simm.s32 $0x108;
	s8 =	sld [smem:$0x3FB2]  }
0x2e: {  	s3 =	simm.s32 @!p0 $0x1082;
	s9 =	sld [smem:$0x3FB3]  }
0x2f: {  	lr =	sadd.s32 s0, s3;
	s0 =	sld [smem:$0x3FAA]  }
0x30: {  	s3 =	sld [smem:$0x3FAD]  }
0x31: {  	[smem:$0x3FB6] =	sst s10  }
0x32: {  	s10 =	sld [smem:$0x3FB4];
	_ =	sdelay $0x3  }
0x33: {  	p0 =	seq.s32 s10, $0x1;
	s10 =	sld [smem:$0x3FB6];
	_ =	sdelay $0x3  }
0x34: {  	[smem:$0x3FB6] =	sst s10  }
0x35: {  	s10 =	sld [smem:$0x3FB5];
	_ =	sdelay $0x3  }
0x36: {  	p1 =	seq.s32 s10, $0x1;
	s10 =	sld [smem:$0x3FB6];
	_ =	sdelay $0x3  }
0x37: {  	[smem:$0x3FB6] =	sst s10  }
0x38: {  	s10 =	sld [smem:$0x3FB7]  }
0x39: {  	_ = 	snop;
	(pc) =	sbr.ind lr, $3  }
0x3a: {  	_ = 	snop  }
0x3b: {  	_ = 	snop  }
0x3c: {  	p2 =	seq.s32 s10, $0x1;
	s10 =	sld [smem:$0x3FB6]  }
0x3d: {  	_ =	shalt  }
0x3e: {  	_ =	shalt  }
0x3f: {  	_ =	shalt  }
0x40: {  	_ =	shalt  }
0x41: {  	_ =	shalt  }
0x42: {  	_ =	shalt  }
0x43: {  	_ =	shalt  }
0x44: {  	_ =	shalt  }
0x45: {  	_ =	shalt  }
0x46: {  	_ =	shalt  }
0x47: {  	_ =	shalt  }
0x48: {  	_ =	shalt  }
0x49: {  	_ =	shalt  }
0x4a: {  	_ =	shalt  }
0x4b: {  	_ =	shalt  }
0x4c: {  	_ =	shalt  }
0x4d: {  	_ =	shalt  }
0x4e: {  	_ =	shalt  }
0x4f: {  	_ =	shalt  }
0x50: {  	_ =	shalt  }
0x51: {  	_ =	shalt  }
0x52: {  	_ =	shalt  }
0x53: {  	_ =	shalt  }
0x54: {  	_ =	shalt  }
0x55: {  	_ =	shalt  }
0x56: {  	_ =	shalt  }
0x57: {  	_ =	shalt  }
0x58: {  	_ =	shalt  }
0x59: {  	_ =	shalt  }
0x5a: {  	_ =	shalt  }
0x5b: {  	_ =	shalt  }
0x5c: {  	_ =	shalt  }
0x5d: {  	_ =	shalt  }
0x5e: {  	_ =	shalt  }
0x5f: {  	_ =	shalt  }
0x60: {  	_ =	shalt  }
0x61: {  	_ =	shalt  }
0x62: {  	_ =	shalt  }
0x63: {  	_ =	shalt  }
0x64: {  	_ =	shalt  }
0x65: {  	_ =	shalt  }
0x66: {  	_ =	shalt  }
0x67: {  	_ =	shalt  }
0x68: {  	_ =	shalt  }
0x69: {  	_ =	shalt  }
0x6a: {  	_ =	shalt  }
0x6b: {  	_ =	shalt  }
0x6c: {  	_ =	shalt  }
0x6d: {  	_ =	shalt  }
0x6e: {  	_ =	shalt  }
0x6f: {  	_ =	shalt  }
0x70: {  	_ =	shalt  }
0x71: {  	_ =	shalt  }
0x72: {  	_ =	shalt  }
0x73: {  	_ =	shalt  }
0x74: {  	_ =	shalt  }
0x75: {  	_ =	shalt  }
0x76: {  	_ =	shalt  }
0x77: {  	_ =	shalt  }
0x78: {  	_ =	shalt  }
0x79: {  	_ =	shalt  }
0x7a: {  	_ =	shalt  }
0x7b: {  	_ =	shalt  }
0x7c: {  	_ =	shalt  }
0x7d: {  	_ =	shalt  }
0x7e: {  	_ =	shalt  }
0x7f: {  	_ =	shalt  }
0x80: {  	_ =	shalt  }
0x81: {  	_ =	shalt  }
0x82: {  	_ =	shalt  }
0x83: {  	_ =	shalt  }
0x84: {  	_ =	shalt  }
0x85: {  	_ =	shalt  }
0x86: {  	_ =	shalt  }
0x87: {  	_ =	shalt  }
.Lfunc_end0:
.L_simem_size_0:
called_computation.2_lowered:
.L_overlay_start_0:
0x88: {  	s2 =	sld [smem:$0x3FD9]  }
0x89: {  	s3 =	sld [smem:$0x3FFE];
	_ =	sdelay $0x1  }
0x8a: {  	s1 =	srdreg.scid  }
0x8b: {  	s0 =	sand.u32 $0x1, s1  }
0x8c: {  	s17 =	sshll.u32 s0, $0xA;
	s2 =	sadd.s32 s3, s2  }
0x8d: {  	s2 =	sadd.s32 s2, s17  }
0x8e: {  	[smem:$0x3FC2] =	sst s2  }
0x8f: {  	_ = 	snop  }
0x90: {  	s2 =	sld [smem:$0x3FC8]  }
0x91: {  	s18 =	sld [smem:$0x3FD0];
	(tm) =	ssettm $0x1  }
0x92: {  	s4 =	sld [smem:$0x3FFB];
	_ =	sdelay $0x3  }
0x93: {  	_ =	strace s4  }
0x94: {  	s4 =	sld [smem:$0x3FFC];
	_ =	sdelay $0x3  }
0x95: {  	_ =	strace s4  }
0x96: {  	s4 =	sld [smem:$0x3FFD];
	_ =	sdelay $0x3  }
0x97: {  	_ =	strace s4  }
0x98: {  	_ =	strace $0x8FFFFFFF  }
0x99: {  	s19 =	sld [smem:$0x3FDB];
	_ =	sdelay $0x1  }
0x9a: {  	s5 =	simm.s32 $_scs_section_size  }
0x9b: {  	s6 =	simm.s32 $_size__tile_overlayer_lowered;
	s7 =	simm.s32 $_tile_overlayer_lowered  }
0x9c: {  	s22 =	simm.s32 $0x1BFF;
	s21 =	sshll.u32 s7, $0x1;
	s4 =	sadd.s32 s5, s19  }
0x9d: {  	s8 =	simm.s32 $0x0;
	s20 =	sshll.u32 s6, $0x1;
	s6 =	sadd.s32 s21, s4  }
0x9e: {  	[timem:s8], [sflag:s22] =	dma.local [hbm:s6], s20  }
0x9f: {  	_ =	swait.ge [sflag:s22], s20  }
0xa0: {  	s5 =	ssub.s32 $0x0, s20;
	[sflag:s22] =	ssyncset.done $0x0  }
0xa1: {  	[sflag:s22] =	ssyncadd.s32 s5;
	_ =	sdelay $0x1  }
0xa2: {  	s23 =	simm.s32 $0x1B8B  }
0xa3: {  	_ =	swait.ge [sflag:s23], $0x1  }
0xa4: {  	[sflag:s23] =	ssyncset.done $0x0  }
0xa5: {  	s25 =	simm.s32 $0x1B8E;
	s24 =	sld [smem:$0x3FFE];
	[sflag:s23] =	ssyncadd.s32 $0xFFFFFFFF  }
0xa6: {  	s26 =	simm.s32 $execute0_lowered;
	[smem:$0x3FD2] =	sst s25  }
0xa7: {  	s6 =	sshll.u32 s26, $0x1;
	_ =	strace $0x8000004C;
	[dreg:$0x1] =	wrdreg $0xFFFFFFFF  }
0xa8: {  	s28 =	simm.s32 $_size_execute0_lowered;
	s4 =	sadd.s32 s4, s6;
	[dreg:$0x0] =	wrdreg $0x0  }
0xa9: {  	s6 =	sshll.u32 s28, $0x1;
	[dreg:$0x2] =	wrdreg s4  }
0xaa: {  	[dreg:$0x3] =	wrdreg s6  }
0xab: {  	[dreg:$0x4] =	wrdreg $0xC0  }
0xac: {  	_ =	task [dreg:s8], $0x5FFFF  }
0xad: {  	[dreg:$0x1] =	wrdreg $0xFFFFFFFF  }
0xae: {  	[dreg:$0x0] =	wrdreg $0x60  }
0xaf: {  	[dreg:$0x2] =	wrdreg s24  }
0xb0: {  	[dreg:$0x3] =	wrdreg s2  }
0xb1: {  	[dreg:$0x4] =	wrdreg s18  }
0xb2: {  	[dreg:$0x5] =	wrdreg $0xAF000  }
0xb3: {  	[dreg:$0x6] =	wrdreg $0x9  }
0xb4: {  	_ =	task.clear_ibuf [dreg:s8], $0x7FFFF;
	_ =	strace $0x9000004C  }
0xb5: {  	s29 =	simm.s32 $0x9;
	_ =	strace $0x8000004E  }
0xb6: {  	_ =	swait.ge [sflag:s29], $0x1  }
0xb7: {  	[sflag:s29] =	ssyncadd.s32 $0xFFFFFFFF  }
0xb8: {  	_ =	strace $0x9000004E  }
0xb9: {  	_ =	sfence  }
0xba: {  	s30 =	sld [smem:$0x0];
	_ =	sdelay $0x2  }
0xbb: {  	s31 =	sshll.u32 s1, $0xD;
	s1 =	sshrl.u32 s1, $0x2  }
0xbc: {  	s3 =	sand.u32 $0x4000, s31;
	s1 =	sadd.s32 s1, s30  }
0xbd: {  	s0 =	sor.u32 s3, s0;
	s1 =	sshll.u32 s1, $0x11  }
0xbe: {  	s0 =	sor.u32 s1, s0  }
0xbf: {  	s0 =	sadd.s32 $0x8F2B, s0  }
0xc0: {  	[sflag:s0] =	ssyncadd.remote.s32 $0x1  }
0xc1: {  	_ =	sfence.sel $0xFFFF  }
0xc2: {  	[dreg:$0x0] =	wrdreg $0xFFFFFFFF;
	(pc) =	sbr.abs _section_cstart, $3  }
0xc3: {  	[dreg:$0x1] =	wrdreg $0xFFFFFFFF  }
0xc4: {  	_ =	task.clear_ibuf [dreg:s8], $0x2FFFF;
	_ =	strace $0x9FFFFFFF  }
0xc5: {  	(tm) =	ssettm $0x7FFFFFFF  }
tec
execute0_lowered:
.L_overlay_start_1:
0x0: {  	(tag) =	ssettag $0x1  }
0x1: {  	s0 =	rddreg [dreg:$0x0]  }
0x2: {  	s1 =	rddreg [dreg:$0x1]  }
0x3: {  	s2 =	rddreg [dreg:$0x3]  }
0x4: {  	s3 =	srdreg.scid;
	s4 =	simm.s32 $0x0;
	s9 =	stileid.u32  }
0x5: {  	s20 =	simm.s32 $0x4;
	s21 =	simm.s32 $0x80;
	s23 =	simm.s32 $0x6F00  }
0x6: {  	s25 =	simm.s32 $0x8F00;
	s28 =	simm.s32 $0x2;
	s29 =	simm.s32 $0x3  }
0x7: {  	s31 =	simm.s32 $0x4C80;
	s3 =	sand.u32 $0x1, s3;
	[smem:$0x7FF] =	sst s4  }
0x8: {  	s13 =	smul.u32 $0xA000, s9;
	s5 =	sadd.s32 $0x3000, s0;
	s10 =	sshll.u32 s9, $0x5  }
0x9: {  	s6 =	ssub.s32 $0x2, s3;
	_ =	strace $0x8000004D;
	s26 =	sshll.u32 s3, $0x4  }
0xa: {  	s12 =	sadd.s32 s10, s1;
	p0 =	seq.s32 s3, $0x0;
	s3 =	simm.s32 $0x17000  }
0xb: {  	s7 =	sshrl.u32 s6, $0x1;
	s19 =	sor.u32 s9, s26;
	s15 =	sadd.s32 $0x2000, s13  }
0xc: {  	s16 =	sadd.s32 $0x4000, s13;
	s17 =	sadd.s32 $0x6000, s13;
	s18 =	sadd.s32 $0x8000, s13  }
0xd: {  	s12 =	sadd.s32 $0x13800, s12;
	s30 =	sshrl.u32 s13, $0x3;
	s3 =	simm.s32 @!p0 $0x2B000  }
0xe: {  	s26 =	simm.s32 $0x1;
	s14 =	ssub.s32 s6, s7;
	s6 =	sadd.s32 s13, s2  }
0xf: {  	s7 =	sadd.s32 s15, s2;
	s8 =	sadd.s32 s16, s2;
	s11 =	smul.u32 $0x9C0, s19  }
0x10: {  	s9 =	sadd.s32 s17, s2;
	s10 =	sadd.s32 s18, s2;
	s15 =	sshrl.u32 s15, $0x3  }
0x11: {  	s16 =	sshrl.u32 s16, $0x3;
	s17 =	sshrl.u32 s17, $0x3;
	s18 =	sshrl.u32 s18, $0x3  }
0x12: {  	s0 =	sadd.s32 s3, s0;
	p0 =	sgt.u32 s19, $0x3;
	s19 =	simm.s32 $0x4F00  }
0x13: {  	s3 =	simm.s32 $0x0;
	s13 =	smax.u32 s14, $0x1;
	s14 =	sadd.s32 s0, s30  }
0x14: {  	s15 =	sadd.s32 s0, s15;
	s16 =	sadd.s32 s0, s16;
	s17 =	sadd.s32 s0, s17  }
0x15: {  	s18 =	sadd.s32 s0, s18;
	s0 =	simm.s32 $0x4D80;
	s11 =	sadd.s32 s1, s11  }
.LBB2_1:
0x16: {  	s1 =	rddreg [dreg:$0x2]  }
0x17: {  	[tilespmem:s19], [sflag:$0x4] =	stream.linear.gather [hbm4b:s1+s4], $0x2000, $0x38;
	[tilespmem:$0x14F00] =	vst v63  }
0x18: {  	_ =	swait.ge [sflag:s20], $0x2000  }
0x19: {  	[sflag:s20] =	ssyncset.done $0x0  }
0x1a: {  	[sflag:s20] =	ssyncadd.s32 $0xFFFFE000  }
0x1b: {  	[spmem:s6] =	stream.linear.scatter [tilespmem:s19], [sflag:$0x4], $0x2000, $0x38;
	[tilespmem:$0x14F00] =	vst v63  }
0x1c: {  	_ =	swait.ge [sflag:s20], $0x2000  }
0x1d: {  	[sflag:s20] =	ssyncset.done $0x0  }
0x1e: {  	[sflag:s20] =	ssyncadd.s32 $0xFFFFE000  }
0x1f: {  	[spmem:s7] =	stream.linear.scatter [tilespmem:s19], [sflag:$0x4], $0x2000, $0x38;
	[tilespmem:$0x14F00] =	vst v63  }
0x20: {  	_ =	swait.ge [sflag:s20], $0x2000  }
0x21: {  	[sflag:s20] =	ssyncset.done $0x0  }
0x22: {  	[sflag:s20] =	ssyncadd.s32 $0xFFFFE000  }
0x23: {  	[spmem:s8] =	stream.linear.scatter [tilespmem:s19], [sflag:$0x4], $0x2000, $0x38;
	[tilespmem:$0x14F00] =	vst v63  }
0x24: {  	_ =	swait.ge [sflag:s20], $0x2000  }
0x25: {  	[sflag:s20] =	ssyncset.done $0x0  }
0x26: {  	[sflag:s20] =	ssyncadd.s32 $0xFFFFE000  }
0x27: {  	[spmem:s9] =	stream.linear.scatter [tilespmem:s19], [sflag:$0x4], $0x2000, $0x38;
	[tilespmem:$0x14F00] =	vst v63  }
0x28: {  	_ =	swait.ge [sflag:s20], $0x2000  }
0x29: {  	[sflag:s20] =	ssyncset.done $0x0  }
0x2a: {  	[sflag:s20] =	ssyncadd.s32 $0xFFFFE000  }
0x2b: {  	[spmem:s10] =	stream.linear.scatter [tilespmem:s19], [sflag:$0x4], $0x2000, $0x38;
	[tilespmem:$0x14F00] =	vst v63  }
0x2c: {  	_ =	swait.ge [sflag:s20], $0x2000  }
0x2d: {  	[sflag:s20] =	ssyncset.done $0x0  }
0x2e: {  	[sflag:s20] =	ssyncadd.s32 $0xFFFFE000  }
0x2f: {  	[tilespmem:s4], [sflag:$0x4] =	stream.linear.gather [hbm4b:s11+s4], $0x4E00, $0x38;
	[tilespmem:$0x14F00] =	vst v63  }
0x30: {  	_ =	swait.ge [sflag:s20], $0x4E00  }
0x31: {  	[sflag:s20] =	ssyncset.done $0x0  }
0x32: {  	s22 =	simm.s32 @!p0 $0x4E00;
	s1 =	simm.s32 @!p0 $0x0;
	[sflag:s20] =	ssyncadd.s32 $0xFFFFB200  }
0x33: {  	[tilespmem:s22], [sflag:$0x4] =	stream.linear.gather @!p0 [hbm4b:s12+s1], $0x100, $0x38;
	[tilespmem:$0x14F00] =	vst v63  }
0x34: {  	s1 =	simm.s32 @!p0 $0x4  }
0x35: {  	_ =	swait.ge @!p0 [sflag:s1], $0x100  }
0x36: {  	[sflag:s1] =	ssyncset.done @!p0 $0x0  }
0x37: {  	[sflag:s1] =	ssyncadd.s32 @!p0 $0xFFFFFF00  }
0x38: {  	[bflag:$0x0] =	sbarrier.arrive $0xFFFF  }
0x39: {  	[tilespmem:s19], [sflag:$0x1] =	stream.indirect.gather [hbm4b:s5+s21], $0x40, s4, s21, $0xb8;
	[tilespmem:$0x14F00] =	vst v63  }
0x3a: {  	s30 =	simm.s32 $0x100  }
0x3b: {  	[tilespmem:s23], [sflag:$0x2] =	stream.indirect.gather [hbm4b:s5+s21], $0x40, s30, s21, $0xb8;
	[tilespmem:$0x14F00] =	vst v63  }
0x3c: {  	s22 =	simm.s32 $0x200  }
0x3d: {  	[tilespmem:s25], [sflag:$0x3] =	stream.indirect.gather [hbm4b:s5+s21], $0x40, s22, s21, $0xb8;
	[tilespmem:$0x14F00] =	vst v63  }
0x3e: {  	_ =	swait.ge [sflag:s26], $0x2000  }
0x3f: {  	[sflag:s26] =	ssyncset.done $0x0  }
0x40: {  	s24 =	simm.s32 $0x80;
	[sflag:s26] =	ssyncadd.s32 $0xFFFFE000  }
0x41: {  	[spmem:s2] =	stream.indirect.scatter.add.f32 [tilespmem:s19], [sflag:$0x4], $0x40, s24, s21, $0xb8;
	[tilespmem:$0x14F00] =	vst v63  }
0x42: {  	_ =	swait.ge [sflag:s20], $0x2000  }
0x43: {  	[sflag:s20] =	ssyncset.done $0x0  }
0x44: {  	s30 =	simm.s32 $0x300;
	[sflag:s20] =	ssyncadd.s32 $0xFFFFE000  }
0x45: {  	[tilespmem:s19], [sflag:$0x1] =	stream.indirect.gather [hbm4b:s5+s21], $0x40, s30, s21, $0xb8;
	[tilespmem:$0x14F00] =	vst v63  }
0x46: {  	_ =	swait.ge [sflag:s28], $0x2000  }
0x47: {  	[sflag:s28] =	ssyncset.done $0x0  }
0x48: {  	s22 =	simm.s32 $0x180;
	[sflag:s28] =	ssyncadd.s32 $0xFFFFE000  }
0x49: {  	[spmem:s2] =	stream.indirect.scatter.add.f32 [tilespmem:s23], [sflag:$0x4], $0x40, s22, s21, $0xb8;
	[tilespmem:$0x14F00] =	vst v63  }
0x4a: {  	_ =	swait.ge [sflag:s20], $0x2000  }
0x4b: {  	[sflag:s20] =	ssyncset.done $0x0  }
0x4c: {  	s24 =	simm.s32 $0x400;
	[sflag:s20] =	ssyncadd.s32 $0xFFFFE000  }
0x4d: {  	[tilespmem:s23], [sflag:$0x2] =	stream.indirect.gather [hbm4b:s5+s21], $0x40, s24, s21, $0xb8;
	[tilespmem:$0x14F00] =	vst v63  }
0x4e: {  	_ =	swait.ge [sflag:s29], $0x2000  }
0x4f: {  	[sflag:s29] =	ssyncset.done $0x0  }
0x50: {  	s30 =	simm.s32 $0x280;
	[sflag:s29] =	ssyncadd.s32 $0xFFFFE000  }
0x51: {  	[spmem:s2] =	stream.indirect.scatter.add.f32 [tilespmem:s25], [sflag:$0x4], $0x40, s30, s21, $0xb8;
	[tilespmem:$0x14F00] =	vst v63  }
0x52: {  	_ =	swait.ge [sflag:s20], $0x2000  }
0x53: {  	[sflag:s20] =	ssyncset.done $0x0  }
0x54: {  	s1 =	simm.s32 $0xC00;
	s22 =	simm.s32 $0x500;
	[sflag:s20] =	ssyncadd.s32 $0xFFFFE000  }
.LBB2_2:
0x55: {  	[tilespmem:s25], [sflag:$0x3] =	stream.indirect.gather [hbm4b:s5+s21], $0x40, s22, s21, $0xb8;
	[tilespmem:$0x14F00] =	vst v63  }
0x56: {  	s22 =	smov.u32 s1  }
0x57: {  	p1 =	sne.s32 s1, $0x12000;
	s1 =	sadd.s32 $0xC00, s1;
	_ =	swait.ge [sflag:s26], $0x2000  }
0x58: {  	s22 =	sshra.s32 s22, $0x2;
	[sflag:s26] =	ssyncset.done $0x0  }
0x59: {  	s24 =	sadd.s32 $0x80, s22;
	[sflag:s26] =	ssyncadd.s32 $0xFFFFE000  }
0x5a: {  	[spmem:s2] =	stream.indirect.scatter.add.f32 [tilespmem:s19], [sflag:$0x4], $0x40, s24, s21, $0xb8;
	[tilespmem:$0x14F00] =	vst v63  }
0x5b: {  	_ =	swait.ge [sflag:s20], $0x2000  }
0x5c: {  	[sflag:s20] =	ssyncset.done $0x0  }
0x5d: {  	s24 =	sadd.s32 $0x300, s22;
	[sflag:s20] =	ssyncadd.s32 $0xFFFFE000  }
0x5e: {  	[tilespmem:s19], [sflag:$0x1] =	stream.indirect.gather [hbm4b:s5+s21], $0x40, s24, s21, $0xb8;
	[tilespmem:$0x14F00] =	vst v63  }
0x5f: {  	_ =	swait.ge [sflag:s28], $0x2000  }
0x60: {  	[sflag:s28] =	ssyncset.done $0x0  }
0x61: {  	s24 =	sadd.s32 $0x180, s22;
	[sflag:s28] =	ssyncadd.s32 $0xFFFFE000  }
0x62: {  	[spmem:s2] =	stream.indirect.scatter.add.f32 [tilespmem:s23], [sflag:$0x4], $0x40, s24, s21, $0xb8;
	[tilespmem:$0x14F00] =	vst v63  }
0x63: {  	_ =	swait.ge [sflag:s20], $0x2000  }
0x64: {  	[sflag:s20] =	ssyncset.done $0x0  }
0x65: {  	s24 =	sadd.s32 $0x400, s22;
	[sflag:s20] =	ssyncadd.s32 $0xFFFFE000  }
0x66: {  	[tilespmem:s23], [sflag:$0x2] =	stream.indirect.gather [hbm4b:s5+s21], $0x40, s24, s21, $0xb8;
	[tilespmem:$0x14F00] =	vst v63  }
0x67: {  	_ =	swait.ge [sflag:s29], $0x2000  }
0x68: {  	[sflag:s29] =	ssyncset.done $0x0  }
.Ltmp0:
0x69: {  	s24 =	sadd.s32 $0x280, s22;
	[sflag:s29] =	ssyncadd.s32 $0xFFFFE000;
	(pc) =	sbr.rel @p1 .LBB2_2-.Ltmp0, $4  }
0x6a: {  	[spmem:s2] =	stream.indirect.scatter.add.f32 [tilespmem:s25], [sflag:$0x4], $0x40, s24, s21, $0xb8;
	[tilespmem:$0x14F00] =	vst v63  }
0x6b: {  	_ =	swait.ge [sflag:s20], $0x2000  }
0x6c: {  	[sflag:s20] =	ssyncset.done $0x0  }
0x6d: {  	s22 =	sadd.s32 $0x500, s22;
	[sflag:s20] =	ssyncadd.s32 $0xFFFFE000  }
0x6e: {  	[tilespmem:s25], [sflag:$0x3] =	stream.indirect.gather [hbm4b:s5+s21], $0x40, s22, s21, $0xb8;
	[tilespmem:$0x14F00] =	vst v63  }
0x6f: {  	_ =	swait.ge [sflag:s26], $0x2000  }
0x70: {  	[sflag:s26] =	ssyncset.done $0x0  }
0x71: {  	s1 =	simm.s32 $0x4B80;
	[sflag:s26] =	ssyncadd.s32 $0xFFFFE000  }
0x72: {  	[spmem:s2] =	stream.indirect.scatter.add.f32 [tilespmem:s19], [sflag:$0x4], $0x40, s1, s21, $0xb8;
	[tilespmem:$0x14F00] =	vst v63  }
0x73: {  	_ =	swait.ge [sflag:s20], $0x2000  }
0x74: {  	[sflag:s20] =	ssyncset.done $0x0  }
0x75: {  	[sflag:s20] =	ssyncadd.s32 $0xFFFFE000  }
0x76: {  	_ =	swait.ge [sflag:s28], $0x2000  }
0x77: {  	[sflag:s28] =	ssyncset.done $0x0  }
0x78: {  	[sflag:s28] =	ssyncadd.s32 $0xFFFFE000  }
0x79: {  	[spmem:s2] =	stream.indirect.scatter.add.f32 [tilespmem:s23], [sflag:$0x4], $0x40, s31, s21, $0xb8;
	[tilespmem:$0x14F00] =	vst v63  }
0x7a: {  	_ =	swait.ge [sflag:s20], $0x2000  }
0x7b: {  	[sflag:s20] =	ssyncset.done $0x0  }
0x7c: {  	[sflag:s20] =	ssyncadd.s32 $0xFFFFE000  }
0x7d: {  	_ =	swait.ge [sflag:s29], $0x2000  }
0x7e: {  	[sflag:s29] =	ssyncset.done $0x0  }
0x7f: {  	[sflag:s29] =	ssyncadd.s32 $0xFFFFE000  }
0x80: {  	[spmem:s2] =	stream.indirect.scatter.add.f32 [tilespmem:s25], [sflag:$0x4], $0x40, s0, s21, $0xb8;
	[tilespmem:$0x14F00] =	vst v63  }
0x81: {  	_ =	swait.ge [sflag:s20], $0x2000  }
0x82: {  	s22 =	simm.s32 @!p0 $0x4E00;
	[sflag:s20] =	ssyncset.done $0x0  }
0x83: {  	s24 =	simm.s32 @!p0 $0x4F00;
	s1 =	simm.s32 @!p0 $0x80;
	[sflag:s20] =	ssyncadd.s32 $0xFFFFE000  }
0x84: {  	[tilespmem:s24], [sflag:$0x4] =	stream.indirect.gather @!p0 [hbm4b:s5+s1], $0x40, s22, s1, $0xb8;
	[tilespmem:$0x14F00] =	vst v63  }
0x85: {  	s22 =	simm.s32 @!p0 $0x4  }
0x86: {  	_ =	swait.ge @!p0 [sflag:s22], $0x2000  }
0x87: {  	[sflag:s22] =	ssyncset.done @!p0 $0x0  }
0x88: {  	s30 =	simm.s32 @!p0 $0x4E80;
	[sflag:s22] =	ssyncadd.s32 @!p0 $0xFFFFE000  }
0x89: {  	[spmem:s2] =	stream.indirect.scatter.add.f32 @!p0 [tilespmem:s24], [sflag:$0x4], $0x40, s30, s1, $0xb8;
	[tilespmem:$0x14F00] =	vst v63  }
0x8a: {  	_ =	swait.ge @!p0 [sflag:s22], $0x2000  }
0x8b: {  	[sflag:s22] =	ssyncset.done @!p0 $0x0  }
0x8c: {  	[sflag:s22] =	ssyncadd.s32 @!p0 $0xFFFFE000  }
0x8d: {  	[bflag:$0x0] =	sbarrier.arrive $0xFFFF  }
0x8e: {  	[tilespmem:s19], [sflag:$0x4] =	stream.linear.gather [spmem:s6], $0x2000, $0x38;
	[tilespmem:$0x14F00] =	vst v63  }
0x8f: {  	_ =	swait.ge [sflag:s20], $0x2000  }
0x90: {  	[sflag:s20] =	ssyncset.done $0x0  }
0x91: {  	[sflag:s20] =	ssyncadd.s32 $0xFFFFE000  }
0x92: {  	[hbm4b:s14+s4] =	stream.linear.scatter [tilespmem:s19], [sflag:$0x4], $0x2000, $0x38;
	[tilespmem:$0x14F00] =	vst v63  }
0x93: {  	_ =	swait.ge [sflag:s20], $0x2000  }
0x94: {  	[sflag:s20] =	ssyncset.done $0x0  }
0x95: {  	[sflag:s20] =	ssyncadd.s32 $0xFFFFE000  }
0x96: {  	[tilespmem:s23], [sflag:$0x4] =	stream.linear.gather [spmem:s7], $0x2000, $0x38;
	[tilespmem:$0x14F00] =	vst v63  }
0x97: {  	_ =	swait.ge [sflag:s20], $0x2000  }
0x98: {  	[sflag:s20] =	ssyncset.done $0x0  }
0x99: {  	[sflag:s20] =	ssyncadd.s32 $0xFFFFE000  }
0x9a: {  	[hbm4b:s15+s4] =	stream.linear.scatter [tilespmem:s23], [sflag:$0x4], $0x2000, $0x38;
	[tilespmem:$0x14F00] =	vst v63  }
0x9b: {  	_ =	swait.ge [sflag:s20], $0x2000  }
0x9c: {  	[sflag:s20] =	ssyncset.done $0x0  }
0x9d: {  	[sflag:s20] =	ssyncadd.s32 $0xFFFFE000  }
0x9e: {  	[tilespmem:s25], [sflag:$0x4] =	stream.linear.gather [spmem:s8], $0x2000, $0x38;
	[tilespmem:$0x14F00] =	vst v63  }
0x9f: {  	_ =	swait.ge [sflag:s20], $0x2000  }
0xa0: {  	[sflag:s20] =	ssyncset.done $0x0  }
0xa1: {  	[sflag:s20] =	ssyncadd.s32 $0xFFFFE000  }
0xa2: {  	[hbm4b:s16+s4] =	stream.linear.scatter [tilespmem:s25], [sflag:$0x4], $0x2000, $0x38;
	[tilespmem:$0x14F00] =	vst v63  }
0xa3: {  	_ =	swait.ge [sflag:s20], $0x2000  }
0xa4: {  	[sflag:s20] =	ssyncset.done $0x0  }
0xa5: {  	[sflag:s20] =	ssyncadd.s32 $0xFFFFE000  }
0xa6: {  	[tilespmem:s19], [sflag:$0x4] =	stream.linear.gather [spmem:s9], $0x2000, $0x38;
	[tilespmem:$0x14F00] =	vst v63  }
0xa7: {  	_ =	swait.ge [sflag:s20], $0x2000  }
0xa8: {  	[sflag:s20] =	ssyncset.done $0x0  }
0xa9: {  	[sflag:s20] =	ssyncadd.s32 $0xFFFFE000  }
0xaa: {  	[hbm4b:s17+s4] =	stream.linear.scatter [tilespmem:s19], [sflag:$0x4], $0x2000, $0x38;
	[tilespmem:$0x14F00] =	vst v63  }
0xab: {  	_ =	swait.ge [sflag:s20], $0x2000  }
0xac: {  	[sflag:s20] =	ssyncset.done $0x0  }
0xad: {  	[sflag:s20] =	ssyncadd.s32 $0xFFFFE000  }
0xae: {  	[tilespmem:s23], [sflag:$0x4] =	stream.linear.gather [spmem:s10], $0x2000, $0x38;
	[tilespmem:$0x14F00] =	vst v63  }
0xaf: {  	s3 =	sadd.s32 $0x1, s3;
	_ =	swait.ge [sflag:s20], $0x2000  }
0xb0: {  	p1 =	sne.s32 s3, s13;
	[sflag:s20] =	ssyncset.done $0x0  }
.Ltmp1:
0xb1: {  	[sflag:s20] =	ssyncadd.s32 $0xFFFFE000;
	(pc) =	sbr.rel @p1 .LBB2_1-.Ltmp1, $4  }
0xb2: {  	[hbm4b:s18+s4] =	stream.linear.scatter [tilespmem:s23], [sflag:$0x4], $0x2000, $0x38;
	[tilespmem:$0x14F00] =	vst v63  }
0xb3: {  	_ =	swait.ge [sflag:s20], $0x2000  }
0xb4: {  	[sflag:s20] =	ssyncset.done $0x0  }
0xb5: {  	[sflag:s20] =	ssyncadd.s32 $0xFFFFE000  }
0xb6: {  	_ =	sfence.sel $0x180000  }
0xb7: {  	[bflag:$0x0] =	sbarrier.arrive $0xFFFF  }
0xb8: {  	_ =	strace $0x9000004D  }
0xb9: {  	s0 =	stileid.u32;
	[bflag:$0x2] =	sbarrier.arrive $0xFFFF  }
0xba: {  	p0 =	sne.s32 s0, $0x0;
	s0 =	rddreg [dreg:$0x4]  }
0xbb: {  	s0 =	sadd.s32 @!p0 $0x100000, s0  }
0xbc: {  	[sflag:s0] =	ssyncadd.tile.s32 @!p0 $0x1;
	_ =	shalt  }
.Lfunc_end2:
_tile_overlayer_lowered:
.L_overlay_start_2:
0xbd: {  	(tag) =	ssettag $0x2  }
0xbe: {  	s0 =	rddreg [dreg:$0x0];
	s2 =	stileid.u32  }
0xbf: {  	s1 =	rddreg [dreg:$0x1];
	p0 =	sne.s32 s2, $0x0  }
0xc0: {  	s3 =	rddreg [dreg:$0x2];
	[bflag:$0x3] =	sbarrier.arrive $0xFFFF;
	s2 =	simm.s32 @!p0 $0x1C04  }
0xc1: {  	[timem:s3], [sflag:s2] =	dma.local @!p0 [hbm:s0], s1  }
0xc2: {  	s0 =	simm.s32 @!p0 $0x4  }
0xc3: {  	_ =	swait.ge @!p0 [sflag:s0], s1  }
0xc4: {  	s1 =	ssub.s32 @!p0 $0x0, s1;
	[sflag:s0] =	ssyncset.done @!p0 $0x0  }
0xc5: {  	[sflag:s0] =	ssyncadd.s32 @!p0 s1  }
0xc6: {  	[bflag:$0x3] =	sbarrier.arrive $0xFFFF  }
0xc7: {  	_ =	shalt  }

// kernel: kernel.8.cloned.1.call-start
scs
__scs_entry_jumppad:
0x0: {  	(pc) =	sbr.rel $0x88, $3  }
0x1: {  	(tag) =	ssettag $0x0;
	lr =	simm.s32 $0x1  }
0x2: {  	[smem:$0x3F9B] =	sst lr;
	_ =	strace $0xD0000000  }
0x3: {  	_ = 	snop  }
0x4: {  	_ = 	snop  }
0x5: {  	_ = 	snop  }
0x6: {  	_ = 	snop  }
0x7: {  	_ = 	snop  }
__scs_overlays_trampoline_lowered:
0x8: {  	[smem:$0x3FAA] =	sst s0  }
0x9: {  	[smem:$0x3FAB] =	sst s1  }
0xa: {  	[smem:$0x3FAC] =	sst s2  }
0xb: {  	[smem:$0x3FAD] =	sst s3  }
0xc: {  	[smem:$0x3FAE] =	sst s4  }
0xd: {  	[smem:$0x3FAF] =	sst s5  }
0xe: {  	[smem:$0x3FB0] =	sst s6  }
0xf: {  	[smem:$0x3FB1] =	sst s7  }
0x10: {  	[smem:$0x3FB2] =	sst s8  }
0x11: {  	[smem:$0x3FB3] =	sst s9;
	s0 =	simm.s32 @!p0 $0x0  }
0x12: {  	s1 =	sld [smem:$0x3F99];
	s0 =	simm.s32 @p0 $0x1  }
0x13: {  	[smem:$0x3FB4] =	sst s0;
	s0 =	simm.s32 @!p1 $0x0  }
0x14: {  	s2 =	sld [smem:$0x3F98];
	s0 =	simm.s32 @p1 $0x1  }
0x15: {  	[smem:$0x3FB5] =	sst s0;
	s0 =	simm.s32 @!p2 $0x0  }
0x16: {  	s3 =	sld [smem:$0x3FDB];
	s0 =	simm.s32 @p2 $0x1  }
0x17: {  	s4 =	simm.s32 $0x1BF5;
	[smem:$0x3FB7] =	sst s0  }
0x18: {  	s0 =	sld [smem:$0x3F9A];
	_ =	swait.ge [sflag:s4], $0x0  }
0x19: {  	s7 =	sld [smem:$0x3F9B]  }
0x1a: {  	s8 =	sadd.s32 $0xFFFFE003, lr  }
0x1b: {  	s9 =	sadd.s32 $0xFFFFFEF7, lr;
	s5 =	simm.s32 $0xFFFFFFFF;
	p2 =	slt.u32 s8, $0xFFFFF086  }
0x1c: {  	p1 =	slt.u32 s9, $0xF7A;
	s5 =	simm.s32 @!p2 $0x0  }
0x1d: {  	s5 =	simm.s32 @p1 $0x1;
	p0 =	seq.s32 s7, s2  }
0x1e: {  	s7 =	smul.u32 @!p0 $0xF7A, s2;
	p2 =	seq.s32 @!p0 s5, $0x0  }
0x1f: {  	s9 =	smul.u32 $0xF7A, s1;
	s8 =	simm.s32 @!p0 $0x1BF5;
	p2 =	por !p2, p0  }
0x20: {  	[sflag:s8] =	ssyncset.s32 @!p0 $0xFFFFF086;
	s6 =	sadd.s32 @!p0 s3, s7;
	s7 =	simm.s32 @!p0 $0x108  }
0x21: {  	s3 =	sadd.s32 s3, s9;
	s6 =	sadd.s32 @!p0 $0x88, s6;
	s7 =	simm.s32 @p2 $0x1082  }
0x22: {  	[simem:s7], [sflag:s8] =	dma.local @!p0 [hbm:s6], $0xF7A  }
0x23: {  	s9 =	sor.u32 $0xD0000000, s2;
	s6 =	simm.s32 $0x108;
	_ =	swait.ge @!p0 [sflag:s8], $0x0  }
0x24: {  	s3 =	sadd.s32 $0x88, s3;
	s6 =	simm.s32 @!p1 $0x1082;
	[sflag:s4] =	ssyncset.s32 $0xFFFFF086  }
0x25: {  	[simem:s6], [sflag:s4] =	dma.local [hbm:s3], $0xF7A  }
0x26: {  	[smem:$0x3F9B] =	sst s1;
	(tag) =	ssettag s2;
	_ =	strace s9  }
0x27: {  	s1 =	sld [smem:$0x3FAB]  }
0x28: {  	s2 =	sld [smem:$0x3FAC]  }
0x29: {  	s4 =	sld [smem:$0x3FAE]  }
0x2a: {  	p0 =	seq.s32 s5, $0x0;
	s5 =	sld [smem:$0x3FAF]  }
0x2b: {  	s6 =	sld [smem:$0x3FB0]  }
0x2c: {  	s7 =	sld [smem:$0x3FB1]  }
0x2d: {  	s3 =	simm.s32 $0x108;
	s8 =	sld [smem:$0x3FB2]  }
0x2e: {  	s3 =	simm.s32 @!p0 $0x1082;
	s9 =	sld [smem:$0x3FB3]  }
0x2f: {  	lr =	sadd.s32 s0, s3;
	s0 =	sld [smem:$0x3FAA]  }
0x30: {  	s3 =	sld [smem:$0x3FAD]  }
0x31: {  	[smem:$0x3FB6] =	sst s10  }
0x32: {  	s10 =	sld [smem:$0x3FB4];
	_ =	sdelay $0x3  }
0x33: {  	p0 =	seq.s32 s10, $0x1;
	s10 =	sld [smem:$0x3FB6];
	_ =	sdelay $0x3  }
0x34: {  	[smem:$0x3FB6] =	sst s10  }
0x35: {  	s10 =	sld [smem:$0x3FB5];
	_ =	sdelay $0x3  }
0x36: {  	p1 =	seq.s32 s10, $0x1;
	s10 =	sld [smem:$0x3FB6];
	_ =	sdelay $0x3  }
0x37: {  	[smem:$0x3FB6] =	sst s10  }
0x38: {  	s10 =	sld [smem:$0x3FB7]  }
0x39: {  	_ = 	snop;
	(pc) =	sbr.ind lr, $3  }
0x3a: {  	_ = 	snop  }
0x3b: {  	_ = 	snop  }
0x3c: {  	p2 =	seq.s32 s10, $0x1;
	s10 =	sld [smem:$0x3FB6]  }
0x3d: {  	_ =	shalt  }
0x3e: {  	_ =	shalt  }
0x3f: {  	_ =	shalt  }
0x40: {  	_ =	shalt  }
0x41: {  	_ =	shalt  }
0x42: {  	_ =	shalt  }
0x43: {  	_ =	shalt  }
0x44: {  	_ =	shalt  }
0x45: {  	_ =	shalt  }
0x46: {  	_ =	shalt  }
0x47: {  	_ =	shalt  }
0x48: {  	_ =	shalt  }
0x49: {  	_ =	shalt  }
0x4a: {  	_ =	shalt  }
0x4b: {  	_ =	shalt  }
0x4c: {  	_ =	shalt  }
0x4d: {  	_ =	shalt  }
0x4e: {  	_ =	shalt  }
0x4f: {  	_ =	shalt  }
0x50: {  	_ =	shalt  }
0x51: {  	_ =	shalt  }
0x52: {  	_ =	shalt  }
0x53: {  	_ =	shalt  }
0x54: {  	_ =	shalt  }
0x55: {  	_ =	shalt  }
0x56: {  	_ =	shalt  }
0x57: {  	_ =	shalt  }
0x58: {  	_ =	shalt  }
0x59: {  	_ =	shalt  }
0x5a: {  	_ =	shalt  }
0x5b: {  	_ =	shalt  }
0x5c: {  	_ =	shalt  }
0x5d: {  	_ =	shalt  }
0x5e: {  	_ =	shalt  }
0x5f: {  	_ =	shalt  }
0x60: {  	_ =	shalt  }
0x61: {  	_ =	shalt  }
0x62: {  	_ =	shalt  }
0x63: {  	_ =	shalt  }
0x64: {  	_ =	shalt  }
0x65: {  	_ =	shalt  }
0x66: {  	_ =	shalt  }
0x67: {  	_ =	shalt  }
0x68: {  	_ =	shalt  }
0x69: {  	_ =	shalt  }
0x6a: {  	_ =	shalt  }
0x6b: {  	_ =	shalt  }
0x6c: {  	_ =	shalt  }
0x6d: {  	_ =	shalt  }
0x6e: {  	_ =	shalt  }
0x6f: {  	_ =	shalt  }
0x70: {  	_ =	shalt  }
0x71: {  	_ =	shalt  }
0x72: {  	_ =	shalt  }
0x73: {  	_ =	shalt  }
0x74: {  	_ =	shalt  }
0x75: {  	_ =	shalt  }
0x76: {  	_ =	shalt  }
0x77: {  	_ =	shalt  }
0x78: {  	_ =	shalt  }
0x79: {  	_ =	shalt  }
0x7a: {  	_ =	shalt  }
0x7b: {  	_ =	shalt  }
0x7c: {  	_ =	shalt  }
0x7d: {  	_ =	shalt  }
0x7e: {  	_ =	shalt  }
0x7f: {  	_ =	shalt  }
0x80: {  	_ =	shalt  }
0x81: {  	_ =	shalt  }
0x82: {  	_ =	shalt  }
0x83: {  	_ =	shalt  }
0x84: {  	_ =	shalt  }
0x85: {  	_ =	shalt  }
0x86: {  	_ =	shalt  }
0x87: {  	_ =	shalt  }
.Lfunc_end0:
.L_simem_size_0:
called_computation_lowered:
.L_overlay_start_0:
0x88: {  	s2 =	sld [smem:$0x3FD9]  }
0x89: {  	s3 =	sld [smem:$0x3FFE];
	_ =	sdelay $0x1  }
0x8a: {  	s1 =	srdreg.scid  }
0x8b: {  	s0 =	sand.u32 $0x1, s1  }
0x8c: {  	s17 =	sshll.u32 s0, $0xA;
	s2 =	sadd.s32 s3, s2  }
0x8d: {  	s2 =	sadd.s32 s2, s17  }
0x8e: {  	[smem:$0x3FC2] =	sst s2  }
0x8f: {  	_ = 	snop  }
0x90: {  	s2 =	sld [smem:$0x3FC8]  }
0x91: {  	s18 =	sld [smem:$0x3FD0];
	(tm) =	ssettm $0x1  }
0x92: {  	s4 =	sld [smem:$0x3FFB];
	_ =	sdelay $0x3  }
0x93: {  	_ =	strace s4  }
0x94: {  	s4 =	sld [smem:$0x3FFC];
	_ =	sdelay $0x3  }
0x95: {  	_ =	strace s4  }
0x96: {  	s4 =	sld [smem:$0x3FFD];
	_ =	sdelay $0x3  }
0x97: {  	_ =	strace s4  }
0x98: {  	_ =	strace $0x8FFFFFFF  }
0x99: {  	s19 =	sld [smem:$0x3FDB];
	_ =	sdelay $0x1  }
0x9a: {  	s5 =	simm.s32 $_scs_section_size  }
0x9b: {  	s6 =	simm.s32 $_size__tile_overlayer_lowered;
	s7 =	simm.s32 $_tile_overlayer_lowered  }
0x9c: {  	s22 =	simm.s32 $0x1BFF;
	s21 =	sshll.u32 s7, $0x1;
	s4 =	sadd.s32 s5, s19  }
0x9d: {  	s8 =	simm.s32 $0x0;
	s20 =	sshll.u32 s6, $0x1;
	s6 =	sadd.s32 s21, s4  }
0x9e: {  	[timem:s8], [sflag:s22] =	dma.local [hbm:s6], s20  }
0x9f: {  	_ =	swait.ge [sflag:s22], s20  }
0xa0: {  	s5 =	ssub.s32 $0x0, s20;
	[sflag:s22] =	ssyncset.done $0x0  }
0xa1: {  	[sflag:s22] =	ssyncadd.s32 s5;
	_ =	sdelay $0x1  }
0xa2: {  	s23 =	simm.s32 $0x1B8B  }
0xa3: {  	_ =	swait.ge [sflag:s23], $0x1  }
0xa4: {  	[sflag:s23] =	ssyncset.done $0x0  }
0xa5: {  	s25 =	simm.s32 $0x1B8E;
	s24 =	sld [smem:$0x3FFE];
	[sflag:s23] =	ssyncadd.s32 $0xFFFFFFFF  }
0xa6: {  	s26 =	simm.s32 $execute0_lowered;
	[smem:$0x3FD2] =	sst s25  }
0xa7: {  	s6 =	sshll.u32 s26, $0x1;
	_ =	strace $0x80000046;
	[dreg:$0x1] =	wrdreg $0xFFFFFFFF  }
0xa8: {  	s28 =	simm.s32 $_size_execute0_lowered;
	s4 =	sadd.s32 s4, s6;
	[dreg:$0x0] =	wrdreg $0x0  }
0xa9: {  	s6 =	sshll.u32 s28, $0x1;
	[dreg:$0x2] =	wrdreg s4  }
0xaa: {  	[dreg:$0x3] =	wrdreg s6  }
0xab: {  	[dreg:$0x4] =	wrdreg $0xC0  }
0xac: {  	_ =	task [dreg:s8], $0x5FFFF  }
0xad: {  	[dreg:$0x1] =	wrdreg $0xFFFFFFFF  }
0xae: {  	[dreg:$0x0] =	wrdreg $0x60  }
0xaf: {  	[dreg:$0x2] =	wrdreg s2  }
0xb0: {  	[dreg:$0x3] =	wrdreg s24  }
0xb1: {  	[dreg:$0x4] =	wrdreg s18  }
0xb2: {  	[dreg:$0x5] =	wrdreg $0x52000  }
0xb3: {  	[dreg:$0x6] =	wrdreg $0x9  }
0xb4: {  	_ =	task.clear_ibuf [dreg:s8], $0x7FFFF;
	_ =	strace $0x90000046  }
0xb5: {  	s29 =	simm.s32 $0x9;
	_ =	strace $0x80000048  }
0xb6: {  	_ =	swait.ge [sflag:s29], $0x1  }
0xb7: {  	[sflag:s29] =	ssyncadd.s32 $0xFFFFFFFF  }
0xb8: {  	_ =	strace $0x90000048  }
0xb9: {  	_ =	sfence  }
0xba: {  	s30 =	sld [smem:$0x0];
	_ =	sdelay $0x2  }
0xbb: {  	s31 =	sshll.u32 s1, $0xD;
	s1 =	sshrl.u32 s1, $0x2  }
0xbc: {  	s3 =	sand.u32 $0x4000, s31;
	s1 =	sadd.s32 s1, s30  }
0xbd: {  	s0 =	sor.u32 s3, s0;
	s1 =	sshll.u32 s1, $0x11  }
0xbe: {  	s0 =	sor.u32 s1, s0  }
0xbf: {  	s0 =	sadd.s32 $0x8F2B, s0  }
0xc0: {  	[sflag:s0] =	ssyncadd.remote.s32 $0x1  }
0xc1: {  	_ =	sfence.sel $0xFFFF  }
0xc2: {  	[dreg:$0x0] =	wrdreg $0xFFFFFFFF;
	(pc) =	sbr.abs _section_cstart, $3  }
0xc3: {  	[dreg:$0x1] =	wrdreg $0xFFFFFFFF  }
0xc4: {  	_ =	task.clear_ibuf [dreg:s8], $0x2FFFF;
	_ =	strace $0x9FFFFFFF  }
0xc5: {  	(tm) =	ssettm $0x7FFFFFFF  }
tec
execute0_lowered:
.L_overlay_start_1:
0x0: {  	(tag) =	ssettag $0x1  }
0x1: {  	s7 =	rddreg [dreg:$0x0]  }
0x2: {  	s5 =	rddreg [dreg:$0x1]  }
0x3: {  	s9 =	rddreg [dreg:$0x2]  }
0x4: {  	s1 =	rddreg [dreg:$0x3]  }
0x5: {  	s0 =	rddreg [dreg:$0x4]  }
0x6: {  	s3 =	simm.s32 $0x0;
	s4 =	srdreg.scid;
	s2 =	stileid.u32  }
0x7: {  	s15 =	simm.s32 $0x1;
	s16 =	simm.s32 $0x4E80;
	s17 =	simm.s32 $0x0  }
0x8: {  	[smem:$0x7FF] =	sst s3;
	s6 =	sand.u32 $0x1, s4;
	s4 =	sadd.s32 $0x3000, s5  }
0x9: {  	s10 =	smul.u32 $0x280, s2;
	s5 =	sadd.s32 $0x3200, s5;
	s13 =	sshll.u32 s2, $0x5  }
0xa: {  	_ =	strace $0x80000047;
	s8 =	ssub.s32 $0x2, s6;
	s12 =	sshll.u32 s6, $0x4  }
0xb: {  	s6 =	smul.u32 $0x2800, s6;
	s30 =	sadd.s32 s13, s7;
	s11 =	sshrl.u32 s8, $0x1  }
0xc: {  	s13 =	simm.s32 $0x4F80;
	s12 =	sor.u32 s2, s12;
	s11 =	ssub.s32 s8, s11  }
0xd: {  	s29 =	smul.u32 $0x9C0, s12;
	s14 =	sadd.s32 s10, s6;
	s6 =	sadd.s32 s10, s1  }
0xe: {  	s8 =	sadd.s32 $0x13800, s30;
	p0 =	sgt.u32 s12, $0x3;
	s12 =	simm.s32 $0x2  }
0xf: {  	s31 =	sshrl.u32 s14, $0x3;
	s10 =	smax.u32 s11, $0x1;
	s11 =	simm.s32 $0x4F00  }
0x10: {  	v0 =	vimm.s32 $0x0;
	s14 =	simm.s32 $0x80;
	s7 =	sadd.s32 s7, s29;
	s9 =	sadd.s32 s9, s31  }
.LBB2_1:
0x11: {  	[tilespmem:s11], [sflag:$0x2] =	stream.linear.gather [hbm4b:s5+s3], $0x80, $0x38;
	[tilespmem:$0x5480] =	vst v63  }
0x12: {  	_ =	swait.ge [sflag:s12], $0x80  }
0x13: {  	[sflag:s12] =	ssyncset.done $0x0  }
0x14: {  	[sflag:s12] =	ssyncadd.s32 $0xFFFFFF80  }
0x15: {  	[tilespmem:s13], [sflag:$0x2] =	stream.linear.gather [hbm4b:s4+s3], $0x280, $0x38;
	[tilespmem:$0x5480] =	vst v63  }
0x16: {  	_ =	swait.ge [sflag:s12], $0x280  }
0x17: {  	[sflag:s12] =	ssyncset.done $0x0  }
0x18: {  	[sflag:s12] =	ssyncadd.s32 $0xFFFFFD80  }
0x19: {  	[spmem:s6] =	stream.linear.scatter [tilespmem:s13], [sflag:$0x2], $0x280, $0x38;
	[tilespmem:$0x5480] =	vst v63  }
0x1a: {  	_ =	swait.ge [sflag:s12], $0x280  }
0x1b: {  	[sflag:s12] =	ssyncset.done $0x0  }
0x1c: {  	[sflag:s12] =	ssyncadd.s32 $0xFFFFFD80  }
0x1d: {  	[tilespmem:s3], [sflag:$0x2] =	stream.linear.gather [hbm4b:s7+s3], $0x4E00, $0x38;
	[tilespmem:$0x5480] =	vst v63  }
0x1e: {  	_ =	swait.ge [sflag:s12], $0x4E00  }
0x1f: {  	[sflag:s12] =	ssyncset.done $0x0  }
0x20: {  	s18 =	simm.s32 @!p0 $0x0;
	s19 =	simm.s32 @!p0 $0x4E00;
	[sflag:s12] =	ssyncadd.s32 $0xFFFFB200  }
0x21: {  	[tilespmem:s19], [sflag:$0x2] =	stream.linear.gather @!p0 [hbm4b:s8+s18], $0x100, $0x38;
	[tilespmem:$0x5480] =	vst v63  }
0x22: {  	s18 =	simm.s32 @!p0 $0x2  }
0x23: {  	_ =	swait.ge @!p0 [sflag:s18], $0x100  }
0x24: {  	[sflag:s18] =	ssyncset.done @!p0 $0x0  }
0x25: {  	[sflag:s18] =	ssyncadd.s32 @!p0 $0xFFFFFF00  }
0x26: {  	[bflag:$0x0] =	sbarrier.arrive $0xFFFF  }
0x27: {  	v1 =	vld [tilespmem:$0x80]  }
0x28: {  	v2 =	vld [tilespmem:$0x90]  }
0x29: {  	v3 =	vld [tilespmem:$0xA0]  }
0x2a: {  	v5 =	vld [tilespmem:$0xB0]  }
0x2b: {  	v6 =	vld [tilespmem:$0xC0]  }
0x2c: {  	v9 =	vld [tilespmem:$0xD0]  }
0x2d: {  	v58 =	vld [tilespmem:$0xE0];
	_ =	sdelay $0x1  }
0x2e: {  	v4 =	vand.u32 $0x1, v1;
	v55 =	vand.u32 $0x1, v2;
	v1 =	vshrl.u32 v1, $0x1  }
0x2f: {  	v2 =	vshrl.u32 v2, $0x1;
	v8 =	vand.u32 $0x1, v3;
	v3 =	vshrl.u32 v3, $0x1  }
0x30: {  	v57 =	vand.u32 $0x1, v5;
	v59 =	vand.u32 $0x1, v6;
	v5 =	vshrl.u32 v5, $0x1  }
0x31: {  	v61 =	vand.u32 $0x1, v9;
	v63 =	vand.u32 $0x1, v58;
	vm0 =	veq.s32 v4, $0x1  }
0x32: {  	vm9 =	veq.s32 v55, $0x1;
	vm10 =	veq.s32 v8, $0x1;
	vm11 =	veq.s32 v57, $0x1  }
0x33: {  	v60 =	vld [tilespmem:$0xF0];
	vm12 =	veq.s32 v59, $0x1;
	vm13 =	veq.s32 v61, $0x1;
	v7 =	vsel vm0, $0x1400, v0  }
0x34: {  	vm14 =	veq.s32 v63, $0x1;
	v4 =	vsel vm9, $0x1400, v0;
	v1 =	vadd.s32 v1, v7  }
0x35: {  	v56 =	vsel vm10, $0x1400, v0;
	v10 =	vsel vm11, $0x1400, v0;
	v2 =	vadd.s32 v2, v4;
	[tilespmem:$0x80] =	vst v1  }
0x36: {  	v62 =	vsel vm13, $0x1400, v0;
	v3 =	vadd.s32 v3, v56;
	v4 =	vsel vm12, $0x1400, v0;
	[tilespmem:$0x90] =	vst v2  }
0x37: {  	v1 =	vshrl.u32 v6, $0x1;
	v2 =	vadd.s32 v5, v10;
	[tilespmem:$0xA0] =	vst v3;
	v3 =	vshrl.u32 v9, $0x1  }
0x38: {  	v1 =	vadd.s32 v1, v4;
	[tilespmem:$0xB0] =	vst v2;
	v2 =	vadd.s32 v3, v62;
	v3 =	vand.u32 $0x1, v60  }
0x39: {  	[tilespmem:$0xC0] =	vst v1;
	v1 =	vsel vm14, $0x1400, v0;
	vm15 =	veq.s32 v3, $0x1;
	v3 =	vshrl.u32 v58, $0x1  }
0x3a: {  	[tilespmem:$0xD0] =	vst v2;
	v2 =	vshrl.u32 v60, $0x1;
	v1 =	vadd.s32 v3, v1;
	v3 =	vsel vm15, $0x1400, v0  }
0x3b: {  	[tilespmem:$0xE0] =	vst v1;
	v1 =	vadd.s32 v2, v3  }
0x3c: {  	s18 =	simm.s32 $0xFFFFB300;
	[tilespmem:$0xF0] =	vst v1  }
0x3d: {  	[spmem:s1] =	stream.indirect.scatter.add.f32 [tilespmem:s11], [sflag:$0x1], $0x1, s14, s14, $0xb8;
	[tilespmem:$0x5480] =	vst v63  }
0x3e: {  	s19 =	simm.s32 $0xFFFED000;
	v1 =	vld [tilespmem:s18+$0x4EF0]  }
.LBB2_2:
0x3f: {  	p1 =	sne.s32 s19, $0xFFFFFC00;
	v2 =	vld [tilespmem:s18+$0x4ED0];
	s20 =	smov.u32 s19;
	s19 =	sadd.s32 $0x400, s19  }
0x40: {  	v3 =	vld [tilespmem:s18+$0x4EC0]  }
0x41: {  	v4 =	vld [tilespmem:s18+$0x4EA0];
	_ =	sdelay $0x1  }
0x42: {  	v5 =	vld [tilespmem:s18+$0x4E90];
	v6 =	vand.u32 $0x1, v1  }
0x43: {  	v7 =	vld [tilespmem:s18+$0x4EB0];
	v8 =	vshrl.u32 v2, $0x1;
	v2 =	vand.u32 $0x1, v2;
	vm0 =	veq.s32 v6, $0x1  }
0x44: {  	v1 =	vshrl.u32 v1, $0x1;
	vm1 =	veq.s32 v2, $0x1;
	v2 =	vsel vm0, $0x1400, v0  }
0x45: {  	v6 =	vshrl.u32 v4, $0x1;
	v9 =	vsel vm1, $0x1400, v0;
	v1 =	vadd.s32 v1, v2  }
0x46: {  	v10 =	vand.u32 $0x1, v3;
	v4 =	vand.u32 $0x1, v4;
	v2 =	vld [tilespmem:s18+$0x4E80];
	v8 =	vadd.s32 v8, v9  }
0x47: {  	v3 =	vshrl.u32 v3, $0x1;
	vm1 =	veq.s32 v10, $0x1;
	vm0 =	veq.s32 v4, $0x1;
	v4 =	vld [tilespmem:s18+$0x4EE0]  }
0x48: {  	v11 =	vsel vm1, $0x1400, v0;
	v9 =	vshrl.u32 v5, $0x1;
	v10 =	vshrl.u32 v7, $0x1;
	[tilespmem:s18+$0x4EF0] =	vst v1  }
0x49: {  	v3 =	vadd.s32 v3, v11;
	v1 =	vand.u32 $0x1, v5;
	v5 =	vand.u32 $0x1, v7  }
0x4a: {  	vm1 =	veq.s32 v1, $0x1;
	vm2 =	veq.s32 v5, $0x1;
	[tilespmem:s18+$0x4EC0] =	vst v3  }
0x4b: {  	v1 =	vsel vm1, $0x1400, v0;
	v3 =	vsel vm0, $0x1400, v0;
	v5 =	vsel vm2, $0x1400, v0  }
0x4c: {  	v1 =	vadd.s32 v9, v1;
	v5 =	vadd.s32 v10, v5;
	[tilespmem:s18+$0x4ED0] =	vst v8;
	v7 =	vand.u32 $0x1, v4  }
0x4d: {  	v3 =	vadd.s32 v6, v3;
	v8 =	vand.u32 $0x1, v2;
	[tilespmem:s18+$0x4EB0] =	vst v5;
	vm0 =	veq.s32 v7, $0x1  }
0x4e: {  	vm1 =	veq.s32 v8, $0x1;
	[tilespmem:s18+$0x4EA0] =	vst v3;
	v3 =	vshrl.u32 v4, $0x1;
	v4 =	vsel vm0, $0x1400, v0  }
0x4f: {  	v2 =	vshrl.u32 v2, $0x1;
	v5 =	vsel vm1, $0x1400, v0;
	[tilespmem:s18+$0x4E90] =	vst v1;
	v1 =	vadd.s32 v3, v4  }
0x50: {  	v2 =	vadd.s32 v2, v5;
	[tilespmem:s18+$0x4EE0] =	vst v1  }
0x51: {  	s21 =	sadd.s32 $0x4E80, s18;
	[tilespmem:s18+$0x4E80] =	vst v2  }
0x52: {  	[spmem:s1] =	stream.indirect.scatter.add.f32 [tilespmem:s11], [sflag:$0x1], $0x1, s21, s14, $0xb8;
	[tilespmem:$0x5480] =	vst v63  }
.Ltmp0:
0x53: {  	_ = 	snop;
	(pc) =	sbr.rel @p1 .LBB2_2-.Ltmp0, $4  }
0x54: {  	_ =	swait.ge [sflag:s15], $0x80  }
0x55: {  	[sflag:s15] =	ssyncset.done $0x0  }
0x56: {  	s18 =	sshra.s32 s20, $0x2;
	[sflag:s15] =	ssyncadd.s32 $0xFFFFFF80  }
0x57: {  	v1 =	vld [tilespmem:s18+$0x4EF0]  }
0x58: {  	v2 =	vld [tilespmem:s18+$0x4ED0]  }
0x59: {  	v3 =	vld [tilespmem:s18+$0x4EA0]  }
0x5a: {  	v7 =	vld [tilespmem:s18+$0x4EB0]  }
0x5b: {  	v57 =	vld [tilespmem:s18+$0x4EE0]  }
0x5c: {  	v58 =	vld [tilespmem:s18+$0x4E80];
	_ =	sdelay $0x1  }
0x5d: {  	v4 =	vld [tilespmem:s18+$0x4EC0];
	v6 =	vand.u32 $0x1, v1;
	v1 =	vshrl.u32 v1, $0x1;
	v8 =	vshrl.u32 v2, $0x1  }
0x5e: {  	v2 =	vand.u32 $0x1, v2;
	vm0 =	veq.s32 v6, $0x1;
	v56 =	vshrl.u32 v3, $0x1  }
0x5f: {  	v5 =	vld [tilespmem:s18+$0x4E90];
	v10 =	vshrl.u32 v7, $0x1;
	v7 =	vand.u32 $0x1, v7;
	v60 =	vand.u32 $0x1, v57  }
0x60: {  	v61 =	vand.u32 $0x1, v58;
	vm1 =	veq.s32 v2, $0x1;
	v2 =	vsel vm0, $0x1400, v0  }
0x61: {  	vm2 =	veq.s32 v7, $0x1;
	v9 =	vsel vm1, $0x1400, v0;
	v1 =	vadd.s32 v1, v2  }
0x62: {  	v2 =	vand.u32 $0x1, v3;
	v3 =	vand.u32 $0x1, v4;
	v8 =	vadd.s32 v8, v9  }
0x63: {  	vm11 =	veq.s32 v2, $0x1;
	v2 =	vshrl.u32 v4, $0x1;
	vm12 =	veq.s32 v3, $0x1  }
0x64: {  	v3 =	vshrl.u32 v5, $0x1;
	v5 =	vand.u32 $0x1, v5;
	[tilespmem:s18+$0x4EF0] =	vst v1;
	v11 =	vsel vm12, $0x1400, v0  }
0x65: {  	vm13 =	veq.s32 v5, $0x1;
	[tilespmem:s18+$0x4ED0] =	vst v8;
	v1 =	vadd.s32 v2, v11;
	v2 =	vsel vm11, $0x1400, v0  }
0x66: {  	v59 =	vsel vm2, $0x1400, v0;
	[tilespmem:s18+$0x4EC0] =	vst v1;
	v1 =	vsel vm13, $0x1400, v0;
	v2 =	vadd.s32 v56, v2  }
0x67: {  	vm14 =	veq.s32 v60, $0x1;
	v1 =	vadd.s32 v3, v1;
	v3 =	vadd.s32 v10, v59;
	[tilespmem:s18+$0x4EA0] =	vst v2  }
0x68: {  	vm15 =	veq.s32 v61, $0x1;
	v2 =	vshrl.u32 v57, $0x1;
	[tilespmem:s18+$0x4EB0] =	vst v3;
	v3 =	vsel vm14, $0x1400, v0  }
0x69: {  	v62 =	vshrl.u32 v58, $0x1;
	v63 =	vsel vm15, $0x1400, v0;
	[tilespmem:s18+$0x4E90] =	vst v1;
	v1 =	vadd.s32 v2, v3  }
0x6a: {  	v2 =	vadd.s32 v62, v63;
	[tilespmem:s18+$0x4EE0] =	vst v1  }
0x6b: {  	s19 =	sadd.s32 $0x4E80, s18;
	[tilespmem:s18+$0x4E80] =	vst v2  }
0x6c: {  	[spmem:s1] =	stream.indirect.scatter.add.f32 [tilespmem:s11], [sflag:$0x1], $0x1, s19, s14, $0xb8;
	[tilespmem:$0x5480] =	vst v63  }
0x6d: {  	_ =	swait.ge [sflag:s15], $0x80  }
0x6e: {  	[sflag:s15] =	ssyncset.done $0x0  }
0x6f: {  	[sflag:s15] =	ssyncadd.s32 $0xFFFFFF80  }
0x70: {  	_ =	swait.ge [sflag:s15], $0x80  }
0x71: {  	[sflag:s15] =	ssyncset.done $0x0  }
0x72: {  	[sflag:s15] =	ssyncadd.s32 $0xFFFFFF80  }
0x73: {  	v1 =	vld @!p0 [tilespmem:$0x4E80]  }
0x74: {  	v3 =	vld @!p0 [tilespmem:$0x4EA0]  }
0x75: {  	v2 =	vld @!p0 [tilespmem:$0x4E90];
	_ =	sdelay $0x2  }
0x76: {  	v5 =	vld @!p0 [tilespmem:$0x4EB0]  }
0x77: {  	v6 =	vld @!p0 [tilespmem:$0x4EC0];
	v4 =	vand.u32 @!p0 $0x1, v1;
	v1 =	vshrl.u32 @!p0 v1, $0x1;
	v8 =	vand.u32 @!p0 $0x1, v3  }
0x78: {  	v3 =	vshrl.u32 @!p0 v3, $0x1;
	vm0 =	veq.s32 @!p0 v4, $0x1;
	v4 =	vand.u32 @!p0 $0x1, v2  }
0x79: {  	v9 =	vld @!p0 [tilespmem:$0x4ED0];
	v2 =	vshrl.u32 @!p0 v2, $0x1;
	v7 =	vsel @!p0 vm0, $0x1400, v0;
	vm0 =	veq.s32 @!p0 v4, $0x1  }
0x7a: {  	v4 =	vsel @!p0 vm0, $0x1400, v0;
	v1 =	vadd.s32 @!p0 v1, v7;
	vm0 =	veq.s32 @!p0 v8, $0x1  }
0x7b: {  	v7 =	vand.u32 @!p0 $0x1, v5;
	v8 =	vld @!p0 [tilespmem:$0x4EE0];
	v5 =	vshrl.u32 @!p0 v5, $0x1;
	v2 =	vadd.s32 @!p0 v2, v4  }
0x7c: {  	v4 =	vsel @!p0 vm0, $0x1400, v0;
	vm0 =	veq.s32 @!p0 v7, $0x1;
	v7 =	vld @!p0 [tilespmem:$0x4EF0];
	[tilespmem:$0x4E80] =	vst @!p0 v1;
	v1 =	vshrl.u32 @!p0 v6, $0x1  }
0x7d: {  	v3 =	vadd.s32 @!p0 v3, v4;
	v4 =	vand.u32 @!p0 $0x1, v6;
	v10 =	vsel @!p0 vm0, $0x1400, v0  }
0x7e: {  	v6 =	vand.u32 @!p0 $0x1, v9;
	[tilespmem:$0x4E90] =	vst @!p0 v2;
	vm0 =	veq.s32 @!p0 v4, $0x1;
	v2 =	vadd.s32 @!p0 v5, v10  }
0x7f: {  	[tilespmem:$0x4EA0] =	vst @!p0 v3;
	v3 =	vshrl.u32 @!p0 v9, $0x1;
	v4 =	vsel @!p0 vm0, $0x1400, v0;
	vm0 =	veq.s32 @!p0 v6, $0x1  }
0x80: {  	v1 =	vadd.s32 @!p0 v1, v4;
	v4 =	vsel @!p0 vm0, $0x1400, v0;
	v5 =	vand.u32 @!p0 $0x1, v8  }
0x81: {  	[tilespmem:$0x4EB0] =	vst @!p0 v2;
	v2 =	vadd.s32 @!p0 v3, v4;
	vm0 =	veq.s32 @!p0 v5, $0x1;
	v3 =	vand.u32 @!p0 $0x1, v7  }
0x82: {  	[tilespmem:$0x4EC0] =	vst @!p0 v1;
	v1 =	vsel @!p0 vm0, $0x1400, v0;
	vm0 =	veq.s32 @!p0 v3, $0x1;
	v3 =	vshrl.u32 @!p0 v8, $0x1  }
0x83: {  	[tilespmem:$0x4ED0] =	vst @!p0 v2;
	v2 =	vshrl.u32 @!p0 v7, $0x1;
	v1 =	vadd.s32 @!p0 v3, v1;
	v3 =	vsel @!p0 vm0, $0x1400, v0  }
0x84: {  	[tilespmem:$0x4EE0] =	vst @!p0 v1;
	v1 =	vadd.s32 @!p0 v2, v3  }
0x85: {  	[tilespmem:$0x4EF0] =	vst @!p0 v1  }
0x86: {  	[spmem:s1] =	stream.indirect.scatter.add.f32 @!p0 [tilespmem:s11], [sflag:$0x2], $0x1, s16, s14, $0xb8;
	[tilespmem:$0x5480] =	vst v63  }
0x87: {  	_ =	swait.ge @!p0 [sflag:s12], $0x80  }
0x88: {  	[sflag:s12] =	ssyncset.done @!p0 $0x0  }
0x89: {  	[sflag:s12] =	ssyncadd.s32 @!p0 $0xFFFFFF80  }
0x8a: {  	[bflag:$0x0] =	sbarrier.arrive $0xFFFF  }
0x8b: {  	[tilespmem:s13], [sflag:$0x2] =	stream.linear.gather [spmem:s6], $0x280, $0x38;
	[tilespmem:$0x5480] =	vst v63  }
0x8c: {  	s17 =	sadd.s32 $0x1, s17;
	_ =	swait.ge [sflag:s12], $0x280  }
0x8d: {  	p1 =	sne.s32 s17, s10;
	[sflag:s12] =	ssyncset.done $0x0  }
.Ltmp1:
0x8e: {  	[sflag:s12] =	ssyncadd.s32 $0xFFFFFD80;
	(pc) =	sbr.rel @p1 .LBB2_1-.Ltmp1, $4  }
0x8f: {  	[hbm4b:s9+s3] =	stream.linear.scatter [tilespmem:s13], [sflag:$0x2], $0x280, $0x38;
	[tilespmem:$0x5480] =	vst v63  }
0x90: {  	_ =	swait.ge [sflag:s12], $0x280  }
0x91: {  	[sflag:s12] =	ssyncset.done $0x0  }
0x92: {  	[sflag:s12] =	ssyncadd.s32 $0xFFFFFD80  }
0x93: {  	_ =	sfence.sel $0x180000  }
0x94: {  	[bflag:$0x0] =	sbarrier.arrive $0xFFFF  }
0x95: {  	p0 =	sne.s32 s2, $0x0;
	_ =	strace $0x90000047  }
0x96: {  	s0 =	sadd.s32 @!p0 $0x100000, s0;
	[bflag:$0x2] =	sbarrier.arrive $0xFFFF  }
0x97: {  	[sflag:s0] =	ssyncadd.tile.s32 @!p0 $0x1;
	_ =	shalt  }
.Lfunc_end2:
_tile_overlayer_lowered:
.L_overlay_start_2:
0x98: {  	(tag) =	ssettag $0x2  }
0x99: {  	s0 =	rddreg [dreg:$0x0];
	s2 =	stileid.u32  }
0x9a: {  	s1 =	rddreg [dreg:$0x1];
	p0 =	sne.s32 s2, $0x0  }
0x9b: {  	s3 =	rddreg [dreg:$0x2];
	[bflag:$0x3] =	sbarrier.arrive $0xFFFF;
	s2 =	simm.s32 @!p0 $0x1C02  }
0x9c: {  	[timem:s3], [sflag:s2] =	dma.local @!p0 [hbm:s0], s1  }
0x9d: {  	s0 =	simm.s32 @!p0 $0x2  }
0x9e: {  	_ =	swait.ge @!p0 [sflag:s0], s1  }
0x9f: {  	s1 =	ssub.s32 @!p0 $0x0, s1;
	[sflag:s0] =	ssyncset.done @!p0 $0x0  }
0xa0: {  	[sflag:s0] =	ssyncadd.s32 @!p0 s1  }
0xa1: {  	[bflag:$0x3] =	sbarrier.arrive $0xFFFF  }
0xa2: {  	_ =	shalt  }

</sc_bundles>
